<compile_context>
chip_gen: v7x
topology: tpu7x:2x2x1
jax: 0.10.2.dev20260603
libtpu: 0.0.44.dev20260713+nightly
codegen_flags: <defaults>
</compile_context>

<pallas_src>
import functools

import jax
import jax.numpy as jnp
from jax import lax
from jax.experimental import pallas as pl
from jax.experimental.pallas import tpu as pltpu
from jax.experimental.pallas import tpu_sc as plsc

L_SIZE = 2048
EMB = 16
NW = 32
CHUNK = L_SIZE
MROWS_PER_W = L_SIZE // NW
GROUPS = CHUNK // 16


def _sc_lookup(bucket_mtx, table):
  mesh = plsc.VectorSubcoreMesh(core_axis_name="c", subcore_axis_name="s")

  @functools.partial(
      pl.kernel,
      mesh=mesh,
      out_type=jax.ShapeDtypeStruct((L_SIZE, EMB, L_SIZE), jnp.float32),
      compiler_params=pltpu.CompilerParams(needs_layout_passes=False),
      scratch_types=[
          pltpu.VMEM((9, EMB), jnp.float32),
          pltpu.VMEM((16 * EMB,), jnp.float32),
          pltpu.VMEM((1, CHUNK), jnp.int32),
          pltpu.VMEM((1, CHUNK), jnp.int32),
          pltpu.VMEM((1, EMB, CHUNK), jnp.float32),
          pltpu.VMEM((1, EMB, CHUNK), jnp.float32),
          pltpu.SemaphoreType.DMA,
          pltpu.SemaphoreType.DMA,
          pltpu.SemaphoreType.DMA,
          pltpu.SemaphoreType.DMA,
      ],
  )
  def k(idx_hbm, tab_hbm, out_hbm, tab2d_v, tab_flat, idx_v0, idx_v1,
        out_v0, out_v1, sem0, sem1, isem0, isem1):
    wid = lax.axis_index("s") * 2 + lax.axis_index("c")
    wbase = wid * MROWS_PER_W
    idx_bufs = (idx_v0, idx_v1)
    out_bufs = (out_v0, out_v1)
    sems = (sem0, sem1)
    isems = (isem0, isem1)

    pltpu.sync_copy(tab_hbm, tab2d_v)
    zeros = jnp.zeros((16,), jnp.float32)
    for e in range(9, 16):
      tab_flat[pl.ds(e * EMB, EMB)] = zeros
    for e in range(9):
      tab_flat[pl.ds(e * EMB, EMB)] = tab2d_v[e, :]
    lane = lax.iota(jnp.int32, 16)
    tcols = [
        plsc.load_gather(tab_flat, [lane * EMB + k]) for k in range(EMB)
    ]

    def compute_chunk(slot):
      ib = idx_bufs[slot]
      v0 = ib[0, pl.ds(0, 16)]

      def grp(g2, v_cur):
        nxt = lax.min((g2 + 1) * 16, (GROUPS - 1) * 16)
        v_next = ib[0, pl.ds(nxt, 16)]
        for k in range(EMB):
          col = jnp.take_along_axis(tcols[k], v_cur, axis=0)
          out_bufs[slot][0, k, pl.ds(g2 * 16, 16)] = col
        return v_next

      lax.fori_loop(0, GROUPS, grp, v0, unroll=4)

    for slot in range(2):
      pltpu.async_copy(
          idx_hbm.at[pl.ds(wbase + slot, 1)], idx_bufs[slot], isems[slot]
      )

    def body(t, carry):
      for slot in range(2):
        mrow = wbase + t * 2 + slot

        pltpu.make_async_copy(
            idx_hbm.at[pl.ds(mrow, 1)], idx_bufs[slot], isems[slot]
        ).wait()

        @pl.when(t > 0)
        def _wait():
          pltpu.make_async_copy(
              out_bufs[slot], out_hbm.at[pl.ds(mrow - 2, 1)], sems[slot]
          ).wait()

        compute_chunk(slot)

        @pl.when(mrow + 2 < wbase + MROWS_PER_W)
        def _prefetch():
          pltpu.async_copy(
              idx_hbm.at[pl.ds(mrow + 2, 1)], idx_bufs[slot], isems[slot]
          )

        pltpu.async_copy(
            out_bufs[slot], out_hbm.at[pl.ds(mrow, 1)], sems[slot]
        )
      return carry

    lax.fori_loop(0, MROWS_PER_W // 2, body, 0)

    for slot in range(2):
      mrow = wbase + MROWS_PER_W - 2 + slot
      pltpu.make_async_copy(
          out_bufs[slot], out_hbm.at[pl.ds(mrow, 1)], sems[slot]
      ).wait()

  return k(bucket_mtx, table)


def kernel(bucket_mtx, embeddings_table):
  out = _sc_lookup(bucket_mtx, embeddings_table)
  return jnp.transpose(out, (0, 2, 1))

# --- scband reference (transcript-rebuilt; emitter-appended) ---
"""Pipeline reference for scband-relative-position3-d-49117245997573 (READ-ONLY COPY).

The authoritative reference and input builder live on the scoring server;
editing this copy changes nothing except your own understanding.
"""

import jax, jax.numpy as jnp
import numpy as np

L = 2048
NUM_EMBEDDINGS = 9  # clipping_threshold + 1
EMBEDDING_LEN = 16


def setup_inputs(seed: int = 0) -> dict:
    key = jax.random.key(seed)
    k1, k2 = jax.random.split(key)
    # bucket matrix of shortest-path-length buckets, values in [0, clipping_threshold]
    bucket_mtx = jax.random.randint(k1, (L, L), 0, NUM_EMBEDDINGS, dtype=jnp.int32)
    # nn.Embedding default init: N(0, 1)
    embeddings_table = jax.random.normal(k2, (NUM_EMBEDDINGS, EMBEDDING_LEN), dtype=jnp.float32)
    return {"bucket_mtx": bucket_mtx, "embeddings_table": embeddings_table}


def reference(bucket_mtx, embeddings_table):
    # embeddings = self.embeddings_table(bucket_mtx)  -> gather rows of the table
    embeddings = jnp.take(embeddings_table, bucket_mtx, axis=0)  # [L, L, embedding_len]
    return embeddings

if __name__ == "__main__":
    import jax
    _d = setup_inputs()
    print(jax.jit(kernel)(*tuple(_d.values())))

</pallas_src>

<mosaic_0001>
#map = affine_map<(d0, d1) -> (0, 0)>
#map1 = affine_map<(d0, d1) -> (0, 0, 0)>
module attributes {stable_mosaic.version = 14 : i64} {
  func.func @k(%arg0: i32, %arg1: i32, %arg2: memref<2048x2048xi32, #tpu.memory_space<hbm>>, %arg3: memref<9x16xf32, #tpu.memory_space<hbm>>, %arg4: memref<2048x16x2048xf32, #tpu.memory_space<hbm>>, %arg5: memref<9x16xf32, #tpu.memory_space<vmem>>, %arg6: memref<256xf32, #tpu.memory_space<vmem>>, %arg7: memref<1x2048xi32, #tpu.memory_space<vmem>>, %arg8: memref<1x2048xi32, #tpu.memory_space<vmem>>, %arg9: memref<1x16x2048xf32, #tpu.memory_space<vmem>>, %arg10: memref<1x16x2048xf32, #tpu.memory_space<vmem>>, %arg11: memref<!tpu.dma_semaphore, #tpu.memory_space<semaphore_mem>>, %arg12: memref<!tpu.dma_semaphore, #tpu.memory_space<semaphore_mem>>, %arg13: memref<!tpu.dma_semaphore, #tpu.memory_space<semaphore_mem>>, %arg14: memref<!tpu.dma_semaphore, #tpu.memory_space<semaphore_mem>>) attributes {dimension_semantics = [#tpu.dimension_semantics<core_parallel>, #tpu.dimension_semantics<subcore_parallel>], iteration_bounds = array<i64: 2, 16>, scalar_prefetch = 0 : i64, scratch_operands = 10 : i64, tpu.core_type = #tpu.core_type<sc_vector_subcore>, window_params = [{transform_indices = #map}, {transform_indices = #map}, {transform_indices = #map1}]} {
    %mul3A = arith.constant 2 : i32
    %mul3A_0 = arith.muli %arg1, %mul3A : i32
    %add3A = arith.addi %mul3A_0, %arg0 : i32
    %mul3A_1 = arith.constant 64 : i32
    %mul3A_2 = arith.muli %add3A, %mul3A_1 : i32
    "tpu.region"() ({
      %run_scoped3A = tpu.sem_alloc : memref<!tpu.dma_semaphore, #tpu.memory_space<semaphore_mem>>
      tpu.enqueue_dma source(%arg3 : memref<9x16xf32, #tpu.memory_space<hbm>>) target(%arg5 : memref<9x16xf32, #tpu.memory_space<vmem>>) target_semaphore(%run_scoped3A : memref<!tpu.dma_semaphore, #tpu.memory_space<semaphore_mem>>)
      tpu.wait_dma2 semaphore(%run_scoped3A : memref<!tpu.dma_semaphore, #tpu.memory_space<semaphore_mem>>) src(%arg3 : memref<9x16xf32, #tpu.memory_space<hbm>>) dst(%arg5 : memref<9x16xf32, #tpu.memory_space<vmem>>)
      tpu.yield
    }) : () -> ()
    %broadcast_in_dim3A = arith.constant 0.000000e+00 : f32
    %broadcast_in_dim3A_3 = vector.broadcast %broadcast_in_dim3A : f32 to vector<16xf32>
    %swap3A = arith.constant 144 : index
    %swap3A_4 = tpu.vector_load %arg6[%swap3A] {strides = array<i32>} : memref<256xf32, #tpu.memory_space<vmem>>, vector<16xf32>,
    tpu.vector_store %arg6[%swap3A], %broadcast_in_dim3A_3 {strides = array<i32>} : memref<256xf32, #tpu.memory_space<vmem>>, vector<16xf32>,
    %swap3A_5 = arith.constant 160 : index
    %swap3A_6 = tpu.vector_load %arg6[%swap3A_5] {strides = array<i32>} : memref<256xf32, #tpu.memory_space<vmem>>, vector<16xf32>,
    tpu.vector_store %arg6[%swap3A_5], %broadcast_in_dim3A_3 {strides = array<i32>} : memref<256xf32, #tpu.memory_space<vmem>>, vector<16xf32>,
    %swap3A_7 = arith.constant 176 : index
    %swap3A_8 = tpu.vector_load %arg6[%swap3A_7] {strides = array<i32>} : memref<256xf32, #tpu.memory_space<vmem>>, vector<16xf32>,
    tpu.vector_store %arg6[%swap3A_7], %broadcast_in_dim3A_3 {strides = array<i32>} : memref<256xf32, #tpu.memory_space<vmem>>, vector<16xf32>,
    %swap3A_9 = arith.constant 192 : index
    %swap3A_10 = tpu.vector_load %arg6[%swap3A_9] {strides = array<i32>} : memref<256xf32, #tpu.memory_space<vmem>>, vector<16xf32>,
    tpu.vector_store %arg6[%swap3A_9], %broadcast_in_dim3A_3 {strides = array<i32>} : memref<256xf32, #tpu.memory_space<vmem>>, vector<16xf32>,
    %swap3A_11 = arith.constant 208 : index
    %swap3A_12 = tpu.vector_load %arg6[%swap3A_11] {strides = array<i32>} : memref<256xf32, #tpu.memory_space<vmem>>, vector<16xf32>,
    tpu.vector_store %arg6[%swap3A_11], %broadcast_in_dim3A_3 {strides = array<i32>} : memref<256xf32, #tpu.memory_space<vmem>>, vector<16xf32>,
    %swap3A_13 = arith.constant 224 : index
    %swap3A_14 = tpu.vector_load %arg6[%swap3A_13] {strides = array<i32>} : memref<256xf32, #tpu.memory_space<vmem>>, vector<16xf32>,
    tpu.vector_store %arg6[%swap3A_13], %broadcast_in_dim3A_3 {strides = array<i32>} : memref<256xf32, #tpu.memory_space<vmem>>, vector<16xf32>,
    %swap3A_15 = arith.constant 240 : index
    %swap3A_16 = tpu.vector_load %arg6[%swap3A_15] {strides = array<i32>} : memref<256xf32, #tpu.memory_space<vmem>>, vector<16xf32>,
    tpu.vector_store %arg6[%swap3A_15], %broadcast_in_dim3A_3 {strides = array<i32>} : memref<256xf32, #tpu.memory_space<vmem>>, vector<16xf32>,
    %get3A = arith.constant 0 : i32
    %get3A_17 = arith.index_cast %get3A : i32 to index
    %get3A_18 = arith.constant 0 : index
    %get3A_19 = tpu.vector_load %arg5[%get3A_17, %get3A_18] {strides = array<i32>} : memref<9x16xf32, #tpu.memory_space<vmem>>, vector<16xf32>,
    %swap3A_20 = arith.constant 0 : index
    %swap3A_21 = tpu.vector_load %arg6[%swap3A_20] {strides = array<i32>} : memref<256xf32, #tpu.memory_space<vmem>>, vector<16xf32>,
    tpu.vector_store %arg6[%swap3A_20], %get3A_19 {strides = array<i32>} : memref<256xf32, #tpu.memory_space<vmem>>, vector<16xf32>,
    %get3A_22 = arith.constant 1 : i32
    %get3A_23 = arith.index_cast %get3A_22 : i32 to index
    %get3A_24 = arith.constant 0 : index
    %get3A_25 = tpu.vector_load %arg5[%get3A_23, %get3A_24] {strides = array<i32>} : memref<9x16xf32, #tpu.memory_space<vmem>>, vector<16xf32>,
    %swap3A_26 = arith.constant 16 : index
    %swap3A_27 = tpu.vector_load %arg6[%swap3A_26] {strides = array<i32>} : memref<256xf32, #tpu.memory_space<vmem>>, vector<16xf32>,
    tpu.vector_store %arg6[%swap3A_26], %get3A_25 {strides = array<i32>} : memref<256xf32, #tpu.memory_space<vmem>>, vector<16xf32>,
    %get3A_28 = arith.constant 2 : i32
    %get3A_29 = arith.index_cast %get3A_28 : i32 to index
    %get3A_30 = arith.constant 0 : index
    %get3A_31 = tpu.vector_load %arg5[%get3A_29, %get3A_30] {strides = array<i32>} : memref<9x16xf32, #tpu.memory_space<vmem>>, vector<16xf32>,
    %swap3A_32 = arith.constant 32 : index
    %swap3A_33 = tpu.vector_load %arg6[%swap3A_32] {strides = array<i32>} : memref<256xf32, #tpu.memory_space<vmem>>, vector<16xf32>,
    tpu.vector_store %arg6[%swap3A_32], %get3A_31 {strides = array<i32>} : memref<256xf32, #tpu.memory_space<vmem>>, vector<16xf32>,
    %get3A_34 = arith.constant 3 : i32
    %get3A_35 = arith.index_cast %get3A_34 : i32 to index
    %get3A_36 = arith.constant 0 : index
    %get3A_37 = tpu.vector_load %arg5[%get3A_35, %get3A_36] {strides = array<i32>} : memref<9x16xf32, #tpu.memory_space<vmem>>, vector<16xf32>,
    %swap3A_38 = arith.constant 48 : index
    %swap3A_39 = tpu.vector_load %arg6[%swap3A_38] {strides = array<i32>} : memref<256xf32, #tpu.memory_space<vmem>>, vector<16xf32>,
    tpu.vector_store %arg6[%swap3A_38], %get3A_37 {strides = array<i32>} : memref<256xf32, #tpu.memory_space<vmem>>, vector<16xf32>,
    %get3A_40 = arith.constant 4 : i32
    %get3A_41 = arith.index_cast %get3A_40 : i32 to index
    %get3A_42 = arith.constant 0 : index
    %get3A_43 = tpu.vector_load %arg5[%get3A_41, %get3A_42] {strides = array<i32>} : memref<9x16xf32, #tpu.memory_space<vmem>>, vector<16xf32>,
    %swap3A_44 = arith.constant 64 : index
    %swap3A_45 = tpu.vector_load %arg6[%swap3A_44] {strides = array<i32>} : memref<256xf32, #tpu.memory_space<vmem>>, vector<16xf32>,
    tpu.vector_store %arg6[%swap3A_44], %get3A_43 {strides = array<i32>} : memref<256xf32, #tpu.memory_space<vmem>>, vector<16xf32>,
    %get3A_46 = arith.constant 5 : i32
    %get3A_47 = arith.index_cast %get3A_46 : i32 to index
    %get3A_48 = arith.constant 0 : index
    %get3A_49 = tpu.vector_load %arg5[%get3A_47, %get3A_48] {strides = array<i32>} : memref<9x16xf32, #tpu.memory_space<vmem>>, vector<16xf32>,
    %swap3A_50 = arith.constant 80 : index
    %swap3A_51 = tpu.vector_load %arg6[%swap3A_50] {strides = array<i32>} : memref<256xf32, #tpu.memory_space<vmem>>, vector<16xf32>,
    tpu.vector_store %arg6[%swap3A_50], %get3A_49 {strides = array<i32>} : memref<256xf32, #tpu.memory_space<vmem>>, vector<16xf32>,
    %get3A_52 = arith.constant 6 : i32
    %get3A_53 = arith.index_cast %get3A_52 : i32 to index
    %get3A_54 = arith.constant 0 : index
    %get3A_55 = tpu.vector_load %arg5[%get3A_53, %get3A_54] {strides = array<i32>} : memref<9x16xf32, #tpu.memory_space<vmem>>, vector<16xf32>,
    %swap3A_56 = arith.constant 96 : index
    %swap3A_57 = tpu.vector_load %arg6[%swap3A_56] {strides = array<i32>} : memref<256xf32, #tpu.memory_space<vmem>>, vector<16xf32>,
    tpu.vector_store %arg6[%swap3A_56], %get3A_55 {strides = array<i32>} : memref<256xf32, #tpu.memory_space<vmem>>, vector<16xf32>,
    %get3A_58 = arith.constant 7 : i32
    %get3A_59 = arith.index_cast %get3A_58 : i32 to index
    %get3A_60 = arith.constant 0 : index
    %get3A_61 = tpu.vector_load %arg5[%get3A_59, %get3A_60] {strides = array<i32>} : memref<9x16xf32, #tpu.memory_space<vmem>>, vector<16xf32>,
    %swap3A_62 = arith.constant 112 : index
    %swap3A_63 = tpu.vector_load %arg6[%swap3A_62] {strides = array<i32>} : memref<256xf32, #tpu.memory_space<vmem>>, vector<16xf32>,
    tpu.vector_store %arg6[%swap3A_62], %get3A_61 {strides = array<i32>} : memref<256xf32, #tpu.memory_space<vmem>>, vector<16xf32>,
    %get3A_64 = arith.constant 8 : i32
    %get3A_65 = arith.index_cast %get3A_64 : i32 to index
    %get3A_66 = arith.constant 0 : index
    %get3A_67 = tpu.vector_load %arg5[%get3A_65, %get3A_66] {strides = array<i32>} : memref<9x16xf32, #tpu.memory_space<vmem>>, vector<16xf32>,
    %swap3A_68 = arith.constant 128 : index
    %swap3A_69 = tpu.vector_load %arg6[%swap3A_68] {strides = array<i32>} : memref<256xf32, #tpu.memory_space<vmem>>, vector<16xf32>,
    tpu.vector_store %arg6[%swap3A_68], %get3A_67 {strides = array<i32>} : memref<256xf32, #tpu.memory_space<vmem>>, vector<16xf32>,
    %iota3A = tpu.iota {dimensions = array<i32: 0>} : vector<16xi32>
    %mul3A_70 = arith.constant 16 : i32
    %mul3A_71 = vector.broadcast %mul3A_70 : i32 to vector<16xi32>
    %mul3A_72 = arith.muli %iota3A, %mul3A_71 : vector<16xi32>
    %add3A_73 = arith.constant 0 : i32
    %add3A_74 = vector.broadcast %add3A_73 : i32 to vector<16xi32>
    %add3A_75 = arith.addi %mul3A_72, %add3A_74 : vector<16xi32>
    %gather3A = tpu.vector_load_idx %arg6[%add3A_75] : memref<256xf32, #tpu.memory_space<vmem>>[vector<16xi32>], vector<16xf32>,
    %mul3A_76 = arith.constant 16 : i32
    %mul3A_77 = vector.broadcast %mul3A_76 : i32 to vector<16xi32>
    %mul3A_78 = arith.muli %iota3A, %mul3A_77 : vector<16xi32>
    %add3A_79 = arith.constant 1 : i32
    %add3A_80 = vector.broadcast %add3A_79 : i32 to vector<16xi32>
    %add3A_81 = arith.addi %mul3A_78, %add3A_80 : vector<16xi32>
    %gather3A_82 = tpu.vector_load_idx %arg6[%add3A_81] : memref<256xf32, #tpu.memory_space<vmem>>[vector<16xi32>], vector<16xf32>,
    %mul3A_83 = arith.constant 16 : i32
    %mul3A_84 = vector.broadcast %mul3A_83 : i32 to vector<16xi32>
    %mul3A_85 = arith.muli %iota3A, %mul3A_84 : vector<16xi32>
    %add3A_86 = arith.constant 2 : i32
    %add3A_87 = vector.broadcast %add3A_86 : i32 to vector<16xi32>
    %add3A_88 = arith.addi %mul3A_85, %add3A_87 : vector<16xi32>
    %gather3A_89 = tpu.vector_load_idx %arg6[%add3A_88] : memref<256xf32, #tpu.memory_space<vmem>>[vector<16xi32>], vector<16xf32>,
    %mul3A_90 = arith.constant 16 : i32
    %mul3A_91 = vector.broadcast %mul3A_90 : i32 to vector<16xi32>
    %mul3A_92 = arith.muli %iota3A, %mul3A_91 : vector<16xi32>
    %add3A_93 = arith.constant 3 : i32
    %add3A_94 = vector.broadcast %add3A_93 : i32 to vector<16xi32>
    %add3A_95 = arith.addi %mul3A_92, %add3A_94 : vector<16xi32>
    %gather3A_96 = tpu.vector_load_idx %arg6[%add3A_95] : memref<256xf32, #tpu.memory_space<vmem>>[vector<16xi32>], vector<16xf32>,
    %mul3A_97 = arith.constant 16 : i32
    %mul3A_98 = vector.broadcast %mul3A_97 : i32 to vector<16xi32>
    %mul3A_99 = arith.muli %iota3A, %mul3A_98 : vector<16xi32>
    %add3A_100 = arith.constant 4 : i32
    %add3A_101 = vector.broadcast %add3A_100 : i32 to vector<16xi32>
    %add3A_102 = arith.addi %mul3A_99, %add3A_101 : vector<16xi32>
    %gather3A_103 = tpu.vector_load_idx %arg6[%add3A_102] : memref<256xf32, #tpu.memory_space<vmem>>[vector<16xi32>], vector<16xf32>,
    %mul3A_104 = arith.constant 16 : i32
    %mul3A_105 = vector.broadcast %mul3A_104 : i32 to vector<16xi32>
    %mul3A_106 = arith.muli %iota3A, %mul3A_105 : vector<16xi32>
    %add3A_107 = arith.constant 5 : i32
    %add3A_108 = vector.broadcast %add3A_107 : i32 to vector<16xi32>
    %add3A_109 = arith.addi %mul3A_106, %add3A_108 : vector<16xi32>
    %gather3A_110 = tpu.vector_load_idx %arg6[%add3A_109] : memref<256xf32, #tpu.memory_space<vmem>>[vector<16xi32>], vector<16xf32>,
    %mul3A_111 = arith.constant 16 : i32
    %mul3A_112 = vector.broadcast %mul3A_111 : i32 to vector<16xi32>
    %mul3A_113 = arith.muli %iota3A, %mul3A_112 : vector<16xi32>
    %add3A_114 = arith.constant 6 : i32
    %add3A_115 = vector.broadcast %add3A_114 : i32 to vector<16xi32>
    %add3A_116 = arith.addi %mul3A_113, %add3A_115 : vector<16xi32>
    %gather3A_117 = tpu.vector_load_idx %arg6[%add3A_116] : memref<256xf32, #tpu.memory_space<vmem>>[vector<16xi32>], vector<16xf32>,
    %mul3A_118 = arith.constant 16 : i32
    %mul3A_119 = vector.broadcast %mul3A_118 : i32 to vector<16xi32>
    %mul3A_120 = arith.muli %iota3A, %mul3A_119 : vector<16xi32>
    %add3A_121 = arith.constant 7 : i32
    %add3A_122 = vector.broadcast %add3A_121 : i32 to vector<16xi32>
    %add3A_123 = arith.addi %mul3A_120, %add3A_122 : vector<16xi32>
    %gather3A_124 = tpu.vector_load_idx %arg6[%add3A_123] : memref<256xf32, #tpu.memory_space<vmem>>[vector<16xi32>], vector<16xf32>,
    %mul3A_125 = arith.constant 16 : i32
    %mul3A_126 = vector.broadcast %mul3A_125 : i32 to vector<16xi32>
    %mul3A_127 = arith.muli %iota3A, %mul3A_126 : vector<16xi32>
    %add3A_128 = arith.constant 8 : i32
    %add3A_129 = vector.broadcast %add3A_128 : i32 to vector<16xi32>
    %add3A_130 = arith.addi %mul3A_127, %add3A_129 : vector<16xi32>
    %gather3A_131 = tpu.vector_load_idx %arg6[%add3A_130] : memref<256xf32, #tpu.memory_space<vmem>>[vector<16xi32>], vector<16xf32>,
    %mul3A_132 = arith.constant 16 : i32
    %mul3A_133 = vector.broadcast %mul3A_132 : i32 to vector<16xi32>
    %mul3A_134 = arith.muli %iota3A, %mul3A_133 : vector<16xi32>
    %add3A_135 = arith.constant 9 : i32
    %add3A_136 = vector.broadcast %add3A_135 : i32 to vector<16xi32>
    %add3A_137 = arith.addi %mul3A_134, %add3A_136 : vector<16xi32>
    %gather3A_138 = tpu.vector_load_idx %arg6[%add3A_137] : memref<256xf32, #tpu.memory_space<vmem>>[vector<16xi32>], vector<16xf32>,
    %mul3A_139 = arith.constant 16 : i32
    %mul3A_140 = vector.broadcast %mul3A_139 : i32 to vector<16xi32>
    %mul3A_141 = arith.muli %iota3A, %mul3A_140 : vector<16xi32>
    %add3A_142 = arith.constant 10 : i32
    %add3A_143 = vector.broadcast %add3A_142 : i32 to vector<16xi32>
    %add3A_144 = arith.addi %mul3A_141, %add3A_143 : vector<16xi32>
    %gather3A_145 = tpu.vector_load_idx %arg6[%add3A_144] : memref<256xf32, #tpu.memory_space<vmem>>[vector<16xi32>], vector<16xf32>,
    %mul3A_146 = arith.constant 16 : i32
    %mul3A_147 = vector.broadcast %mul3A_146 : i32 to vector<16xi32>
    %mul3A_148 = arith.muli %iota3A, %mul3A_147 : vector<16xi32>
    %add3A_149 = arith.constant 11 : i32
    %add3A_150 = vector.broadcast %add3A_149 : i32 to vector<16xi32>
    %add3A_151 = arith.addi %mul3A_148, %add3A_150 : vector<16xi32>
    %gather3A_152 = tpu.vector_load_idx %arg6[%add3A_151] : memref<256xf32, #tpu.memory_space<vmem>>[vector<16xi32>], vector<16xf32>,
    %mul3A_153 = arith.constant 16 : i32
    %mul3A_154 = vector.broadcast %mul3A_153 : i32 to vector<16xi32>
    %mul3A_155 = arith.muli %iota3A, %mul3A_154 : vector<16xi32>
    %add3A_156 = arith.constant 12 : i32
    %add3A_157 = vector.broadcast %add3A_156 : i32 to vector<16xi32>
    %add3A_158 = arith.addi %mul3A_155, %add3A_157 : vector<16xi32>
    %gather3A_159 = tpu.vector_load_idx %arg6[%add3A_158] : memref<256xf32, #tpu.memory_space<vmem>>[vector<16xi32>], vector<16xf32>,
    %mul3A_160 = arith.constant 16 : i32
    %mul3A_161 = vector.broadcast %mul3A_160 : i32 to vector<16xi32>
    %mul3A_162 = arith.muli %iota3A, %mul3A_161 : vector<16xi32>
    %add3A_163 = arith.constant 13 : i32
    %add3A_164 = vector.broadcast %add3A_163 : i32 to vector<16xi32>
    %add3A_165 = arith.addi %mul3A_162, %add3A_164 : vector<16xi32>
    %gather3A_166 = tpu.vector_load_idx %arg6[%add3A_165] : memref<256xf32, #tpu.memory_space<vmem>>[vector<16xi32>], vector<16xf32>,
    %mul3A_167 = arith.constant 16 : i32
    %mul3A_168 = vector.broadcast %mul3A_167 : i32 to vector<16xi32>
    %mul3A_169 = arith.muli %iota3A, %mul3A_168 : vector<16xi32>
    %add3A_170 = arith.constant 14 : i32
    %add3A_171 = vector.broadcast %add3A_170 : i32 to vector<16xi32>
    %add3A_172 = arith.addi %mul3A_169, %add3A_171 : vector<16xi32>
    %gather3A_173 = tpu.vector_load_idx %arg6[%add3A_172] : memref<256xf32, #tpu.memory_space<vmem>>[vector<16xi32>], vector<16xf32>,
    %mul3A_174 = arith.constant 16 : i32
    %mul3A_175 = vector.broadcast %mul3A_174 : i32 to vector<16xi32>
    %mul3A_176 = arith.muli %iota3A, %mul3A_175 : vector<16xi32>
    %add3A_177 = arith.constant 15 : i32
    %add3A_178 = vector.broadcast %add3A_177 : i32 to vector<16xi32>
    %add3A_179 = arith.addi %mul3A_176, %add3A_178 : vector<16xi32>
    %gather3A_180 = tpu.vector_load_idx %arg6[%add3A_179] : memref<256xf32, #tpu.memory_space<vmem>>[vector<16xi32>], vector<16xf32>,
    %add3A_181 = arith.constant 0 : i32
    %add3A_182 = arith.addi %mul3A_2, %add3A_181 : i32
    %dma_start3A = arith.constant 0 : i32
    %dma_start3A_183 = tpu.memref_slice %arg2[%add3A_182, %dma_start3A] : memref<2048x2048xi32, #tpu.memory_space<hbm>> -> memref<1x2048xi32, #tpu.memory_space<hbm>>
    %dma_start3A_184 = arith.constant 0 : i32
    %dma_start3A_185 = tpu.memref_slice %arg2[%add3A_182, %dma_start3A_184] : memref<2048x2048xi32, #tpu.memory_space<hbm>> -> memref<1x2048xi32, #tpu.memory_space<hbm>>
    tpu.enqueue_dma source(%dma_start3A_185 : memref<1x2048xi32, #tpu.memory_space<hbm>>) target(%arg7 : memref<1x2048xi32, #tpu.memory_space<vmem>>) target_semaphore(%arg13 : memref<!tpu.dma_semaphore, #tpu.memory_space<semaphore_mem>>)
    %add3A_186 = arith.constant 1 : i32
    %add3A_187 = arith.addi %mul3A_2, %add3A_186 : i32
    %dma_start3A_188 = arith.constant 0 : i32
    %dma_start3A_189 = tpu.memref_slice %arg2[%add3A_187, %dma_start3A_188] : memref<2048x2048xi32, #tpu.memory_space<hbm>> -> memref<1x2048xi32, #tpu.memory_space<hbm>>
    %dma_start3A_190 = arith.constant 0 : i32
    %dma_start3A_191 = tpu.memref_slice %arg2[%add3A_187, %dma_start3A_190] : memref<2048x2048xi32, #tpu.memory_space<hbm>> -> memref<1x2048xi32, #tpu.memory_space<hbm>>
    tpu.enqueue_dma source(%dma_start3A_191 : memref<1x2048xi32, #tpu.memory_space<hbm>>) target(%arg8 : memref<1x2048xi32, #tpu.memory_space<vmem>>) target_semaphore(%arg14 : memref<!tpu.dma_semaphore, #tpu.memory_space<semaphore_mem>>)
    %scan3A = arith.constant 0 : i32
    %scan3A_192 = arith.constant 0 : i32
    %scan3A_193 = arith.constant 32 : i32
    %scan3A_194 = arith.addi %scan3A_192, %scan3A_193 : i32
    %scan3A_195 = arith.constant 1 : i32
    scf.for %scan3A_219 = %scan3A_192 to %scan3A_194 step %scan3A_195  : i32 {
      %mul3A_220 = arith.constant 2 : i32
      %mul3A_221 = arith.muli %scan3A_219, %mul3A_220 : i32
      %add3A_222 = arith.addi %mul3A_2, %mul3A_221 : i32
      %add3A_223 = arith.constant 0 : i32
      %add3A_224 = arith.addi %add3A_222, %add3A_223 : i32
      %dma_wait3A_225 = arith.constant 0 : i32
      %dma_wait3A_226 = tpu.memref_slice %arg2[%add3A_224, %dma_wait3A_225] : memref<2048x2048xi32, #tpu.memory_space<hbm>> -> memref<1x2048xi32, #tpu.memory_space<hbm>>
      %dma_wait3A_227 = arith.constant 0 : i32
      %dma_wait3A_228 = tpu.memref_slice %arg2[%add3A_224, %dma_wait3A_227] : memref<2048x2048xi32, #tpu.memory_space<hbm>> -> memref<1x2048xi32, #tpu.memory_space<hbm>>
      tpu.wait_dma2 semaphore(%arg13 : memref<!tpu.dma_semaphore, #tpu.memory_space<semaphore_mem>>) src(%dma_wait3A_228 : memref<1x2048xi32, #tpu.memory_space<hbm>>) dst(%arg7 : memref<1x2048xi32, #tpu.memory_space<vmem>>)
      %gt3A = arith.constant 0 : i32
      %gt3A_229 = arith.cmpi sgt, %scan3A_219, %gt3A : i32
      %convert_element_type3A = arith.extui %gt3A_229 : i1 to i32
      %cond3A = arith.constant 0 : i32
      %cond3A_230 = arith.cmpi ne, %convert_element_type3A, %cond3A : i32
      scf.if %cond3A_230 {
        %sub3A_292 = arith.constant 2 : i32
        %sub3A_293 = arith.subi %add3A_224, %sub3A_292 : i32
        %dma_wait3A_294 = arith.constant 0 : i32
        %dma_wait3A_295 = arith.constant 0 : i32
        %dma_wait3A_296 = tpu.memref_slice %arg4[%sub3A_293, %dma_wait3A_294, %dma_wait3A_295] : memref<2048x16x2048xf32, #tpu.memory_space<hbm>> -> memref<1x16x2048xf32, #tpu.memory_space<hbm>>
        %dma_wait3A_297 = arith.constant 0 : i32
        %dma_wait3A_298 = arith.constant 0 : i32
        %dma_wait3A_299 = tpu.memref_slice %arg4[%sub3A_293, %dma_wait3A_297, %dma_wait3A_298] : memref<2048x16x2048xf32, #tpu.memory_space<hbm>> -> memref<1x16x2048xf32, #tpu.memory_space<hbm>>
        tpu.wait_dma2 semaphore(%arg11 : memref<!tpu.dma_semaphore, #tpu.memory_space<semaphore_mem>>) src(%arg9 : memref<1x16x2048xf32, #tpu.memory_space<vmem>>) dst(%dma_wait3A_299 : memref<1x16x2048xf32, #tpu.memory_space<hbm>>)
      } else {
      }
      %get3A_231 = arith.constant 0 : i32
      %get3A_232 = arith.index_cast %get3A_231 : i32 to index
      %get3A_233 = arith.constant 0 : index
      %get3A_234 = tpu.vector_load %arg7[%get3A_232, %get3A_233] {strides = array<i32>} : memref<1x2048xi32, #tpu.memory_space<vmem>>, vector<16xi32>,
      %scan3A_235 = arith.constant 0 : i32
      %scan3A_236 = arith.constant 128 : i32
      %scan3A_237 = arith.addi %scan3A_235, %scan3A_236 : i32
      %scan3A_238 = arith.constant 4 : i32
      %scan3A_239 = scf.for %scan3A_292 = %scan3A_235 to %scan3A_237 step %scan3A_238 iter_args(%scan3A_293 = %get3A_234) -> (vector<16xi32>)  : i32 {
        %add3A_294 = arith.constant 1 : i32
        %add3A_295 = arith.addi %scan3A_292, %add3A_294 : i32
        %mul3A_296 = arith.constant 16 : i32
        %mul3A_297 = arith.muli %add3A_295, %mul3A_296 : i32
        %min3A = arith.constant 2032 : i32
        %min3A_298 = arith.minsi %mul3A_297, %min3A : i32
        %get3A_299 = arith.constant 0 : i32
        %get3A_300 = arith.index_cast %get3A_299 : i32 to index
        %get3A_301 = arith.index_cast %min3A_298 : i32 to index
        %get3A_302 = tpu.vector_load %arg7[%get3A_300, %get3A_301] {strides = array<i32>} : memref<1x2048xi32, #tpu.memory_space<vmem>>, vector<16xi32>,
        %lt3A_303 = arith.constant 0 : i32
        %lt3A_304 = vector.broadcast %lt3A_303 : i32 to vector<16xi32>
        %lt3A_305 = arith.cmpi slt, %scan3A_293, %lt3A_304 : vector<16xi32>
        %add3A_306 = arith.constant 16 : i32
        %add3A_307 = vector.broadcast %add3A_306 : i32 to vector<16xi32>
        %add3A_308 = arith.addi %scan3A_293, %add3A_307 : vector<16xi32>
        %select_n3A = arith.select %lt3A_305, %add3A_308, %scan3A_293 : vector<16xi1>, vector<16xi32>
        %reshape3A = vector.shape_cast %select_n3A : vector<16xi32> to vector<16x1xi32>
        %gather3A_309 = vector.shape_cast %reshape3A : vector<16x1xi32> to vector<16xi32>
        %gather3A_310 = tpu.dynamic_gather %gather3A[%gather3A_309] in [0] : vector<16xf32>, vector<16xi32> -> vector<16xf32>
        %mul3A_311 = arith.constant 16 : i32
        %mul3A_312 = arith.muli %scan3A_292, %mul3A_311 : i32
        %swap3A_313 = arith.constant 0 : i32
        %swap3A_314 = arith.constant 0 : i32
        %swap3A_315 = arith.index_cast %swap3A_313 : i32 to index
        %swap3A_316 = arith.index_cast %swap3A_314 : i32 to index
        %swap3A_317 = arith.index_cast %mul3A_312 : i32 to index
        %swap3A_318 = tpu.vector_load %arg9[%swap3A_315, %swap3A_316, %swap3A_317] {strides = array<i32>} : memref<1x16x2048xf32, #tpu.memory_space<vmem>>, vector<16xf32>,
        tpu.vector_store %arg9[%swap3A_315, %swap3A_316, %swap3A_317], %gather3A_310 {strides = array<i32>} : memref<1x16x2048xf32, #tpu.memory_space<vmem>>, vector<16xf32>,
        %lt3A_319 = arith.constant 0 : i32
        %lt3A_320 = vector.broadcast %lt3A_319 : i32 to vector<16xi32>
        %lt3A_321 = arith.cmpi slt, %scan3A_293, %lt3A_320 : vector<16xi32>
        %add3A_322 = arith.constant 16 : i32
        %add3A_323 = vector.broadcast %add3A_322 : i32 to vector<16xi32>
        %add3A_324 = arith.addi %scan3A_293, %add3A_323 : vector<16xi32>
        %select_n3A_325 = arith.select %lt3A_321, %add3A_324, %scan3A_293 : vector<16xi1>, vector<16xi32>
        %reshape3A_326 = vector.shape_cast %select_n3A_325 : vector<16xi32> to vector<16x1xi32>
        %gather3A_327 = vector.shape_cast %reshape3A_326 : vector<16x1xi32> to vector<16xi32>
        %gather3A_328 = tpu.dynamic_gather %gather3A_82[%gather3A_327] in [0] : vector<16xf32>, vector<16xi32> -> vector<16xf32>
        %mul3A_329 = arith.constant 16 : i32
        %mul3A_330 = arith.muli %scan3A_292, %mul3A_329 : i32
        %swap3A_331 = arith.constant 0 : i32
        %swap3A_332 = arith.constant 1 : i32
        %swap3A_333 = arith.index_cast %swap3A_331 : i32 to index
        %swap3A_334 = arith.index_cast %swap3A_332 : i32 to index
        %swap3A_335 = arith.index_cast %mul3A_330 : i32 to index
        %swap3A_336 = tpu.vector_load %arg9[%swap3A_333, %swap3A_334, %swap3A_335] {strides = array<i32>} : memref<1x16x2048xf32, #tpu.memory_space<vmem>>, vector<16xf32>,
        tpu.vector_store %arg9[%swap3A_333, %swap3A_334, %swap3A_335], %gather3A_328 {strides = array<i32>} : memref<1x16x2048xf32, #tpu.memory_space<vmem>>, vector<16xf32>,
        %lt3A_337 = arith.constant 0 : i32
        %lt3A_338 = vector.broadcast %lt3A_337 : i32 to vector<16xi32>
        %lt3A_339 = arith.cmpi slt, %scan3A_293, %lt3A_338 : vector<16xi32>
        %add3A_340 = arith.constant 16 : i32
        %add3A_341 = vector.broadcast %add3A_340 : i32 to vector<16xi32>
        %add3A_342 = arith.addi %scan3A_293, %add3A_341 : vector<16xi32>
        %select_n3A_343 = arith.select %lt3A_339, %add3A_342, %scan3A_293 : vector<16xi1>, vector<16xi32>
        %reshape3A_344 = vector.shape_cast %select_n3A_343 : vector<16xi32> to vector<16x1xi32>
        %gather3A_345 = vector.shape_cast %reshape3A_344 : vector<16x1xi32> to vector<16xi32>
        %gather3A_346 = tpu.dynamic_gather %gather3A_89[%gather3A_345] in [0] : vector<16xf32>, vector<16xi32> -> vector<16xf32>
        %mul3A_347 = arith.constant 16 : i32
        %mul3A_348 = arith.muli %scan3A_292, %mul3A_347 : i32
        %swap3A_349 = arith.constant 0 : i32
        %swap3A_350 = arith.constant 2 : i32
        %swap3A_351 = arith.index_cast %swap3A_349 : i32 to index
        %swap3A_352 = arith.index_cast %swap3A_350 : i32 to index
        %swap3A_353 = arith.index_cast %mul3A_348 : i32 to index
        %swap3A_354 = tpu.vector_load %arg9[%swap3A_351, %swap3A_352, %swap3A_353] {strides = array<i32>} : memref<1x16x2048xf32, #tpu.memory_space<vmem>>, vector<16xf32>,
        tpu.vector_store %arg9[%swap3A_351, %swap3A_352, %swap3A_353], %gather3A_346 {strides = array<i32>} : memref<1x16x2048xf32, #tpu.memory_space<vmem>>, vector<16xf32>,
        %lt3A_355 = arith.constant 0 : i32
        %lt3A_356 = vector.broadcast %lt3A_355 : i32 to vector<16xi32>
        %lt3A_357 = arith.cmpi slt, %scan3A_293, %lt3A_356 : vector<16xi32>
        %add3A_358 = arith.constant 16 : i32
        %add3A_359 = vector.broadcast %add3A_358 : i32 to vector<16xi32>
        %add3A_360 = arith.addi %scan3A_293, %add3A_359 : vector<16xi32>
        %select_n3A_361 = arith.select %lt3A_357, %add3A_360, %scan3A_293 : vector<16xi1>, vector<16xi32>
        %reshape3A_362 = vector.shape_cast %select_n3A_361 : vector<16xi32> to vector<16x1xi32>
        %gather3A_363 = vector.shape_cast %reshape3A_362 : vector<16x1xi32> to vector<16xi32>
        %gather3A_364 = tpu.dynamic_gather %gather3A_96[%gather3A_363] in [0] : vector<16xf32>, vector<16xi32> -> vector<16xf32>
        %mul3A_365 = arith.constant 16 : i32
        %mul3A_366 = arith.muli %scan3A_292, %mul3A_365 : i32
        %swap3A_367 = arith.constant 0 : i32
        %swap3A_368 = arith.constant 3 : i32
        %swap3A_369 = arith.index_cast %swap3A_367 : i32 to index
        %swap3A_370 = arith.index_cast %swap3A_368 : i32 to index
        %swap3A_371 = arith.index_cast %mul3A_366 : i32 to index
        %swap3A_372 = tpu.vector_load %arg9[%swap3A_369, %swap3A_370, %swap3A_371] {strides = array<i32>} : memref<1x16x2048xf32, #tpu.memory_space<vmem>>, vector<16xf32>,
        tpu.vector_store %arg9[%swap3A_369, %swap3A_370, %swap3A_371], %gather3A_364 {strides = array<i32>} : memref<1x16x2048xf32, #tpu.memory_space<vmem>>, vector<16xf32>,
        %lt3A_373 = arith.constant 0 : i32
        %lt3A_374 = vector.broadcast %lt3A_373 : i32 to vector<16xi32>
        %lt3A_375 = arith.cmpi slt, %scan3A_293, %lt3A_374 : vector<16xi32>
        %add3A_376 = arith.constant 16 : i32
        %add3A_377 = vector.broadcast %add3A_376 : i32 to vector<16xi32>
        %add3A_378 = arith.addi %scan3A_293, %add3A_377 : vector<16xi32>
        %select_n3A_379 = arith.select %lt3A_375, %add3A_378, %scan3A_293 : vector<16xi1>, vector<16xi32>
        %reshape3A_380 = vector.shape_cast %select_n3A_379 : vector<16xi32> to vector<16x1xi32>
        %gather3A_381 = vector.shape_cast %reshape3A_380 : vector<16x1xi32> to vector<16xi32>
        %gather3A_382 = tpu.dynamic_gather %gather3A_103[%gather3A_381] in [0] : vector<16xf32>, vector<16xi32> -> vector<16xf32>
        %mul3A_383 = arith.constant 16 : i32
        %mul3A_384 = arith.muli %scan3A_292, %mul3A_383 : i32
        %swap3A_385 = arith.constant 0 : i32
        %swap3A_386 = arith.constant 4 : i32
        %swap3A_387 = arith.index_cast %swap3A_385 : i32 to index
        %swap3A_388 = arith.index_cast %swap3A_386 : i32 to index
        %swap3A_389 = arith.index_cast %mul3A_384 : i32 to index
        %swap3A_390 = tpu.vector_load %arg9[%swap3A_387, %swap3A_388, %swap3A_389] {strides = array<i32>} : memref<1x16x2048xf32, #tpu.memory_space<vmem>>, vector<16xf32>,
        tpu.vector_store %arg9[%swap3A_387, %swap3A_388, %swap3A_389], %gather3A_382 {strides = array<i32>} : memref<1x16x2048xf32, #tpu.memory_space<vmem>>, vector<16xf32>,
        %lt3A_391 = arith.constant 0 : i32
        %lt3A_392 = vector.broadcast %lt3A_391 : i32 to vector<16xi32>
        %lt3A_393 = arith.cmpi slt, %scan3A_293, %lt3A_392 : vector<16xi32>
        %add3A_394 = arith.constant 16 : i32
        %add3A_395 = vector.broadcast %add3A_394 : i32 to vector<16xi32>
        %add3A_396 = arith.addi %scan3A_293, %add3A_395 : vector<16xi32>
        %select_n3A_397 = arith.select %lt3A_393, %add3A_396, %scan3A_293 : vector<16xi1>, vector<16xi32>
        %reshape3A_398 = vector.shape_cast %select_n3A_397 : vector<16xi32> to vector<16x1xi32>
        %gather3A_399 = vector.shape_cast %reshape3A_398 : vector<16x1xi32> to vector<16xi32>
        %gather3A_400 = tpu.dynamic_gather %gather3A_110[%gather3A_399] in [0] : vector<16xf32>, vector<16xi32> -> vector<16xf32>
        %mul3A_401 = arith.constant 16 : i32
        %mul3A_402 = arith.muli %scan3A_292, %mul3A_401 : i32
        %swap3A_403 = arith.constant 0 : i32
        %swap3A_404 = arith.constant 5 : i32
        %swap3A_405 = arith.index_cast %swap3A_403 : i32 to index
        %swap3A_406 = arith.index_cast %swap3A_404 : i32 to index
        %swap3A_407 = arith.index_cast %mul3A_402 : i32 to index
        %swap3A_408 = tpu.vector_load %arg9[%swap3A_405, %swap3A_406, %swap3A_407] {strides = array<i32>} : memref<1x16x2048xf32, #tpu.memory_space<vmem>>, vector<16xf32>,
        tpu.vector_store %arg9[%swap3A_405, %swap3A_406, %swap3A_407], %gather3A_400 {strides = array<i32>} : memref<1x16x2048xf32, #tpu.memory_space<vmem>>, vector<16xf32>,
        %lt3A_409 = arith.constant 0 : i32
        %lt3A_410 = vector.broadcast %lt3A_409 : i32 to vector<16xi32>
        %lt3A_411 = arith.cmpi slt, %scan3A_293, %lt3A_410 : vector<16xi32>
        %add3A_412 = arith.constant 16 : i32
        %add3A_413 = vector.broadcast %add3A_412 : i32 to vector<16xi32>
        %add3A_414 = arith.addi %scan3A_293, %add3A_413 : vector<16xi32>
        %select_n3A_415 = arith.select %lt3A_411, %add3A_414, %scan3A_293 : vector<16xi1>, vector<16xi32>
        %reshape3A_416 = vector.shape_cast %select_n3A_415 : vector<16xi32> to vector<16x1xi32>
        %gather3A_417 = vector.shape_cast %reshape3A_416 : vector<16x1xi32> to vector<16xi32>
        %gather3A_418 = tpu.dynamic_gather %gather3A_117[%gather3A_417] in [0] : vector<16xf32>, vector<16xi32> -> vector<16xf32>
        %mul3A_419 = arith.constant 16 : i32
        %mul3A_420 = arith.muli %scan3A_292, %mul3A_419 : i32
        %swap3A_421 = arith.constant 0 : i32
        %swap3A_422 = arith.constant 6 : i32
        %swap3A_423 = arith.index_cast %swap3A_421 : i32 to index
        %swap3A_424 = arith.index_cast %swap3A_422 : i32 to index
        %swap3A_425 = arith.index_cast %mul3A_420 : i32 to index
        %swap3A_426 = tpu.vector_load %arg9[%swap3A_423, %swap3A_424, %swap3A_425] {strides = array<i32>} : memref<1x16x2048xf32, #tpu.memory_space<vmem>>, vector<16xf32>,
        tpu.vector_store %arg9[%swap3A_423, %swap3A_424, %swap3A_425], %gather3A_418 {strides = array<i32>} : memref<1x16x2048xf32, #tpu.memory_space<vmem>>, vector<16xf32>,
        %lt3A_427 = arith.constant 0 : i32
        %lt3A_428 = vector.broadcast %lt3A_427 : i32 to vector<16xi32>
        %lt3A_429 = arith.cmpi slt, %scan3A_293, %lt3A_428 : vector<16xi32>
        %add3A_430 = arith.constant 16 : i32
        %add3A_431 = vector.broadcast %add3A_430 : i32 to vector<16xi32>
        %add3A_432 = arith.addi %scan3A_293, %add3A_431 : vector<16xi32>
        %select_n3A_433 = arith.select %lt3A_429, %add3A_432, %scan3A_293 : vector<16xi1>, vector<16xi32>
        %reshape3A_434 = vector.shape_cast %select_n3A_433 : vector<16xi32> to vector<16x1xi32>
        %gather3A_435 = vector.shape_cast %reshape3A_434 : vector<16x1xi32> to vector<16xi32>
        %gather3A_436 = tpu.dynamic_gather %gather3A_124[%gather3A_435] in [0] : vector<16xf32>, vector<16xi32> -> vector<16xf32>
        %mul3A_437 = arith.constant 16 : i32
        %mul3A_438 = arith.muli %scan3A_292, %mul3A_437 : i32
        %swap3A_439 = arith.constant 0 : i32
        %swap3A_440 = arith.constant 7 : i32
        %swap3A_441 = arith.index_cast %swap3A_439 : i32 to index
        %swap3A_442 = arith.index_cast %swap3A_440 : i32 to index
        %swap3A_443 = arith.index_cast %mul3A_438 : i32 to index
        %swap3A_444 = tpu.vector_load %arg9[%swap3A_441, %swap3A_442, %swap3A_443] {strides = array<i32>} : memref<1x16x2048xf32, #tpu.memory_space<vmem>>, vector<16xf32>,
        tpu.vector_store %arg9[%swap3A_441, %swap3A_442, %swap3A_443], %gather3A_436 {strides = array<i32>} : memref<1x16x2048xf32, #tpu.memory_space<vmem>>, vector<16xf32>,
        %lt3A_445 = arith.constant 0 : i32
        %lt3A_446 = vector.broadcast %lt3A_445 : i32 to vector<16xi32>
        %lt3A_447 = arith.cmpi slt, %scan3A_293, %lt3A_446 : vector<16xi32>
        %add3A_448 = arith.constant 16 : i32
        %add3A_449 = vector.broadcast %add3A_448 : i32 to vector<16xi32>
        %add3A_450 = arith.addi %scan3A_293, %add3A_449 : vector<16xi32>
        %select_n3A_451 = arith.select %lt3A_447, %add3A_450, %scan3A_293 : vector<16xi1>, vector<16xi32>
        %reshape3A_452 = vector.shape_cast %select_n3A_451 : vector<16xi32> to vector<16x1xi32>
        %gather3A_453 = vector.shape_cast %reshape3A_452 : vector<16x1xi32> to vector<16xi32>
        %gather3A_454 = tpu.dynamic_gather %gather3A_131[%gather3A_453] in [0] : vector<16xf32>, vector<16xi32> -> vector<16xf32>
        %mul3A_455 = arith.constant 16 : i32
        %mul3A_456 = arith.muli %scan3A_292, %mul3A_455 : i32
        %swap3A_457 = arith.constant 0 : i32
        %swap3A_458 = arith.constant 8 : i32
        %swap3A_459 = arith.index_cast %swap3A_457 : i32 to index
        %swap3A_460 = arith.index_cast %swap3A_458 : i32 to index
        %swap3A_461 = arith.index_cast %mul3A_456 : i32 to index
        %swap3A_462 = tpu.vector_load %arg9[%swap3A_459, %swap3A_460, %swap3A_461] {strides = array<i32>} : memref<1x16x2048xf32, #tpu.memory_space<vmem>>, vector<16xf32>,
        tpu.vector_store %arg9[%swap3A_459, %swap3A_460, %swap3A_461], %gather3A_454 {strides = array<i32>} : memref<1x16x2048xf32, #tpu.memory_space<vmem>>, vector<16xf32>,
        %lt3A_463 = arith.constant 0 : i32
        %lt3A_464 = vector.broadcast %lt3A_463 : i32 to vector<16xi32>
        %lt3A_465 = arith.cmpi slt, %scan3A_293, %lt3A_464 : vector<16xi32>
        %add3A_466 = arith.constant 16 : i32
        %add3A_467 = vector.broadcast %add3A_466 : i32 to vector<16xi32>
        %add3A_468 = arith.addi %scan3A_293, %add3A_467 : vector<16xi32>
        %select_n3A_469 = arith.select %lt3A_465, %add3A_468, %scan3A_293 : vector<16xi1>, vector<16xi32>
        %reshape3A_470 = vector.shape_cast %select_n3A_469 : vector<16xi32> to vector<16x1xi32>
        %gather3A_471 = vector.shape_cast %reshape3A_470 : vector<16x1xi32> to vector<16xi32>
        %gather3A_472 = tpu.dynamic_gather %gather3A_138[%gather3A_471] in [0] : vector<16xf32>, vector<16xi32> -> vector<16xf32>
        %mul3A_473 = arith.constant 16 : i32
        %mul3A_474 = arith.muli %scan3A_292, %mul3A_473 : i32
        %swap3A_475 = arith.constant 0 : i32
        %swap3A_476 = arith.constant 9 : i32
        %swap3A_477 = arith.index_cast %swap3A_475 : i32 to index
        %swap3A_478 = arith.index_cast %swap3A_476 : i32 to index
        %swap3A_479 = arith.index_cast %mul3A_474 : i32 to index
        %swap3A_480 = tpu.vector_load %arg9[%swap3A_477, %swap3A_478, %swap3A_479] {strides = array<i32>} : memref<1x16x2048xf32, #tpu.memory_space<vmem>>, vector<16xf32>,
        tpu.vector_store %arg9[%swap3A_477, %swap3A_478, %swap3A_479], %gather3A_472 {strides = array<i32>} : memref<1x16x2048xf32, #tpu.memory_space<vmem>>, vector<16xf32>,
        %lt3A_481 = arith.constant 0 : i32
        %lt3A_482 = vector.broadcast %lt3A_481 : i32 to vector<16xi32>
        %lt3A_483 = arith.cmpi slt, %scan3A_293, %lt3A_482 : vector<16xi32>
        %add3A_484 = arith.constant 16 : i32
        %add3A_485 = vector.broadcast %add3A_484 : i32 to vector<16xi32>
        %add3A_486 = arith.addi %scan3A_293, %add3A_485 : vector<16xi32>
        %select_n3A_487 = arith.select %lt3A_483, %add3A_486, %scan3A_293 : vector<16xi1>, vector<16xi32>
        %reshape3A_488 = vector.shape_cast %select_n3A_487 : vector<16xi32> to vector<16x1xi32>
        %gather3A_489 = vector.shape_cast %reshape3A_488 : vector<16x1xi32> to vector<16xi32>
        %gather3A_490 = tpu.dynamic_gather %gather3A_145[%gather3A_489] in [0] : vector<16xf32>, vector<16xi32> -> vector<16xf32>
        %mul3A_491 = arith.constant 16 : i32
        %mul3A_492 = arith.muli %scan3A_292, %mul3A_491 : i32
        %swap3A_493 = arith.constant 0 : i32
        %swap3A_494 = arith.constant 10 : i32
        %swap3A_495 = arith.index_cast %swap3A_493 : i32 to index
        %swap3A_496 = arith.index_cast %swap3A_494 : i32 to index
        %swap3A_497 = arith.index_cast %mul3A_492 : i32 to index
        %swap3A_498 = tpu.vector_load %arg9[%swap3A_495, %swap3A_496, %swap3A_497] {strides = array<i32>} : memref<1x16x2048xf32, #tpu.memory_space<vmem>>, vector<16xf32>,
        tpu.vector_store %arg9[%swap3A_495, %swap3A_496, %swap3A_497], %gather3A_490 {strides = array<i32>} : memref<1x16x2048xf32, #tpu.memory_space<vmem>>, vector<16xf32>,
        %lt3A_499 = arith.constant 0 : i32
        %lt3A_500 = vector.broadcast %lt3A_499 : i32 to vector<16xi32>
        %lt3A_501 = arith.cmpi slt, %scan3A_293, %lt3A_500 : vector<16xi32>
        %add3A_502 = arith.constant 16 : i32
        %add3A_503 = vector.broadcast %add3A_502 : i32 to vector<16xi32>
        %add3A_504 = arith.addi %scan3A_293, %add3A_503 : vector<16xi32>
        %select_n3A_505 = arith.select %lt3A_501, %add3A_504, %scan3A_293 : vector<16xi1>, vector<16xi32>
        %reshape3A_506 = vector.shape_cast %select_n3A_505 : vector<16xi32> to vector<16x1xi32>
        %gather3A_507 = vector.shape_cast %reshape3A_506 : vector<16x1xi32> to vector<16xi32>
        %gather3A_508 = tpu.dynamic_gather %gather3A_152[%gather3A_507] in [0] : vector<16xf32>, vector<16xi32> -> vector<16xf32>
        %mul3A_509 = arith.constant 16 : i32
        %mul3A_510 = arith.muli %scan3A_292, %mul3A_509 : i32
        %swap3A_511 = arith.constant 0 : i32
        %swap3A_512 = arith.constant 11 : i32
        %swap3A_513 = arith.index_cast %swap3A_511 : i32 to index
        %swap3A_514 = arith.index_cast %swap3A_512 : i32 to index
        %swap3A_515 = arith.index_cast %mul3A_510 : i32 to index
        %swap3A_516 = tpu.vector_load %arg9[%swap3A_513, %swap3A_514, %swap3A_515] {strides = array<i32>} : memref<1x16x2048xf32, #tpu.memory_space<vmem>>, vector<16xf32>,
        tpu.vector_store %arg9[%swap3A_513, %swap3A_514, %swap3A_515], %gather3A_508 {strides = array<i32>} : memref<1x16x2048xf32, #tpu.memory_space<vmem>>, vector<16xf32>,
        %lt3A_517 = arith.constant 0 : i32
        %lt3A_518 = vector.broadcast %lt3A_517 : i32 to vector<16xi32>
        %lt3A_519 = arith.cmpi slt, %scan3A_293, %lt3A_518 : vector<16xi32>
        %add3A_520 = arith.constant 16 : i32
        %add3A_521 = vector.broadcast %add3A_520 : i32 to vector<16xi32>
        %add3A_522 = arith.addi %scan3A_293, %add3A_521 : vector<16xi32>
        %select_n3A_523 = arith.select %lt3A_519, %add3A_522, %scan3A_293 : vector<16xi1>, vector<16xi32>
        %reshape3A_524 = vector.shape_cast %select_n3A_523 : vector<16xi32> to vector<16x1xi32>
        %gather3A_525 = vector.shape_cast %reshape3A_524 : vector<16x1xi32> to vector<16xi32>
        %gather3A_526 = tpu.dynamic_gather %gather3A_159[%gather3A_525] in [0] : vector<16xf32>, vector<16xi32> -> vector<16xf32>
        %mul3A_527 = arith.constant 16 : i32
        %mul3A_528 = arith.muli %scan3A_292, %mul3A_527 : i32
        %swap3A_529 = arith.constant 0 : i32
        %swap3A_530 = arith.constant 12 : i32
        %swap3A_531 = arith.index_cast %swap3A_529 : i32 to index
        %swap3A_532 = arith.index_cast %swap3A_530 : i32 to index
        %swap3A_533 = arith.index_cast %mul3A_528 : i32 to index
        %swap3A_534 = tpu.vector_load %arg9[%swap3A_531, %swap3A_532, %swap3A_533] {strides = array<i32>} : memref<1x16x2048xf32, #tpu.memory_space<vmem>>, vector<16xf32>,
        tpu.vector_store %arg9[%swap3A_531, %swap3A_532, %swap3A_533], %gather3A_526 {strides = array<i32>} : memref<1x16x2048xf32, #tpu.memory_space<vmem>>, vector<16xf32>,
        %lt3A_535 = arith.constant 0 : i32
        %lt3A_536 = vector.broadcast %lt3A_535 : i32 to vector<16xi32>
        %lt3A_537 = arith.cmpi slt, %scan3A_293, %lt3A_536 : vector<16xi32>
        %add3A_538 = arith.constant 16 : i32
        %add3A_539 = vector.broadcast %add3A_538 : i32 to vector<16xi32>
        %add3A_540 = arith.addi %scan3A_293, %add3A_539 : vector<16xi32>
        %select_n3A_541 = arith.select %lt3A_537, %add3A_540, %scan3A_293 : vector<16xi1>, vector<16xi32>
        %reshape3A_542 = vector.shape_cast %select_n3A_541 : vector<16xi32> to vector<16x1xi32>
        %gather3A_543 = vector.shape_cast %reshape3A_542 : vector<16x1xi32> to vector<16xi32>
        %gather3A_544 = tpu.dynamic_gather %gather3A_166[%gather3A_543] in [0] : vector<16xf32>, vector<16xi32> -> vector<16xf32>
        %mul3A_545 = arith.constant 16 : i32
        %mul3A_546 = arith.muli %scan3A_292, %mul3A_545 : i32
        %swap3A_547 = arith.constant 0 : i32
        %swap3A_548 = arith.constant 13 : i32
        %swap3A_549 = arith.index_cast %swap3A_547 : i32 to index
        %swap3A_550 = arith.index_cast %swap3A_548 : i32 to index
        %swap3A_551 = arith.index_cast %mul3A_546 : i32 to index
        %swap3A_552 = tpu.vector_load %arg9[%swap3A_549, %swap3A_550, %swap3A_551] {strides = array<i32>} : memref<1x16x2048xf32, #tpu.memory_space<vmem>>, vector<16xf32>,
        tpu.vector_store %arg9[%swap3A_549, %swap3A_550, %swap3A_551], %gather3A_544 {strides = array<i32>} : memref<1x16x2048xf32, #tpu.memory_space<vmem>>, vector<16xf32>,
        %lt3A_553 = arith.constant 0 : i32
        %lt3A_554 = vector.broadcast %lt3A_553 : i32 to vector<16xi32>
        %lt3A_555 = arith.cmpi slt, %scan3A_293, %lt3A_554 : vector<16xi32>
        %add3A_556 = arith.constant 16 : i32
        %add3A_557 = vector.broadcast %add3A_556 : i32 to vector<16xi32>
        %add3A_558 = arith.addi %scan3A_293, %add3A_557 : vector<16xi32>
        %select_n3A_559 = arith.select %lt3A_555, %add3A_558, %scan3A_293 : vector<16xi1>, vector<16xi32>
        %reshape3A_560 = vector.shape_cast %select_n3A_559 : vector<16xi32> to vector<16x1xi32>
        %gather3A_561 = vector.shape_cast %reshape3A_560 : vector<16x1xi32> to vector<16xi32>
        %gather3A_562 = tpu.dynamic_gather %gather3A_173[%gather3A_561] in [0] : vector<16xf32>, vector<16xi32> -> vector<16xf32>
        %mul3A_563 = arith.constant 16 : i32
        %mul3A_564 = arith.muli %scan3A_292, %mul3A_563 : i32
        %swap3A_565 = arith.constant 0 : i32
        %swap3A_566 = arith.constant 14 : i32
        %swap3A_567 = arith.index_cast %swap3A_565 : i32 to index
        %swap3A_568 = arith.index_cast %swap3A_566 : i32 to index
        %swap3A_569 = arith.index_cast %mul3A_564 : i32 to index
        %swap3A_570 = tpu.vector_load %arg9[%swap3A_567, %swap3A_568, %swap3A_569] {strides = array<i32>} : memref<1x16x2048xf32, #tpu.memory_space<vmem>>, vector<16xf32>,
        tpu.vector_store %arg9[%swap3A_567, %swap3A_568, %swap3A_569], %gather3A_562 {strides = array<i32>} : memref<1x16x2048xf32, #tpu.memory_space<vmem>>, vector<16xf32>,
        %lt3A_571 = arith.constant 0 : i32
        %lt3A_572 = vector.broadcast %lt3A_571 : i32 to vector<16xi32>
        %lt3A_573 = arith.cmpi slt, %scan3A_293, %lt3A_572 : vector<16xi32>
        %add3A_574 = arith.constant 16 : i32
        %add3A_575 = vector.broadcast %add3A_574 : i32 to vector<16xi32>
        %add3A_576 = arith.addi %scan3A_293, %add3A_575 : vector<16xi32>
        %select_n3A_577 = arith.select %lt3A_573, %add3A_576, %scan3A_293 : vector<16xi1>, vector<16xi32>
        %reshape3A_578 = vector.shape_cast %select_n3A_577 : vector<16xi32> to vector<16x1xi32>
        %gather3A_579 = vector.shape_cast %reshape3A_578 : vector<16x1xi32> to vector<16xi32>
        %gather3A_580 = tpu.dynamic_gather %gather3A_180[%gather3A_579] in [0] : vector<16xf32>, vector<16xi32> -> vector<16xf32>
        %mul3A_581 = arith.constant 16 : i32
        %mul3A_582 = arith.muli %scan3A_292, %mul3A_581 : i32
        %swap3A_583 = arith.constant 0 : i32
        %swap3A_584 = arith.constant 15 : i32
        %swap3A_585 = arith.index_cast %swap3A_583 : i32 to index
        %swap3A_586 = arith.index_cast %swap3A_584 : i32 to index
        %swap3A_587 = arith.index_cast %mul3A_582 : i32 to index
        %swap3A_588 = tpu.vector_load %arg9[%swap3A_585, %swap3A_586, %swap3A_587] {strides = array<i32>} : memref<1x16x2048xf32, #tpu.memory_space<vmem>>, vector<16xf32>,
        tpu.vector_store %arg9[%swap3A_585, %swap3A_586, %swap3A_587], %gather3A_580 {strides = array<i32>} : memref<1x16x2048xf32, #tpu.memory_space<vmem>>, vector<16xf32>,
        %scan3A_589 = arith.constant 1 : i32
        %scan3A_590 = arith.addi %scan3A_292, %scan3A_589 : i32
        %add3A_591 = arith.constant 1 : i32
        %add3A_592 = arith.addi %scan3A_590, %add3A_591 : i32
        %mul3A_593 = arith.constant 16 : i32
        %mul3A_594 = arith.muli %add3A_592, %mul3A_593 : i32
        %min3A_595 = arith.constant 2032 : i32
        %min3A_596 = arith.minsi %mul3A_594, %min3A_595 : i32
        %get3A_597 = arith.constant 0 : i32
        %get3A_598 = arith.index_cast %get3A_597 : i32 to index
        %get3A_599 = arith.index_cast %min3A_596 : i32 to index
        %get3A_600 = tpu.vector_load %arg7[%get3A_598, %get3A_599] {strides = array<i32>} : memref<1x2048xi32, #tpu.memory_space<vmem>>, vector<16xi32>,
        %lt3A_601 = arith.constant 0 : i32
        %lt3A_602 = vector.broadcast %lt3A_601 : i32 to vector<16xi32>
        %lt3A_603 = arith.cmpi slt, %get3A_302, %lt3A_602 : vector<16xi32>
        %add3A_604 = arith.constant 16 : i32
        %add3A_605 = vector.broadcast %add3A_604 : i32 to vector<16xi32>
        %add3A_606 = arith.addi %get3A_302, %add3A_605 : vector<16xi32>
        %select_n3A_607 = arith.select %lt3A_603, %add3A_606, %get3A_302 : vector<16xi1>, vector<16xi32>
        %reshape3A_608 = vector.shape_cast %select_n3A_607 : vector<16xi32> to vector<16x1xi32>
        %gather3A_609 = vector.shape_cast %reshape3A_608 : vector<16x1xi32> to vector<16xi32>
        %gather3A_610 = tpu.dynamic_gather %gather3A[%gather3A_609] in [0] : vector<16xf32>, vector<16xi32> -> vector<16xf32>
        %mul3A_611 = arith.constant 16 : i32
        %mul3A_612 = arith.muli %scan3A_590, %mul3A_611 : i32
        %swap3A_613 = arith.constant 0 : i32
        %swap3A_614 = arith.constant 0 : i32
        %swap3A_615 = arith.index_cast %swap3A_613 : i32 to index
        %swap3A_616 = arith.index_cast %swap3A_614 : i32 to index
        %swap3A_617 = arith.index_cast %mul3A_612 : i32 to index
        %swap3A_618 = tpu.vector_load %arg9[%swap3A_615, %swap3A_616, %swap3A_617] {strides = array<i32>} : memref<1x16x2048xf32, #tpu.memory_space<vmem>>, vector<16xf32>,
        tpu.vector_store %arg9[%swap3A_615, %swap3A_616, %swap3A_617], %gather3A_610 {strides = array<i32>} : memref<1x16x2048xf32, #tpu.memory_space<vmem>>, vector<16xf32>,
        %lt3A_619 = arith.constant 0 : i32
        %lt3A_620 = vector.broadcast %lt3A_619 : i32 to vector<16xi32>
        %lt3A_621 = arith.cmpi slt, %get3A_302, %lt3A_620 : vector<16xi32>
        %add3A_622 = arith.constant 16 : i32
        %add3A_623 = vector.broadcast %add3A_622 : i32 to vector<16xi32>
        %add3A_624 = arith.addi %get3A_302, %add3A_623 : vector<16xi32>
        %select_n3A_625 = arith.select %lt3A_621, %add3A_624, %get3A_302 : vector<16xi1>, vector<16xi32>
        %reshape3A_626 = vector.shape_cast %select_n3A_625 : vector<16xi32> to vector<16x1xi32>
        %gather3A_627 = vector.shape_cast %reshape3A_626 : vector<16x1xi32> to vector<16xi32>
        %gather3A_628 = tpu.dynamic_gather %gather3A_82[%gather3A_627] in [0] : vector<16xf32>, vector<16xi32> -> vector<16xf32>
        %mul3A_629 = arith.constant 16 : i32
        %mul3A_630 = arith.muli %scan3A_590, %mul3A_629 : i32
        %swap3A_631 = arith.constant 0 : i32
        %swap3A_632 = arith.constant 1 : i32
        %swap3A_633 = arith.index_cast %swap3A_631 : i32 to index
        %swap3A_634 = arith.index_cast %swap3A_632 : i32 to index
        %swap3A_635 = arith.index_cast %mul3A_630 : i32 to index
        %swap3A_636 = tpu.vector_load %arg9[%swap3A_633, %swap3A_634, %swap3A_635] {strides = array<i32>} : memref<1x16x2048xf32, #tpu.memory_space<vmem>>, vector<16xf32>,
        tpu.vector_store %arg9[%swap3A_633, %swap3A_634, %swap3A_635], %gather3A_628 {strides = array<i32>} : memref<1x16x2048xf32, #tpu.memory_space<vmem>>, vector<16xf32>,
        %lt3A_637 = arith.constant 0 : i32
        %lt3A_638 = vector.broadcast %lt3A_637 : i32 to vector<16xi32>
        %lt3A_639 = arith.cmpi slt, %get3A_302, %lt3A_638 : vector<16xi32>
        %add3A_640 = arith.constant 16 : i32
        %add3A_641 = vector.broadcast %add3A_640 : i32 to vector<16xi32>
        %add3A_642 = arith.addi %get3A_302, %add3A_641 : vector<16xi32>
        %select_n3A_643 = arith.select %lt3A_639, %add3A_642, %get3A_302 : vector<16xi1>, vector<16xi32>
        %reshape3A_644 = vector.shape_cast %select_n3A_643 : vector<16xi32> to vector<16x1xi32>
        %gather3A_645 = vector.shape_cast %reshape3A_644 : vector<16x1xi32> to vector<16xi32>
        %gather3A_646 = tpu.dynamic_gather %gather3A_89[%gather3A_645] in [0] : vector<16xf32>, vector<16xi32> -> vector<16xf32>
        %mul3A_647 = arith.constant 16 : i32
        %mul3A_648 = arith.muli %scan3A_590, %mul3A_647 : i32
        %swap3A_649 = arith.constant 0 : i32
        %swap3A_650 = arith.constant 2 : i32
        %swap3A_651 = arith.index_cast %swap3A_649 : i32 to index
        %swap3A_652 = arith.index_cast %swap3A_650 : i32 to index
        %swap3A_653 = arith.index_cast %mul3A_648 : i32 to index
        %swap3A_654 = tpu.vector_load %arg9[%swap3A_651, %swap3A_652, %swap3A_653] {strides = array<i32>} : memref<1x16x2048xf32, #tpu.memory_space<vmem>>, vector<16xf32>,
        tpu.vector_store %arg9[%swap3A_651, %swap3A_652, %swap3A_653], %gather3A_646 {strides = array<i32>} : memref<1x16x2048xf32, #tpu.memory_space<vmem>>, vector<16xf32>,
        %lt3A_655 = arith.constant 0 : i32
        %lt3A_656 = vector.broadcast %lt3A_655 : i32 to vector<16xi32>
        %lt3A_657 = arith.cmpi slt, %get3A_302, %lt3A_656 : vector<16xi32>
        %add3A_658 = arith.constant 16 : i32
        %add3A_659 = vector.broadcast %add3A_658 : i32 to vector<16xi32>
        %add3A_660 = arith.addi %get3A_302, %add3A_659 : vector<16xi32>
        %select_n3A_661 = arith.select %lt3A_657, %add3A_660, %get3A_302 : vector<16xi1>, vector<16xi32>
        %reshape3A_662 = vector.shape_cast %select_n3A_661 : vector<16xi32> to vector<16x1xi32>
        %gather3A_663 = vector.shape_cast %reshape3A_662 : vector<16x1xi32> to vector<16xi32>
        %gather3A_664 = tpu.dynamic_gather %gather3A_96[%gather3A_663] in [0] : vector<16xf32>, vector<16xi32> -> vector<16xf32>
        %mul3A_665 = arith.constant 16 : i32
        %mul3A_666 = arith.muli %scan3A_590, %mul3A_665 : i32
        %swap3A_667 = arith.constant 0 : i32
        %swap3A_668 = arith.constant 3 : i32
        %swap3A_669 = arith.index_cast %swap3A_667 : i32 to index
        %swap3A_670 = arith.index_cast %swap3A_668 : i32 to index
        %swap3A_671 = arith.index_cast %mul3A_666 : i32 to index
        %swap3A_672 = tpu.vector_load %arg9[%swap3A_669, %swap3A_670, %swap3A_671] {strides = array<i32>} : memref<1x16x2048xf32, #tpu.memory_space<vmem>>, vector<16xf32>,
        tpu.vector_store %arg9[%swap3A_669, %swap3A_670, %swap3A_671], %gather3A_664 {strides = array<i32>} : memref<1x16x2048xf32, #tpu.memory_space<vmem>>, vector<16xf32>,
        %lt3A_673 = arith.constant 0 : i32
        %lt3A_674 = vector.broadcast %lt3A_673 : i32 to vector<16xi32>
        %lt3A_675 = arith.cmpi slt, %get3A_302, %lt3A_674 : vector<16xi32>
        %add3A_676 = arith.constant 16 : i32
        %add3A_677 = vector.broadcast %add3A_676 : i32 to vector<16xi32>
        %add3A_678 = arith.addi %get3A_302, %add3A_677 : vector<16xi32>
        %select_n3A_679 = arith.select %lt3A_675, %add3A_678, %get3A_302 : vector<16xi1>, vector<16xi32>
        %reshape3A_680 = vector.shape_cast %select_n3A_679 : vector<16xi32> to vector<16x1xi32>
        %gather3A_681 = vector.shape_cast %reshape3A_680 : vector<16x1xi32> to vector<16xi32>
        %gather3A_682 = tpu.dynamic_gather %gather3A_103[%gather3A_681] in [0] : vector<16xf32>, vector<16xi32> -> vector<16xf32>
        %mul3A_683 = arith.constant 16 : i32
        %mul3A_684 = arith.muli %scan3A_590, %mul3A_683 : i32
        %swap3A_685 = arith.constant 0 : i32
        %swap3A_686 = arith.constant 4 : i32
        %swap3A_687 = arith.index_cast %swap3A_685 : i32 to index
        %swap3A_688 = arith.index_cast %swap3A_686 : i32 to index
        %swap3A_689 = arith.index_cast %mul3A_684 : i32 to index
        %swap3A_690 = tpu.vector_load %arg9[%swap3A_687, %swap3A_688, %swap3A_689] {strides = array<i32>} : memref<1x16x2048xf32, #tpu.memory_space<vmem>>, vector<16xf32>,
        tpu.vector_store %arg9[%swap3A_687, %swap3A_688, %swap3A_689], %gather3A_682 {strides = array<i32>} : memref<1x16x2048xf32, #tpu.memory_space<vmem>>, vector<16xf32>,
        %lt3A_691 = arith.constant 0 : i32
        %lt3A_692 = vector.broadcast %lt3A_691 : i32 to vector<16xi32>
        %lt3A_693 = arith.cmpi slt, %get3A_302, %lt3A_692 : vector<16xi32>
        %add3A_694 = arith.constant 16 : i32
        %add3A_695 = vector.broadcast %add3A_694 : i32 to vector<16xi32>
        %add3A_696 = arith.addi %get3A_302, %add3A_695 : vector<16xi32>
        %select_n3A_697 = arith.select %lt3A_693, %add3A_696, %get3A_302 : vector<16xi1>, vector<16xi32>
        %reshape3A_698 = vector.shape_cast %select_n3A_697 : vector<16xi32> to vector<16x1xi32>
        %gather3A_699 = vector.shape_cast %reshape3A_698 : vector<16x1xi32> to vector<16xi32>
        %gather3A_700 = tpu.dynamic_gather %gather3A_110[%gather3A_699] in [0] : vector<16xf32>, vector<16xi32> -> vector<16xf32>
        %mul3A_701 = arith.constant 16 : i32
        %mul3A_702 = arith.muli %scan3A_590, %mul3A_701 : i32
        %swap3A_703 = arith.constant 0 : i32
        %swap3A_704 = arith.constant 5 : i32
        %swap3A_705 = arith.index_cast %swap3A_703 : i32 to index
        %swap3A_706 = arith.index_cast %swap3A_704 : i32 to index
        %swap3A_707 = arith.index_cast %mul3A_702 : i32 to index
        %swap3A_708 = tpu.vector_load %arg9[%swap3A_705, %swap3A_706, %swap3A_707] {strides = array<i32>} : memref<1x16x2048xf32, #tpu.memory_space<vmem>>, vector<16xf32>,
        tpu.vector_store %arg9[%swap3A_705, %swap3A_706, %swap3A_707], %gather3A_700 {strides = array<i32>} : memref<1x16x2048xf32, #tpu.memory_space<vmem>>, vector<16xf32>,
        %lt3A_709 = arith.constant 0 : i32
        %lt3A_710 = vector.broadcast %lt3A_709 : i32 to vector<16xi32>
        %lt3A_711 = arith.cmpi slt, %get3A_302, %lt3A_710 : vector<16xi32>
        %add3A_712 = arith.constant 16 : i32
        %add3A_713 = vector.broadcast %add3A_712 : i32 to vector<16xi32>
        %add3A_714 = arith.addi %get3A_302, %add3A_713 : vector<16xi32>
        %select_n3A_715 = arith.select %lt3A_711, %add3A_714, %get3A_302 : vector<16xi1>, vector<16xi32>
        %reshape3A_716 = vector.shape_cast %select_n3A_715 : vector<16xi32> to vector<16x1xi32>
        %gather3A_717 = vector.shape_cast %reshape3A_716 : vector<16x1xi32> to vector<16xi32>
        %gather3A_718 = tpu.dynamic_gather %gather3A_117[%gather3A_717] in [0] : vector<16xf32>, vector<16xi32> -> vector<16xf32>
        %mul3A_719 = arith.constant 16 : i32
        %mul3A_720 = arith.muli %scan3A_590, %mul3A_719 : i32
        %swap3A_721 = arith.constant 0 : i32
        %swap3A_722 = arith.constant 6 : i32
        %swap3A_723 = arith.index_cast %swap3A_721 : i32 to index
        %swap3A_724 = arith.index_cast %swap3A_722 : i32 to index
        %swap3A_725 = arith.index_cast %mul3A_720 : i32 to index
        %swap3A_726 = tpu.vector_load %arg9[%swap3A_723, %swap3A_724, %swap3A_725] {strides = array<i32>} : memref<1x16x2048xf32, #tpu.memory_space<vmem>>, vector<16xf32>,
        tpu.vector_store %arg9[%swap3A_723, %swap3A_724, %swap3A_725], %gather3A_718 {strides = array<i32>} : memref<1x16x2048xf32, #tpu.memory_space<vmem>>, vector<16xf32>,
        %lt3A_727 = arith.constant 0 : i32
        %lt3A_728 = vector.broadcast %lt3A_727 : i32 to vector<16xi32>
        %lt3A_729 = arith.cmpi slt, %get3A_302, %lt3A_728 : vector<16xi32>
        %add3A_730 = arith.constant 16 : i32
        %add3A_731 = vector.broadcast %add3A_730 : i32 to vector<16xi32>
        %add3A_732 = arith.addi %get3A_302, %add3A_731 : vector<16xi32>
        %select_n3A_733 = arith.select %lt3A_729, %add3A_732, %get3A_302 : vector<16xi1>, vector<16xi32>
        %reshape3A_734 = vector.shape_cast %select_n3A_733 : vector<16xi32> to vector<16x1xi32>
        %gather3A_735 = vector.shape_cast %reshape3A_734 : vector<16x1xi32> to vector<16xi32>
        %gather3A_736 = tpu.dynamic_gather %gather3A_124[%gather3A_735] in [0] : vector<16xf32>, vector<16xi32> -> vector<16xf32>
        %mul3A_737 = arith.constant 16 : i32
        %mul3A_738 = arith.muli %scan3A_590, %mul3A_737 : i32
        %swap3A_739 = arith.constant 0 : i32
        %swap3A_740 = arith.constant 7 : i32
        %swap3A_741 = arith.index_cast %swap3A_739 : i32 to index
        %swap3A_742 = arith.index_cast %swap3A_740 : i32 to index
        %swap3A_743 = arith.index_cast %mul3A_738 : i32 to index
        %swap3A_744 = tpu.vector_load %arg9[%swap3A_741, %swap3A_742, %swap3A_743] {strides = array<i32>} : memref<1x16x2048xf32, #tpu.memory_space<vmem>>, vector<16xf32>,
        tpu.vector_store %arg9[%swap3A_741, %swap3A_742, %swap3A_743], %gather3A_736 {strides = array<i32>} : memref<1x16x2048xf32, #tpu.memory_space<vmem>>, vector<16xf32>,
        %lt3A_745 = arith.constant 0 : i32
        %lt3A_746 = vector.broadcast %lt3A_745 : i32 to vector<16xi32>
        %lt3A_747 = arith.cmpi slt, %get3A_302, %lt3A_746 : vector<16xi32>
        %add3A_748 = arith.constant 16 : i32
        %add3A_749 = vector.broadcast %add3A_748 : i32 to vector<16xi32>
        %add3A_750 = arith.addi %get3A_302, %add3A_749 : vector<16xi32>
        %select_n3A_751 = arith.select %lt3A_747, %add3A_750, %get3A_302 : vector<16xi1>, vector<16xi32>
        %reshape3A_752 = vector.shape_cast %select_n3A_751 : vector<16xi32> to vector<16x1xi32>
        %gather3A_753 = vector.shape_cast %reshape3A_752 : vector<16x1xi32> to vector<16xi32>
        %gather3A_754 = tpu.dynamic_gather %gather3A_131[%gather3A_753] in [0] : vector<16xf32>, vector<16xi32> -> vector<16xf32>
        %mul3A_755 = arith.constant 16 : i32
        %mul3A_756 = arith.muli %scan3A_590, %mul3A_755 : i32
        %swap3A_757 = arith.constant 0 : i32
        %swap3A_758 = arith.constant 8 : i32
        %swap3A_759 = arith.index_cast %swap3A_757 : i32 to index
        %swap3A_760 = arith.index_cast %swap3A_758 : i32 to index
        %swap3A_761 = arith.index_cast %mul3A_756 : i32 to index
        %swap3A_762 = tpu.vector_load %arg9[%swap3A_759, %swap3A_760, %swap3A_761] {strides = array<i32>} : memref<1x16x2048xf32, #tpu.memory_space<vmem>>, vector<16xf32>,
        tpu.vector_store %arg9[%swap3A_759, %swap3A_760, %swap3A_761], %gather3A_754 {strides = array<i32>} : memref<1x16x2048xf32, #tpu.memory_space<vmem>>, vector<16xf32>,
        %lt3A_763 = arith.constant 0 : i32
        %lt3A_764 = vector.broadcast %lt3A_763 : i32 to vector<16xi32>
        %lt3A_765 = arith.cmpi slt, %get3A_302, %lt3A_764 : vector<16xi32>
        %add3A_766 = arith.constant 16 : i32
        %add3A_767 = vector.broadcast %add3A_766 : i32 to vector<16xi32>
        %add3A_768 = arith.addi %get3A_302, %add3A_767 : vector<16xi32>
        %select_n3A_769 = arith.select %lt3A_765, %add3A_768, %get3A_302 : vector<16xi1>, vector<16xi32>
        %reshape3A_770 = vector.shape_cast %select_n3A_769 : vector<16xi32> to vector<16x1xi32>
        %gather3A_771 = vector.shape_cast %reshape3A_770 : vector<16x1xi32> to vector<16xi32>
        %gather3A_772 = tpu.dynamic_gather %gather3A_138[%gather3A_771] in [0] : vector<16xf32>, vector<16xi32> -> vector<16xf32>
        %mul3A_773 = arith.constant 16 : i32
        %mul3A_774 = arith.muli %scan3A_590, %mul3A_773 : i32
        %swap3A_775 = arith.constant 0 : i32
        %swap3A_776 = arith.constant 9 : i32
        %swap3A_777 = arith.index_cast %swap3A_775 : i32 to index
        %swap3A_778 = arith.index_cast %swap3A_776 : i32 to index
        %swap3A_779 = arith.index_cast %mul3A_774 : i32 to index
        %swap3A_780 = tpu.vector_load %arg9[%swap3A_777, %swap3A_778, %swap3A_779] {strides = array<i32>} : memref<1x16x2048xf32, #tpu.memory_space<vmem>>, vector<16xf32>,
        tpu.vector_store %arg9[%swap3A_777, %swap3A_778, %swap3A_779], %gather3A_772 {strides = array<i32>} : memref<1x16x2048xf32, #tpu.memory_space<vmem>>, vector<16xf32>,
        %lt3A_781 = arith.constant 0 : i32
        %lt3A_782 = vector.broadcast %lt3A_781 : i32 to vector<16xi32>
        %lt3A_783 = arith.cmpi slt, %get3A_302, %lt3A_782 : vector<16xi32>
        %add3A_784 = arith.constant 16 : i32
        %add3A_785 = vector.broadcast %add3A_784 : i32 to vector<16xi32>
        %add3A_786 = arith.addi %get3A_302, %add3A_785 : vector<16xi32>
        %select_n3A_787 = arith.select %lt3A_783, %add3A_786, %get3A_302 : vector<16xi1>, vector<16xi32>
        %reshape3A_788 = vector.shape_cast %select_n3A_787 : vector<16xi32> to vector<16x1xi32>
        %gather3A_789 = vector.shape_cast %reshape3A_788 : vector<16x1xi32> to vector<16xi32>
        %gather3A_790 = tpu.dynamic_gather %gather3A_145[%gather3A_789] in [0] : vector<16xf32>, vector<16xi32> -> vector<16xf32>
        %mul3A_791 = arith.constant 16 : i32
        %mul3A_792 = arith.muli %scan3A_590, %mul3A_791 : i32
        %swap3A_793 = arith.constant 0 : i32
        %swap3A_794 = arith.constant 10 : i32
        %swap3A_795 = arith.index_cast %swap3A_793 : i32 to index
        %swap3A_796 = arith.index_cast %swap3A_794 : i32 to index
        %swap3A_797 = arith.index_cast %mul3A_792 : i32 to index
        %swap3A_798 = tpu.vector_load %arg9[%swap3A_795, %swap3A_796, %swap3A_797] {strides = array<i32>} : memref<1x16x2048xf32, #tpu.memory_space<vmem>>, vector<16xf32>,
        tpu.vector_store %arg9[%swap3A_795, %swap3A_796, %swap3A_797], %gather3A_790 {strides = array<i32>} : memref<1x16x2048xf32, #tpu.memory_space<vmem>>, vector<16xf32>,
        %lt3A_799 = arith.constant 0 : i32
        %lt3A_800 = vector.broadcast %lt3A_799 : i32 to vector<16xi32>
        %lt3A_801 = arith.cmpi slt, %get3A_302, %lt3A_800 : vector<16xi32>
        %add3A_802 = arith.constant 16 : i32
        %add3A_803 = vector.broadcast %add3A_802 : i32 to vector<16xi32>
        %add3A_804 = arith.addi %get3A_302, %add3A_803 : vector<16xi32>
        %select_n3A_805 = arith.select %lt3A_801, %add3A_804, %get3A_302 : vector<16xi1>, vector<16xi32>
        %reshape3A_806 = vector.shape_cast %select_n3A_805 : vector<16xi32> to vector<16x1xi32>
        %gather3A_807 = vector.shape_cast %reshape3A_806 : vector<16x1xi32> to vector<16xi32>
        %gather3A_808 = tpu.dynamic_gather %gather3A_152[%gather3A_807] in [0] : vector<16xf32>, vector<16xi32> -> vector<16xf32>
        %mul3A_809 = arith.constant 16 : i32
        %mul3A_810 = arith.muli %scan3A_590, %mul3A_809 : i32
        %swap3A_811 = arith.constant 0 : i32
        %swap3A_812 = arith.constant 11 : i32
        %swap3A_813 = arith.index_cast %swap3A_811 : i32 to index
        %swap3A_814 = arith.index_cast %swap3A_812 : i32 to index
        %swap3A_815 = arith.index_cast %mul3A_810 : i32 to index
        %swap3A_816 = tpu.vector_load %arg9[%swap3A_813, %swap3A_814, %swap3A_815] {strides = array<i32>} : memref<1x16x2048xf32, #tpu.memory_space<vmem>>, vector<16xf32>,
        tpu.vector_store %arg9[%swap3A_813, %swap3A_814, %swap3A_815], %gather3A_808 {strides = array<i32>} : memref<1x16x2048xf32, #tpu.memory_space<vmem>>, vector<16xf32>,
        %lt3A_817 = arith.constant 0 : i32
        %lt3A_818 = vector.broadcast %lt3A_817 : i32 to vector<16xi32>
        %lt3A_819 = arith.cmpi slt, %get3A_302, %lt3A_818 : vector<16xi32>
        %add3A_820 = arith.constant 16 : i32
        %add3A_821 = vector.broadcast %add3A_820 : i32 to vector<16xi32>
        %add3A_822 = arith.addi %get3A_302, %add3A_821 : vector<16xi32>
        %select_n3A_823 = arith.select %lt3A_819, %add3A_822, %get3A_302 : vector<16xi1>, vector<16xi32>
        %reshape3A_824 = vector.shape_cast %select_n3A_823 : vector<16xi32> to vector<16x1xi32>
        %gather3A_825 = vector.shape_cast %reshape3A_824 : vector<16x1xi32> to vector<16xi32>
        %gather3A_826 = tpu.dynamic_gather %gather3A_159[%gather3A_825] in [0] : vector<16xf32>, vector<16xi32> -> vector<16xf32>
        %mul3A_827 = arith.constant 16 : i32
        %mul3A_828 = arith.muli %scan3A_590, %mul3A_827 : i32
        %swap3A_829 = arith.constant 0 : i32
        %swap3A_830 = arith.constant 12 : i32
        %swap3A_831 = arith.index_cast %swap3A_829 : i32 to index
        %swap3A_832 = arith.index_cast %swap3A_830 : i32 to index
        %swap3A_833 = arith.index_cast %mul3A_828 : i32 to index
        %swap3A_834 = tpu.vector_load %arg9[%swap3A_831, %swap3A_832, %swap3A_833] {strides = array<i32>} : memref<1x16x2048xf32, #tpu.memory_space<vmem>>, vector<16xf32>,
        tpu.vector_store %arg9[%swap3A_831, %swap3A_832, %swap3A_833], %gather3A_826 {strides = array<i32>} : memref<1x16x2048xf32, #tpu.memory_space<vmem>>, vector<16xf32>,
        %lt3A_835 = arith.constant 0 : i32
        %lt3A_836 = vector.broadcast %lt3A_835 : i32 to vector<16xi32>
        %lt3A_837 = arith.cmpi slt, %get3A_302, %lt3A_836 : vector<16xi32>
        %add3A_838 = arith.constant 16 : i32
        %add3A_839 = vector.broadcast %add3A_838 : i32 to vector<16xi32>
        %add3A_840 = arith.addi %get3A_302, %add3A_839 : vector<16xi32>
        %select_n3A_841 = arith.select %lt3A_837, %add3A_840, %get3A_302 : vector<16xi1>, vector<16xi32>
        %reshape3A_842 = vector.shape_cast %select_n3A_841 : vector<16xi32> to vector<16x1xi32>
        %gather3A_843 = vector.shape_cast %reshape3A_842 : vector<16x1xi32> to vector<16xi32>
        %gather3A_844 = tpu.dynamic_gather %gather3A_166[%gather3A_843] in [0] : vector<16xf32>, vector<16xi32> -> vector<16xf32>
        %mul3A_845 = arith.constant 16 : i32
        %mul3A_846 = arith.muli %scan3A_590, %mul3A_845 : i32
        %swap3A_847 = arith.constant 0 : i32
        %swap3A_848 = arith.constant 13 : i32
        %swap3A_849 = arith.index_cast %swap3A_847 : i32 to index
        %swap3A_850 = arith.index_cast %swap3A_848 : i32 to index
        %swap3A_851 = arith.index_cast %mul3A_846 : i32 to index
        %swap3A_852 = tpu.vector_load %arg9[%swap3A_849, %swap3A_850, %swap3A_851] {strides = array<i32>} : memref<1x16x2048xf32, #tpu.memory_space<vmem>>, vector<16xf32>,
        tpu.vector_store %arg9[%swap3A_849, %swap3A_850, %swap3A_851], %gather3A_844 {strides = array<i32>} : memref<1x16x2048xf32, #tpu.memory_space<vmem>>, vector<16xf32>,
        %lt3A_853 = arith.constant 0 : i32
        %lt3A_854 = vector.broadcast %lt3A_853 : i32 to vector<16xi32>
        %lt3A_855 = arith.cmpi slt, %get3A_302, %lt3A_854 : vector<16xi32>
        %add3A_856 = arith.constant 16 : i32
        %add3A_857 = vector.broadcast %add3A_856 : i32 to vector<16xi32>
        %add3A_858 = arith.addi %get3A_302, %add3A_857 : vector<16xi32>
        %select_n3A_859 = arith.select %lt3A_855, %add3A_858, %get3A_302 : vector<16xi1>, vector<16xi32>
        %reshape3A_860 = vector.shape_cast %select_n3A_859 : vector<16xi32> to vector<16x1xi32>
        %gather3A_861 = vector.shape_cast %reshape3A_860 : vector<16x1xi32> to vector<16xi32>
        %gather3A_862 = tpu.dynamic_gather %gather3A_173[%gather3A_861] in [0] : vector<16xf32>, vector<16xi32> -> vector<16xf32>
        %mul3A_863 = arith.constant 16 : i32
        %mul3A_864 = arith.muli %scan3A_590, %mul3A_863 : i32
        %swap3A_865 = arith.constant 0 : i32
        %swap3A_866 = arith.constant 14 : i32
        %swap3A_867 = arith.index_cast %swap3A_865 : i32 to index
        %swap3A_868 = arith.index_cast %swap3A_866 : i32 to index
        %swap3A_869 = arith.index_cast %mul3A_864 : i32 to index
        %swap3A_870 = tpu.vector_load %arg9[%swap3A_867, %swap3A_868, %swap3A_869] {strides = array<i32>} : memref<1x16x2048xf32, #tpu.memory_space<vmem>>, vector<16xf32>,
        tpu.vector_store %arg9[%swap3A_867, %swap3A_868, %swap3A_869], %gather3A_862 {strides = array<i32>} : memref<1x16x2048xf32, #tpu.memory_space<vmem>>, vector<16xf32>,
        %lt3A_871 = arith.constant 0 : i32
        %lt3A_872 = vector.broadcast %lt3A_871 : i32 to vector<16xi32>
        %lt3A_873 = arith.cmpi slt, %get3A_302, %lt3A_872 : vector<16xi32>
        %add3A_874 = arith.constant 16 : i32
        %add3A_875 = vector.broadcast %add3A_874 : i32 to vector<16xi32>
        %add3A_876 = arith.addi %get3A_302, %add3A_875 : vector<16xi32>
        %select_n3A_877 = arith.select %lt3A_873, %add3A_876, %get3A_302 : vector<16xi1>, vector<16xi32>
        %reshape3A_878 = vector.shape_cast %select_n3A_877 : vector<16xi32> to vector<16x1xi32>
        %gather3A_879 = vector.shape_cast %reshape3A_878 : vector<16x1xi32> to vector<16xi32>
        %gather3A_880 = tpu.dynamic_gather %gather3A_180[%gather3A_879] in [0] : vector<16xf32>, vector<16xi32> -> vector<16xf32>
        %mul3A_881 = arith.constant 16 : i32
        %mul3A_882 = arith.muli %scan3A_590, %mul3A_881 : i32
        %swap3A_883 = arith.constant 0 : i32
        %swap3A_884 = arith.constant 15 : i32
        %swap3A_885 = arith.index_cast %swap3A_883 : i32 to index
        %swap3A_886 = arith.index_cast %swap3A_884 : i32 to index
        %swap3A_887 = arith.index_cast %mul3A_882 : i32 to index
        %swap3A_888 = tpu.vector_load %arg9[%swap3A_885, %swap3A_886, %swap3A_887] {strides = array<i32>} : memref<1x16x2048xf32, #tpu.memory_space<vmem>>, vector<16xf32>,
        tpu.vector_store %arg9[%swap3A_885, %swap3A_886, %swap3A_887], %gather3A_880 {strides = array<i32>} : memref<1x16x2048xf32, #tpu.memory_space<vmem>>, vector<16xf32>,
        %scan3A_889 = arith.constant 2 : i32
        %scan3A_890 = arith.addi %scan3A_292, %scan3A_889 : i32
        %add3A_891 = arith.constant 1 : i32
        %add3A_892 = arith.addi %scan3A_890, %add3A_891 : i32
        %mul3A_893 = arith.constant 16 : i32
        %mul3A_894 = arith.muli %add3A_892, %mul3A_893 : i32
        %min3A_895 = arith.constant 2032 : i32
        %min3A_896 = arith.minsi %mul3A_894, %min3A_895 : i32
        %get3A_897 = arith.constant 0 : i32
        %get3A_898 = arith.index_cast %get3A_897 : i32 to index
        %get3A_899 = arith.index_cast %min3A_896 : i32 to index
        %get3A_900 = tpu.vector_load %arg7[%get3A_898, %get3A_899] {strides = array<i32>} : memref<1x2048xi32, #tpu.memory_space<vmem>>, vector<16xi32>,
        %lt3A_901 = arith.constant 0 : i32
        %lt3A_902 = vector.broadcast %lt3A_901 : i32 to vector<16xi32>
        %lt3A_903 = arith.cmpi slt, %get3A_600, %lt3A_902 : vector<16xi32>
        %add3A_904 = arith.constant 16 : i32
        %add3A_905 = vector.broadcast %add3A_904 : i32 to vector<16xi32>
        %add3A_906 = arith.addi %get3A_600, %add3A_905 : vector<16xi32>
        %select_n3A_907 = arith.select %lt3A_903, %add3A_906, %get3A_600 : vector<16xi1>, vector<16xi32>
        %reshape3A_908 = vector.shape_cast %select_n3A_907 : vector<16xi32> to vector<16x1xi32>
        %gather3A_909 = vector.shape_cast %reshape3A_908 : vector<16x1xi32> to vector<16xi32>
        %gather3A_910 = tpu.dynamic_gather %gather3A[%gather3A_909] in [0] : vector<16xf32>, vector<16xi32> -> vector<16xf32>
        %mul3A_911 = arith.constant 16 : i32
        %mul3A_912 = arith.muli %scan3A_890, %mul3A_911 : i32
        %swap3A_913 = arith.constant 0 : i32
        %swap3A_914 = arith.constant 0 : i32
        %swap3A_915 = arith.index_cast %swap3A_913 : i32 to index
        %swap3A_916 = arith.index_cast %swap3A_914 : i32 to index
        %swap3A_917 = arith.index_cast %mul3A_912 : i32 to index
        %swap3A_918 = tpu.vector_load %arg9[%swap3A_915, %swap3A_916, %swap3A_917] {strides = array<i32>} : memref<1x16x2048xf32, #tpu.memory_space<vmem>>, vector<16xf32>,
        tpu.vector_store %arg9[%swap3A_915, %swap3A_916, %swap3A_917], %gather3A_910 {strides = array<i32>} : memref<1x16x2048xf32, #tpu.memory_space<vmem>>, vector<16xf32>,
        %lt3A_919 = arith.constant 0 : i32
        %lt3A_920 = vector.broadcast %lt3A_919 : i32 to vector<16xi32>
        %lt3A_921 = arith.cmpi slt, %get3A_600, %lt3A_920 : vector<16xi32>
        %add3A_922 = arith.constant 16 : i32
        %add3A_923 = vector.broadcast %add3A_922 : i32 to vector<16xi32>
        %add3A_924 = arith.addi %get3A_600, %add3A_923 : vector<16xi32>
        %select_n3A_925 = arith.select %lt3A_921, %add3A_924, %get3A_600 : vector<16xi1>, vector<16xi32>
        %reshape3A_926 = vector.shape_cast %select_n3A_925 : vector<16xi32> to vector<16x1xi32>
        %gather3A_927 = vector.shape_cast %reshape3A_926 : vector<16x1xi32> to vector<16xi32>
        %gather3A_928 = tpu.dynamic_gather %gather3A_82[%gather3A_927] in [0] : vector<16xf32>, vector<16xi32> -> vector<16xf32>
        %mul3A_929 = arith.constant 16 : i32
        %mul3A_930 = arith.muli %scan3A_890, %mul3A_929 : i32
        %swap3A_931 = arith.constant 0 : i32
        %swap3A_932 = arith.constant 1 : i32
        %swap3A_933 = arith.index_cast %swap3A_931 : i32 to index
        %swap3A_934 = arith.index_cast %swap3A_932 : i32 to index
        %swap3A_935 = arith.index_cast %mul3A_930 : i32 to index
        %swap3A_936 = tpu.vector_load %arg9[%swap3A_933, %swap3A_934, %swap3A_935] {strides = array<i32>} : memref<1x16x2048xf32, #tpu.memory_space<vmem>>, vector<16xf32>,
        tpu.vector_store %arg9[%swap3A_933, %swap3A_934, %swap3A_935], %gather3A_928 {strides = array<i32>} : memref<1x16x2048xf32, #tpu.memory_space<vmem>>, vector<16xf32>,
        %lt3A_937 = arith.constant 0 : i32
        %lt3A_938 = vector.broadcast %lt3A_937 : i32 to vector<16xi32>
        %lt3A_939 = arith.cmpi slt, %get3A_600, %lt3A_938 : vector<16xi32>
        %add3A_940 = arith.constant 16 : i32
        %add3A_941 = vector.broadcast %add3A_940 : i32 to vector<16xi32>
        %add3A_942 = arith.addi %get3A_600, %add3A_941 : vector<16xi32>
        %select_n3A_943 = arith.select %lt3A_939, %add3A_942, %get3A_600 : vector<16xi1>, vector<16xi32>
        %reshape3A_944 = vector.shape_cast %select_n3A_943 : vector<16xi32> to vector<16x1xi32>
        %gather3A_945 = vector.shape_cast %reshape3A_944 : vector<16x1xi32> to vector<16xi32>
        %gather3A_946 = tpu.dynamic_gather %gather3A_89[%gather3A_945] in [0] : vector<16xf32>, vector<16xi32> -> vector<16xf32>
        %mul3A_947 = arith.constant 16 : i32
        %mul3A_948 = arith.muli %scan3A_890, %mul3A_947 : i32
        %swap3A_949 = arith.constant 0 : i32
        %swap3A_950 = arith.constant 2 : i32
        %swap3A_951 = arith.index_cast %swap3A_949 : i32 to index
        %swap3A_952 = arith.index_cast %swap3A_950 : i32 to index
        %swap3A_953 = arith.index_cast %mul3A_948 : i32 to index
        %swap3A_954 = tpu.vector_load %arg9[%swap3A_951, %swap3A_952, %swap3A_953] {strides = array<i32>} : memref<1x16x2048xf32, #tpu.memory_space<vmem>>, vector<16xf32>,
        tpu.vector_store %arg9[%swap3A_951, %swap3A_952, %swap3A_953], %gather3A_946 {strides = array<i32>} : memref<1x16x2048xf32, #tpu.memory_space<vmem>>, vector<16xf32>,
        %lt3A_955 = arith.constant 0 : i32
        %lt3A_956 = vector.broadcast %lt3A_955 : i32 to vector<16xi32>
        %lt3A_957 = arith.cmpi slt, %get3A_600, %lt3A_956 : vector<16xi32>
        %add3A_958 = arith.constant 16 : i32
        %add3A_959 = vector.broadcast %add3A_958 : i32 to vector<16xi32>
        %add3A_960 = arith.addi %get3A_600, %add3A_959 : vector<16xi32>
        %select_n3A_961 = arith.select %lt3A_957, %add3A_960, %get3A_600 : vector<16xi1>, vector<16xi32>
        %reshape3A_962 = vector.shape_cast %select_n3A_961 : vector<16xi32> to vector<16x1xi32>
        %gather3A_963 = vector.shape_cast %reshape3A_962 : vector<16x1xi32> to vector<16xi32>
        %gather3A_964 = tpu.dynamic_gather %gather3A_96[%gather3A_963] in [0] : vector<16xf32>, vector<16xi32> -> vector<16xf32>
        %mul3A_965 = arith.constant 16 : i32
        %mul3A_966 = arith.muli %scan3A_890, %mul3A_965 : i32
        %swap3A_967 = arith.constant 0 : i32
        %swap3A_968 = arith.constant 3 : i32
        %swap3A_969 = arith.index_cast %swap3A_967 : i32 to index
        %swap3A_970 = arith.index_cast %swap3A_968 : i32 to index
        %swap3A_971 = arith.index_cast %mul3A_966 : i32 to index
        %swap3A_972 = tpu.vector_load %arg9[%swap3A_969, %swap3A_970, %swap3A_971] {strides = array<i32>} : memref<1x16x2048xf32, #tpu.memory_space<vmem>>, vector<16xf32>,
        tpu.vector_store %arg9[%swap3A_969, %swap3A_970, %swap3A_971], %gather3A_964 {strides = array<i32>} : memref<1x16x2048xf32, #tpu.memory_space<vmem>>, vector<16xf32>,
        %lt3A_973 = arith.constant 0 : i32
        %lt3A_974 = vector.broadcast %lt3A_973 : i32 to vector<16xi32>
        %lt3A_975 = arith.cmpi slt, %get3A_600, %lt3A_974 : vector<16xi32>
        %add3A_976 = arith.constant 16 : i32
        %add3A_977 = vector.broadcast %add3A_976 : i32 to vector<16xi32>
        %add3A_978 = arith.addi %get3A_600, %add3A_977 : vector<16xi32>
        %select_n3A_979 = arith.select %lt3A_975, %add3A_978, %get3A_600 : vector<16xi1>, vector<16xi32>
        %reshape3A_980 = vector.shape_cast %select_n3A_979 : vector<16xi32> to vector<16x1xi32>
        %gather3A_981 = vector.shape_cast %reshape3A_980 : vector<16x1xi32> to vector<16xi32>
        %gather3A_982 = tpu.dynamic_gather %gather3A_103[%gather3A_981] in [0] : vector<16xf32>, vector<16xi32> -> vector<16xf32>
        %mul3A_983 = arith.constant 16 : i32
        %mul3A_984 = arith.muli %scan3A_890, %mul3A_983 : i32
        %swap3A_985 = arith.constant 0 : i32
        %swap3A_986 = arith.constant 4 : i32
        %swap3A_987 = arith.index_cast %swap3A_985 : i32 to index
        %swap3A_988 = arith.index_cast %swap3A_986 : i32 to index
        %swap3A_989 = arith.index_cast %mul3A_984 : i32 to index
        %swap3A_990 = tpu.vector_load %arg9[%swap3A_987, %swap3A_988, %swap3A_989] {strides = array<i32>} : memref<1x16x2048xf32, #tpu.memory_space<vmem>>, vector<16xf32>,
        tpu.vector_store %arg9[%swap3A_987, %swap3A_988, %swap3A_989], %gather3A_982 {strides = array<i32>} : memref<1x16x2048xf32, #tpu.memory_space<vmem>>, vector<16xf32>,
        %lt3A_991 = arith.constant 0 : i32
        %lt3A_992 = vector.broadcast %lt3A_991 : i32 to vector<16xi32>
        %lt3A_993 = arith.cmpi slt, %get3A_600, %lt3A_992 : vector<16xi32>
        %add3A_994 = arith.constant 16 : i32
        %add3A_995 = vector.broadcast %add3A_994 : i32 to vector<16xi32>
        %add3A_996 = arith.addi %get3A_600, %add3A_995 : vector<16xi32>
        %select_n3A_997 = arith.select %lt3A_993, %add3A_996, %get3A_600 : vector<16xi1>, vector<16xi32>
        %reshape3A_998 = vector.shape_cast %select_n3A_997 : vector<16xi32> to vector<16x1xi32>
        %gather3A_999 = vector.shape_cast %reshape3A_998 : vector<16x1xi32> to vector<16xi32>
        %gather3A_1000 = tpu.dynamic_gather %gather3A_110[%gather3A_999] in [0] : vector<16xf32>, vector<16xi32> -> vector<16xf32>
        %mul3A_1001 = arith.constant 16 : i32
        %mul3A_1002 = arith.muli %scan3A_890, %mul3A_1001 : i32
        %swap3A_1003 = arith.constant 0 : i32
        %swap3A_1004 = arith.constant 5 : i32
        %swap3A_1005 = arith.index_cast %swap3A_1003 : i32 to index
        %swap3A_1006 = arith.index_cast %swap3A_1004 : i32 to index
        %swap3A_1007 = arith.index_cast %mul3A_1002 : i32 to index
        %swap3A_1008 = tpu.vector_load %arg9[%swap3A_1005, %swap3A_1006, %swap3A_1007] {strides = array<i32>} : memref<1x16x2048xf32, #tpu.memory_space<vmem>>, vector<16xf32>,
        tpu.vector_store %arg9[%swap3A_1005, %swap3A_1006, %swap3A_1007], %gather3A_1000 {strides = array<i32>} : memref<1x16x2048xf32, #tpu.memory_space<vmem>>, vector<16xf32>,
        %lt3A_1009 = arith.constant 0 : i32
        %lt3A_1010 = vector.broadcast %lt3A_1009 : i32 to vector<16xi32>
        %lt3A_1011 = arith.cmpi slt, %get3A_600, %lt3A_1010 : vector<16xi32>
        %add3A_1012 = arith.constant 16 : i32
        %add3A_1013 = vector.broadcast %add3A_1012 : i32 to vector<16xi32>
        %add3A_1014 = arith.addi %get3A_600, %add3A_1013 : vector<16xi32>
        %select_n3A_1015 = arith.select %lt3A_1011, %add3A_1014, %get3A_600 : vector<16xi1>, vector<16xi32>
        %reshape3A_1016 = vector.shape_cast %select_n3A_1015 : vector<16xi32> to vector<16x1xi32>
        %gather3A_1017 = vector.shape_cast %reshape3A_1016 : vector<16x1xi32> to vector<16xi32>
        %gather3A_1018 = tpu.dynamic_gather %gather3A_117[%gather3A_1017] in [0] : vector<16xf32>, vector<16xi32> -> vector<16xf32>
        %mul3A_1019 = arith.constant 16 : i32
        %mul3A_1020 = arith.muli %scan3A_890, %mul3A_1019 : i32
        %swap3A_1021 = arith.constant 0 : i32
        %swap3A_1022 = arith.constant 6 : i32
        %swap3A_1023 = arith.index_cast %swap3A_1021 : i32 to index
        %swap3A_1024 = arith.index_cast %swap3A_1022 : i32 to index
        %swap3A_1025 = arith.index_cast %mul3A_1020 : i32 to index
        %swap3A_1026 = tpu.vector_load %arg9[%swap3A_1023, %swap3A_1024, %swap3A_1025] {strides = array<i32>} : memref<1x16x2048xf32, #tpu.memory_space<vmem>>, vector<16xf32>,
        tpu.vector_store %arg9[%swap3A_1023, %swap3A_1024, %swap3A_1025], %gather3A_1018 {strides = array<i32>} : memref<1x16x2048xf32, #tpu.memory_space<vmem>>, vector<16xf32>,
        %lt3A_1027 = arith.constant 0 : i32
        %lt3A_1028 = vector.broadcast %lt3A_1027 : i32 to vector<16xi32>
        %lt3A_1029 = arith.cmpi slt, %get3A_600, %lt3A_1028 : vector<16xi32>
        %add3A_1030 = arith.constant 16 : i32
        %add3A_1031 = vector.broadcast %add3A_1030 : i32 to vector<16xi32>
        %add3A_1032 = arith.addi %get3A_600, %add3A_1031 : vector<16xi32>
        %select_n3A_1033 = arith.select %lt3A_1029, %add3A_1032, %get3A_600 : vector<16xi1>, vector<16xi32>
        %reshape3A_1034 = vector.shape_cast %select_n3A_1033 : vector<16xi32> to vector<16x1xi32>
        %gather3A_1035 = vector.shape_cast %reshape3A_1034 : vector<16x1xi32> to vector<16xi32>
        %gather3A_1036 = tpu.dynamic_gather %gather3A_124[%gather3A_1035] in [0] : vector<16xf32>, vector<16xi32> -> vector<16xf32>
        %mul3A_1037 = arith.constant 16 : i32
        %mul3A_1038 = arith.muli %scan3A_890, %mul3A_1037 : i32
        %swap3A_1039 = arith.constant 0 : i32
        %swap3A_1040 = arith.constant 7 : i32
        %swap3A_1041 = arith.index_cast %swap3A_1039 : i32 to index
        %swap3A_1042 = arith.index_cast %swap3A_1040 : i32 to index
        %swap3A_1043 = arith.index_cast %mul3A_1038 : i32 to index
        %swap3A_1044 = tpu.vector_load %arg9[%swap3A_1041, %swap3A_1042, %swap3A_1043] {strides = array<i32>} : memref<1x16x2048xf32, #tpu.memory_space<vmem>>, vector<16xf32>,
        tpu.vector_store %arg9[%swap3A_1041, %swap3A_1042, %swap3A_1043], %gather3A_1036 {strides = array<i32>} : memref<1x16x2048xf32, #tpu.memory_space<vmem>>, vector<16xf32>,
        %lt3A_1045 = arith.constant 0 : i32
        %lt3A_1046 = vector.broadcast %lt3A_1045 : i32 to vector<16xi32>
        %lt3A_1047 = arith.cmpi slt, %get3A_600, %lt3A_1046 : vector<16xi32>
        %add3A_1048 = arith.constant 16 : i32
        %add3A_1049 = vector.broadcast %add3A_1048 : i32 to vector<16xi32>
        %add3A_1050 = arith.addi %get3A_600, %add3A_1049 : vector<16xi32>
        %select_n3A_1051 = arith.select %lt3A_1047, %add3A_1050, %get3A_600 : vector<16xi1>, vector<16xi32>
        %reshape3A_1052 = vector.shape_cast %select_n3A_1051 : vector<16xi32> to vector<16x1xi32>
        %gather3A_1053 = vector.shape_cast %reshape3A_1052 : vector<16x1xi32> to vector<16xi32>
        %gather3A_1054 = tpu.dynamic_gather %gather3A_131[%gather3A_1053] in [0] : vector<16xf32>, vector<16xi32> -> vector<16xf32>
        %mul3A_1055 = arith.constant 16 : i32
        %mul3A_1056 = arith.muli %scan3A_890, %mul3A_1055 : i32
        %swap3A_1057 = arith.constant 0 : i32
        %swap3A_1058 = arith.constant 8 : i32
        %swap3A_1059 = arith.index_cast %swap3A_1057 : i32 to index
        %swap3A_1060 = arith.index_cast %swap3A_1058 : i32 to index
        %swap3A_1061 = arith.index_cast %mul3A_1056 : i32 to index
        %swap3A_1062 = tpu.vector_load %arg9[%swap3A_1059, %swap3A_1060, %swap3A_1061] {strides = array<i32>} : memref<1x16x2048xf32, #tpu.memory_space<vmem>>, vector<16xf32>,
        tpu.vector_store %arg9[%swap3A_1059, %swap3A_1060, %swap3A_1061], %gather3A_1054 {strides = array<i32>} : memref<1x16x2048xf32, #tpu.memory_space<vmem>>, vector<16xf32>,
        %lt3A_1063 = arith.constant 0 : i32
        %lt3A_1064 = vector.broadcast %lt3A_1063 : i32 to vector<16xi32>
        %lt3A_1065 = arith.cmpi slt, %get3A_600, %lt3A_1064 : vector<16xi32>
        %add3A_1066 = arith.constant 16 : i32
        %add3A_1067 = vector.broadcast %add3A_1066 : i32 to vector<16xi32>
        %add3A_1068 = arith.addi %get3A_600, %add3A_1067 : vector<16xi32>
        %select_n3A_1069 = arith.select %lt3A_1065, %add3A_1068, %get3A_600 : vector<16xi1>, vector<16xi32>
        %reshape3A_1070 = vector.shape_cast %select_n3A_1069 : vector<16xi32> to vector<16x1xi32>
        %gather3A_1071 = vector.shape_cast %reshape3A_1070 : vector<16x1xi32> to vector<16xi32>
        %gather3A_1072 = tpu.dynamic_gather %gather3A_138[%gather3A_1071] in [0] : vector<16xf32>, vector<16xi32> -> vector<16xf32>
        %mul3A_1073 = arith.constant 16 : i32
        %mul3A_1074 = arith.muli %scan3A_890, %mul3A_1073 : i32
        %swap3A_1075 = arith.constant 0 : i32
        %swap3A_1076 = arith.constant 9 : i32
        %swap3A_1077 = arith.index_cast %swap3A_1075 : i32 to index
        %swap3A_1078 = arith.index_cast %swap3A_1076 : i32 to index
        %swap3A_1079 = arith.index_cast %mul3A_1074 : i32 to index
        %swap3A_1080 = tpu.vector_load %arg9[%swap3A_1077, %swap3A_1078, %swap3A_1079] {strides = array<i32>} : memref<1x16x2048xf32, #tpu.memory_space<vmem>>, vector<16xf32>,
        tpu.vector_store %arg9[%swap3A_1077, %swap3A_1078, %swap3A_1079], %gather3A_1072 {strides = array<i32>} : memref<1x16x2048xf32, #tpu.memory_space<vmem>>, vector<16xf32>,
        %lt3A_1081 = arith.constant 0 : i32
        %lt3A_1082 = vector.broadcast %lt3A_1081 : i32 to vector<16xi32>
        %lt3A_1083 = arith.cmpi slt, %get3A_600, %lt3A_1082 : vector<16xi32>
        %add3A_1084 = arith.constant 16 : i32
        %add3A_1085 = vector.broadcast %add3A_1084 : i32 to vector<16xi32>
        %add3A_1086 = arith.addi %get3A_600, %add3A_1085 : vector<16xi32>
        %select_n3A_1087 = arith.select %lt3A_1083, %add3A_1086, %get3A_600 : vector<16xi1>, vector<16xi32>
        %reshape3A_1088 = vector.shape_cast %select_n3A_1087 : vector<16xi32> to vector<16x1xi32>
        %gather3A_1089 = vector.shape_cast %reshape3A_1088 : vector<16x1xi32> to vector<16xi32>
        %gather3A_1090 = tpu.dynamic_gather %gather3A_145[%gather3A_1089] in [0] : vector<16xf32>, vector<16xi32> -> vector<16xf32>
        %mul3A_1091 = arith.constant 16 : i32
        %mul3A_1092 = arith.muli %scan3A_890, %mul3A_1091 : i32
        %swap3A_1093 = arith.constant 0 : i32
        %swap3A_1094 = arith.constant 10 : i32
        %swap3A_1095 = arith.index_cast %swap3A_1093 : i32 to index
        %swap3A_1096 = arith.index_cast %swap3A_1094 : i32 to index
        %swap3A_1097 = arith.index_cast %mul3A_1092 : i32 to index
        %swap3A_1098 = tpu.vector_load %arg9[%swap3A_1095, %swap3A_1096, %swap3A_1097] {strides = array<i32>} : memref<1x16x2048xf32, #tpu.memory_space<vmem>>, vector<16xf32>,
        tpu.vector_store %arg9[%swap3A_1095, %swap3A_1096, %swap3A_1097], %gather3A_1090 {strides = array<i32>} : memref<1x16x2048xf32, #tpu.memory_space<vmem>>, vector<16xf32>,
        %lt3A_1099 = arith.constant 0 : i32
        %lt3A_1100 = vector.broadcast %lt3A_1099 : i32 to vector<16xi32>
        %lt3A_1101 = arith.cmpi slt, %get3A_600, %lt3A_1100 : vector<16xi32>
        %add3A_1102 = arith.constant 16 : i32
        %add3A_1103 = vector.broadcast %add3A_1102 : i32 to vector<16xi32>
        %add3A_1104 = arith.addi %get3A_600, %add3A_1103 : vector<16xi32>
        %select_n3A_1105 = arith.select %lt3A_1101, %add3A_1104, %get3A_600 : vector<16xi1>, vector<16xi32>
        %reshape3A_1106 = vector.shape_cast %select_n3A_1105 : vector<16xi32> to vector<16x1xi32>
        %gather3A_1107 = vector.shape_cast %reshape3A_1106 : vector<16x1xi32> to vector<16xi32>
        %gather3A_1108 = tpu.dynamic_gather %gather3A_152[%gather3A_1107] in [0] : vector<16xf32>, vector<16xi32> -> vector<16xf32>
        %mul3A_1109 = arith.constant 16 : i32
        %mul3A_1110 = arith.muli %scan3A_890, %mul3A_1109 : i32
        %swap3A_1111 = arith.constant 0 : i32
        %swap3A_1112 = arith.constant 11 : i32
        %swap3A_1113 = arith.index_cast %swap3A_1111 : i32 to index
        %swap3A_1114 = arith.index_cast %swap3A_1112 : i32 to index
        %swap3A_1115 = arith.index_cast %mul3A_1110 : i32 to index
        %swap3A_1116 = tpu.vector_load %arg9[%swap3A_1113, %swap3A_1114, %swap3A_1115] {strides = array<i32>} : memref<1x16x2048xf32, #tpu.memory_space<vmem>>, vector<16xf32>,
        tpu.vector_store %arg9[%swap3A_1113, %swap3A_1114, %swap3A_1115], %gather3A_1108 {strides = array<i32>} : memref<1x16x2048xf32, #tpu.memory_space<vmem>>, vector<16xf32>,
        %lt3A_1117 = arith.constant 0 : i32
        %lt3A_1118 = vector.broadcast %lt3A_1117 : i32 to vector<16xi32>
        %lt3A_1119 = arith.cmpi slt, %get3A_600, %lt3A_1118 : vector<16xi32>
        %add3A_1120 = arith.constant 16 : i32
        %add3A_1121 = vector.broadcast %add3A_1120 : i32 to vector<16xi32>
        %add3A_1122 = arith.addi %get3A_600, %add3A_1121 : vector<16xi32>
        %select_n3A_1123 = arith.select %lt3A_1119, %add3A_1122, %get3A_600 : vector<16xi1>, vector<16xi32>
        %reshape3A_1124 = vector.shape_cast %select_n3A_1123 : vector<16xi32> to vector<16x1xi32>
        %gather3A_1125 = vector.shape_cast %reshape3A_1124 : vector<16x1xi32> to vector<16xi32>
        %gather3A_1126 = tpu.dynamic_gather %gather3A_159[%gather3A_1125] in [0] : vector<16xf32>, vector<16xi32> -> vector<16xf32>
        %mul3A_1127 = arith.constant 16 : i32
        %mul3A_1128 = arith.muli %scan3A_890, %mul3A_1127 : i32
        %swap3A_1129 = arith.constant 0 : i32
        %swap3A_1130 = arith.constant 12 : i32
        %swap3A_1131 = arith.index_cast %swap3A_1129 : i32 to index
        %swap3A_1132 = arith.index_cast %swap3A_1130 : i32 to index
        %swap3A_1133 = arith.index_cast %mul3A_1128 : i32 to index
        %swap3A_1134 = tpu.vector_load %arg9[%swap3A_1131, %swap3A_1132, %swap3A_1133] {strides = array<i32>} : memref<1x16x2048xf32, #tpu.memory_space<vmem>>, vector<16xf32>,
        tpu.vector_store %arg9[%swap3A_1131, %swap3A_1132, %swap3A_1133], %gather3A_1126 {strides = array<i32>} : memref<1x16x2048xf32, #tpu.memory_space<vmem>>, vector<16xf32>,
        %lt3A_1135 = arith.constant 0 : i32
        %lt3A_1136 = vector.broadcast %lt3A_1135 : i32 to vector<16xi32>
        %lt3A_1137 = arith.cmpi slt, %get3A_600, %lt3A_1136 : vector<16xi32>
        %add3A_1138 = arith.constant 16 : i32
        %add3A_1139 = vector.broadcast %add3A_1138 : i32 to vector<16xi32>
        %add3A_1140 = arith.addi %get3A_600, %add3A_1139 : vector<16xi32>
        %select_n3A_1141 = arith.select %lt3A_1137, %add3A_1140, %get3A_600 : vector<16xi1>, vector<16xi32>
        %reshape3A_1142 = vector.shape_cast %select_n3A_1141 : vector<16xi32> to vector<16x1xi32>
        %gather3A_1143 = vector.shape_cast %reshape3A_1142 : vector<16x1xi32> to vector<16xi32>
        %gather3A_1144 = tpu.dynamic_gather %gather3A_166[%gather3A_1143] in [0] : vector<16xf32>, vector<16xi32> -> vector<16xf32>
        %mul3A_1145 = arith.constant 16 : i32
        %mul3A_1146 = arith.muli %scan3A_890, %mul3A_1145 : i32
        %swap3A_1147 = arith.constant 0 : i32
        %swap3A_1148 = arith.constant 13 : i32
        %swap3A_1149 = arith.index_cast %swap3A_1147 : i32 to index
        %swap3A_1150 = arith.index_cast %swap3A_1148 : i32 to index
        %swap3A_1151 = arith.index_cast %mul3A_1146 : i32 to index
        %swap3A_1152 = tpu.vector_load %arg9[%swap3A_1149, %swap3A_1150, %swap3A_1151] {strides = array<i32>} : memref<1x16x2048xf32, #tpu.memory_space<vmem>>, vector<16xf32>,
        tpu.vector_store %arg9[%swap3A_1149, %swap3A_1150, %swap3A_1151], %gather3A_1144 {strides = array<i32>} : memref<1x16x2048xf32, #tpu.memory_space<vmem>>, vector<16xf32>,
        %lt3A_1153 = arith.constant 0 : i32
        %lt3A_1154 = vector.broadcast %lt3A_1153 : i32 to vector<16xi32>
        %lt3A_1155 = arith.cmpi slt, %get3A_600, %lt3A_1154 : vector<16xi32>
        %add3A_1156 = arith.constant 16 : i32
        %add3A_1157 = vector.broadcast %add3A_1156 : i32 to vector<16xi32>
        %add3A_1158 = arith.addi %get3A_600, %add3A_1157 : vector<16xi32>
        %select_n3A_1159 = arith.select %lt3A_1155, %add3A_1158, %get3A_600 : vector<16xi1>, vector<16xi32>
        %reshape3A_1160 = vector.shape_cast %select_n3A_1159 : vector<16xi32> to vector<16x1xi32>
        %gather3A_1161 = vector.shape_cast %reshape3A_1160 : vector<16x1xi32> to vector<16xi32>
        %gather3A_1162 = tpu.dynamic_gather %gather3A_173[%gather3A_1161] in [0] : vector<16xf32>, vector<16xi32> -> vector<16xf32>
        %mul3A_1163 = arith.constant 16 : i32
        %mul3A_1164 = arith.muli %scan3A_890, %mul3A_1163 : i32
        %swap3A_1165 = arith.constant 0 : i32
        %swap3A_1166 = arith.constant 14 : i32
        %swap3A_1167 = arith.index_cast %swap3A_1165 : i32 to index
        %swap3A_1168 = arith.index_cast %swap3A_1166 : i32 to index
        %swap3A_1169 = arith.index_cast %mul3A_1164 : i32 to index
        %swap3A_1170 = tpu.vector_load %arg9[%swap3A_1167, %swap3A_1168, %swap3A_1169] {strides = array<i32>} : memref<1x16x2048xf32, #tpu.memory_space<vmem>>, vector<16xf32>,
        tpu.vector_store %arg9[%swap3A_1167, %swap3A_1168, %swap3A_1169], %gather3A_1162 {strides = array<i32>} : memref<1x16x2048xf32, #tpu.memory_space<vmem>>, vector<16xf32>,
        %lt3A_1171 = arith.constant 0 : i32
        %lt3A_1172 = vector.broadcast %lt3A_1171 : i32 to vector<16xi32>
        %lt3A_1173 = arith.cmpi slt, %get3A_600, %lt3A_1172 : vector<16xi32>
        %add3A_1174 = arith.constant 16 : i32
        %add3A_1175 = vector.broadcast %add3A_1174 : i32 to vector<16xi32>
        %add3A_1176 = arith.addi %get3A_600, %add3A_1175 : vector<16xi32>
        %select_n3A_1177 = arith.select %lt3A_1173, %add3A_1176, %get3A_600 : vector<16xi1>, vector<16xi32>
        %reshape3A_1178 = vector.shape_cast %select_n3A_1177 : vector<16xi32> to vector<16x1xi32>
        %gather3A_1179 = vector.shape_cast %reshape3A_1178 : vector<16x1xi32> to vector<16xi32>
        %gather3A_1180 = tpu.dynamic_gather %gather3A_180[%gather3A_1179] in [0] : vector<16xf32>, vector<16xi32> -> vector<16xf32>
        %mul3A_1181 = arith.constant 16 : i32
        %mul3A_1182 = arith.muli %scan3A_890, %mul3A_1181 : i32
        %swap3A_1183 = arith.constant 0 : i32
        %swap3A_1184 = arith.constant 15 : i32
        %swap3A_1185 = arith.index_cast %swap3A_1183 : i32 to index
        %swap3A_1186 = arith.index_cast %swap3A_1184 : i32 to index
        %swap3A_1187 = arith.index_cast %mul3A_1182 : i32 to index
        %swap3A_1188 = tpu.vector_load %arg9[%swap3A_1185, %swap3A_1186, %swap3A_1187] {strides = array<i32>} : memref<1x16x2048xf32, #tpu.memory_space<vmem>>, vector<16xf32>,
        tpu.vector_store %arg9[%swap3A_1185, %swap3A_1186, %swap3A_1187], %gather3A_1180 {strides = array<i32>} : memref<1x16x2048xf32, #tpu.memory_space<vmem>>, vector<16xf32>,
        %scan3A_1189 = arith.constant 3 : i32
        %scan3A_1190 = arith.addi %scan3A_292, %scan3A_1189 : i32
        %add3A_1191 = arith.constant 1 : i32
        %add3A_1192 = arith.addi %scan3A_1190, %add3A_1191 : i32
        %mul3A_1193 = arith.constant 16 : i32
        %mul3A_1194 = arith.muli %add3A_1192, %mul3A_1193 : i32
        %min3A_1195 = arith.constant 2032 : i32
        %min3A_1196 = arith.minsi %mul3A_1194, %min3A_1195 : i32
        %get3A_1197 = arith.constant 0 : i32
        %get3A_1198 = arith.index_cast %get3A_1197 : i32 to index
        %get3A_1199 = arith.index_cast %min3A_1196 : i32 to index
        %get3A_1200 = tpu.vector_load %arg7[%get3A_1198, %get3A_1199] {strides = array<i32>} : memref<1x2048xi32, #tpu.memory_space<vmem>>, vector<16xi32>,
        %lt3A_1201 = arith.constant 0 : i32
        %lt3A_1202 = vector.broadcast %lt3A_1201 : i32 to vector<16xi32>
        %lt3A_1203 = arith.cmpi slt, %get3A_900, %lt3A_1202 : vector<16xi32>
        %add3A_1204 = arith.constant 16 : i32
        %add3A_1205 = vector.broadcast %add3A_1204 : i32 to vector<16xi32>
        %add3A_1206 = arith.addi %get3A_900, %add3A_1205 : vector<16xi32>
        %select_n3A_1207 = arith.select %lt3A_1203, %add3A_1206, %get3A_900 : vector<16xi1>, vector<16xi32>
        %reshape3A_1208 = vector.shape_cast %select_n3A_1207 : vector<16xi32> to vector<16x1xi32>
        %gather3A_1209 = vector.shape_cast %reshape3A_1208 : vector<16x1xi32> to vector<16xi32>
        %gather3A_1210 = tpu.dynamic_gather %gather3A[%gather3A_1209] in [0] : vector<16xf32>, vector<16xi32> -> vector<16xf32>
        %mul3A_1211 = arith.constant 16 : i32
        %mul3A_1212 = arith.muli %scan3A_1190, %mul3A_1211 : i32
        %swap3A_1213 = arith.constant 0 : i32
        %swap3A_1214 = arith.constant 0 : i32
        %swap3A_1215 = arith.index_cast %swap3A_1213 : i32 to index
        %swap3A_1216 = arith.index_cast %swap3A_1214 : i32 to index
        %swap3A_1217 = arith.index_cast %mul3A_1212 : i32 to index
        %swap3A_1218 = tpu.vector_load %arg9[%swap3A_1215, %swap3A_1216, %swap3A_1217] {strides = array<i32>} : memref<1x16x2048xf32, #tpu.memory_space<vmem>>, vector<16xf32>,
        tpu.vector_store %arg9[%swap3A_1215, %swap3A_1216, %swap3A_1217], %gather3A_1210 {strides = array<i32>} : memref<1x16x2048xf32, #tpu.memory_space<vmem>>, vector<16xf32>,
        %lt3A_1219 = arith.constant 0 : i32
        %lt3A_1220 = vector.broadcast %lt3A_1219 : i32 to vector<16xi32>
        %lt3A_1221 = arith.cmpi slt, %get3A_900, %lt3A_1220 : vector<16xi32>
        %add3A_1222 = arith.constant 16 : i32
        %add3A_1223 = vector.broadcast %add3A_1222 : i32 to vector<16xi32>
        %add3A_1224 = arith.addi %get3A_900, %add3A_1223 : vector<16xi32>
        %select_n3A_1225 = arith.select %lt3A_1221, %add3A_1224, %get3A_900 : vector<16xi1>, vector<16xi32>
        %reshape3A_1226 = vector.shape_cast %select_n3A_1225 : vector<16xi32> to vector<16x1xi32>
        %gather3A_1227 = vector.shape_cast %reshape3A_1226 : vector<16x1xi32> to vector<16xi32>
        %gather3A_1228 = tpu.dynamic_gather %gather3A_82[%gather3A_1227] in [0] : vector<16xf32>, vector<16xi32> -> vector<16xf32>
        %mul3A_1229 = arith.constant 16 : i32
        %mul3A_1230 = arith.muli %scan3A_1190, %mul3A_1229 : i32
        %swap3A_1231 = arith.constant 0 : i32
        %swap3A_1232 = arith.constant 1 : i32
        %swap3A_1233 = arith.index_cast %swap3A_1231 : i32 to index
        %swap3A_1234 = arith.index_cast %swap3A_1232 : i32 to index
        %swap3A_1235 = arith.index_cast %mul3A_1230 : i32 to index
        %swap3A_1236 = tpu.vector_load %arg9[%swap3A_1233, %swap3A_1234, %swap3A_1235] {strides = array<i32>} : memref<1x16x2048xf32, #tpu.memory_space<vmem>>, vector<16xf32>,
        tpu.vector_store %arg9[%swap3A_1233, %swap3A_1234, %swap3A_1235], %gather3A_1228 {strides = array<i32>} : memref<1x16x2048xf32, #tpu.memory_space<vmem>>, vector<16xf32>,
        %lt3A_1237 = arith.constant 0 : i32
        %lt3A_1238 = vector.broadcast %lt3A_1237 : i32 to vector<16xi32>
        %lt3A_1239 = arith.cmpi slt, %get3A_900, %lt3A_1238 : vector<16xi32>
        %add3A_1240 = arith.constant 16 : i32
        %add3A_1241 = vector.broadcast %add3A_1240 : i32 to vector<16xi32>
        %add3A_1242 = arith.addi %get3A_900, %add3A_1241 : vector<16xi32>
        %select_n3A_1243 = arith.select %lt3A_1239, %add3A_1242, %get3A_900 : vector<16xi1>, vector<16xi32>
        %reshape3A_1244 = vector.shape_cast %select_n3A_1243 : vector<16xi32> to vector<16x1xi32>
        %gather3A_1245 = vector.shape_cast %reshape3A_1244 : vector<16x1xi32> to vector<16xi32>
        %gather3A_1246 = tpu.dynamic_gather %gather3A_89[%gather3A_1245] in [0] : vector<16xf32>, vector<16xi32> -> vector<16xf32>
        %mul3A_1247 = arith.constant 16 : i32
        %mul3A_1248 = arith.muli %scan3A_1190, %mul3A_1247 : i32
        %swap3A_1249 = arith.constant 0 : i32
        %swap3A_1250 = arith.constant 2 : i32
        %swap3A_1251 = arith.index_cast %swap3A_1249 : i32 to index
        %swap3A_1252 = arith.index_cast %swap3A_1250 : i32 to index
        %swap3A_1253 = arith.index_cast %mul3A_1248 : i32 to index
        %swap3A_1254 = tpu.vector_load %arg9[%swap3A_1251, %swap3A_1252, %swap3A_1253] {strides = array<i32>} : memref<1x16x2048xf32, #tpu.memory_space<vmem>>, vector<16xf32>,
        tpu.vector_store %arg9[%swap3A_1251, %swap3A_1252, %swap3A_1253], %gather3A_1246 {strides = array<i32>} : memref<1x16x2048xf32, #tpu.memory_space<vmem>>, vector<16xf32>,
        %lt3A_1255 = arith.constant 0 : i32
        %lt3A_1256 = vector.broadcast %lt3A_1255 : i32 to vector<16xi32>
        %lt3A_1257 = arith.cmpi slt, %get3A_900, %lt3A_1256 : vector<16xi32>
        %add3A_1258 = arith.constant 16 : i32
        %add3A_1259 = vector.broadcast %add3A_1258 : i32 to vector<16xi32>
        %add3A_1260 = arith.addi %get3A_900, %add3A_1259 : vector<16xi32>
        %select_n3A_1261 = arith.select %lt3A_1257, %add3A_1260, %get3A_900 : vector<16xi1>, vector<16xi32>
        %reshape3A_1262 = vector.shape_cast %select_n3A_1261 : vector<16xi32> to vector<16x1xi32>
        %gather3A_1263 = vector.shape_cast %reshape3A_1262 : vector<16x1xi32> to vector<16xi32>
        %gather3A_1264 = tpu.dynamic_gather %gather3A_96[%gather3A_1263] in [0] : vector<16xf32>, vector<16xi32> -> vector<16xf32>
        %mul3A_1265 = arith.constant 16 : i32
        %mul3A_1266 = arith.muli %scan3A_1190, %mul3A_1265 : i32
        %swap3A_1267 = arith.constant 0 : i32
        %swap3A_1268 = arith.constant 3 : i32
        %swap3A_1269 = arith.index_cast %swap3A_1267 : i32 to index
        %swap3A_1270 = arith.index_cast %swap3A_1268 : i32 to index
        %swap3A_1271 = arith.index_cast %mul3A_1266 : i32 to index
        %swap3A_1272 = tpu.vector_load %arg9[%swap3A_1269, %swap3A_1270, %swap3A_1271] {strides = array<i32>} : memref<1x16x2048xf32, #tpu.memory_space<vmem>>, vector<16xf32>,
        tpu.vector_store %arg9[%swap3A_1269, %swap3A_1270, %swap3A_1271], %gather3A_1264 {strides = array<i32>} : memref<1x16x2048xf32, #tpu.memory_space<vmem>>, vector<16xf32>,
        %lt3A_1273 = arith.constant 0 : i32
        %lt3A_1274 = vector.broadcast %lt3A_1273 : i32 to vector<16xi32>
        %lt3A_1275 = arith.cmpi slt, %get3A_900, %lt3A_1274 : vector<16xi32>
        %add3A_1276 = arith.constant 16 : i32
        %add3A_1277 = vector.broadcast %add3A_1276 : i32 to vector<16xi32>
        %add3A_1278 = arith.addi %get3A_900, %add3A_1277 : vector<16xi32>
        %select_n3A_1279 = arith.select %lt3A_1275, %add3A_1278, %get3A_900 : vector<16xi1>, vector<16xi32>
        %reshape3A_1280 = vector.shape_cast %select_n3A_1279 : vector<16xi32> to vector<16x1xi32>
        %gather3A_1281 = vector.shape_cast %reshape3A_1280 : vector<16x1xi32> to vector<16xi32>
        %gather3A_1282 = tpu.dynamic_gather %gather3A_103[%gather3A_1281] in [0] : vector<16xf32>, vector<16xi32> -> vector<16xf32>
        %mul3A_1283 = arith.constant 16 : i32
        %mul3A_1284 = arith.muli %scan3A_1190, %mul3A_1283 : i32
        %swap3A_1285 = arith.constant 0 : i32
        %swap3A_1286 = arith.constant 4 : i32
        %swap3A_1287 = arith.index_cast %swap3A_1285 : i32 to index
        %swap3A_1288 = arith.index_cast %swap3A_1286 : i32 to index
        %swap3A_1289 = arith.index_cast %mul3A_1284 : i32 to index
        %swap3A_1290 = tpu.vector_load %arg9[%swap3A_1287, %swap3A_1288, %swap3A_1289] {strides = array<i32>} : memref<1x16x2048xf32, #tpu.memory_space<vmem>>, vector<16xf32>,
        tpu.vector_store %arg9[%swap3A_1287, %swap3A_1288, %swap3A_1289], %gather3A_1282 {strides = array<i32>} : memref<1x16x2048xf32, #tpu.memory_space<vmem>>, vector<16xf32>,
        %lt3A_1291 = arith.constant 0 : i32
        %lt3A_1292 = vector.broadcast %lt3A_1291 : i32 to vector<16xi32>
        %lt3A_1293 = arith.cmpi slt, %get3A_900, %lt3A_1292 : vector<16xi32>
        %add3A_1294 = arith.constant 16 : i32
        %add3A_1295 = vector.broadcast %add3A_1294 : i32 to vector<16xi32>
        %add3A_1296 = arith.addi %get3A_900, %add3A_1295 : vector<16xi32>
        %select_n3A_1297 = arith.select %lt3A_1293, %add3A_1296, %get3A_900 : vector<16xi1>, vector<16xi32>
        %reshape3A_1298 = vector.shape_cast %select_n3A_1297 : vector<16xi32> to vector<16x1xi32>
        %gather3A_1299 = vector.shape_cast %reshape3A_1298 : vector<16x1xi32> to vector<16xi32>
        %gather3A_1300 = tpu.dynamic_gather %gather3A_110[%gather3A_1299] in [0] : vector<16xf32>, vector<16xi32> -> vector<16xf32>
        %mul3A_1301 = arith.constant 16 : i32
        %mul3A_1302 = arith.muli %scan3A_1190, %mul3A_1301 : i32
        %swap3A_1303 = arith.constant 0 : i32
        %swap3A_1304 = arith.constant 5 : i32
        %swap3A_1305 = arith.index_cast %swap3A_1303 : i32 to index
        %swap3A_1306 = arith.index_cast %swap3A_1304 : i32 to index
        %swap3A_1307 = arith.index_cast %mul3A_1302 : i32 to index
        %swap3A_1308 = tpu.vector_load %arg9[%swap3A_1305, %swap3A_1306, %swap3A_1307] {strides = array<i32>} : memref<1x16x2048xf32, #tpu.memory_space<vmem>>, vector<16xf32>,
        tpu.vector_store %arg9[%swap3A_1305, %swap3A_1306, %swap3A_1307], %gather3A_1300 {strides = array<i32>} : memref<1x16x2048xf32, #tpu.memory_space<vmem>>, vector<16xf32>,
        %lt3A_1309 = arith.constant 0 : i32
        %lt3A_1310 = vector.broadcast %lt3A_1309 : i32 to vector<16xi32>
        %lt3A_1311 = arith.cmpi slt, %get3A_900, %lt3A_1310 : vector<16xi32>
        %add3A_1312 = arith.constant 16 : i32
        %add3A_1313 = vector.broadcast %add3A_1312 : i32 to vector<16xi32>
        %add3A_1314 = arith.addi %get3A_900, %add3A_1313 : vector<16xi32>
        %select_n3A_1315 = arith.select %lt3A_1311, %add3A_1314, %get3A_900 : vector<16xi1>, vector<16xi32>
        %reshape3A_1316 = vector.shape_cast %select_n3A_1315 : vector<16xi32> to vector<16x1xi32>
        %gather3A_1317 = vector.shape_cast %reshape3A_1316 : vector<16x1xi32> to vector<16xi32>
        %gather3A_1318 = tpu.dynamic_gather %gather3A_117[%gather3A_1317] in [0] : vector<16xf32>, vector<16xi32> -> vector<16xf32>
        %mul3A_1319 = arith.constant 16 : i32
        %mul3A_1320 = arith.muli %scan3A_1190, %mul3A_1319 : i32
        %swap3A_1321 = arith.constant 0 : i32
        %swap3A_1322 = arith.constant 6 : i32
        %swap3A_1323 = arith.index_cast %swap3A_1321 : i32 to index
        %swap3A_1324 = arith.index_cast %swap3A_1322 : i32 to index
        %swap3A_1325 = arith.index_cast %mul3A_1320 : i32 to index
        %swap3A_1326 = tpu.vector_load %arg9[%swap3A_1323, %swap3A_1324, %swap3A_1325] {strides = array<i32>} : memref<1x16x2048xf32, #tpu.memory_space<vmem>>, vector<16xf32>,
        tpu.vector_store %arg9[%swap3A_1323, %swap3A_1324, %swap3A_1325], %gather3A_1318 {strides = array<i32>} : memref<1x16x2048xf32, #tpu.memory_space<vmem>>, vector<16xf32>,
        %lt3A_1327 = arith.constant 0 : i32
        %lt3A_1328 = vector.broadcast %lt3A_1327 : i32 to vector<16xi32>
        %lt3A_1329 = arith.cmpi slt, %get3A_900, %lt3A_1328 : vector<16xi32>
        %add3A_1330 = arith.constant 16 : i32
        %add3A_1331 = vector.broadcast %add3A_1330 : i32 to vector<16xi32>
        %add3A_1332 = arith.addi %get3A_900, %add3A_1331 : vector<16xi32>
        %select_n3A_1333 = arith.select %lt3A_1329, %add3A_1332, %get3A_900 : vector<16xi1>, vector<16xi32>
        %reshape3A_1334 = vector.shape_cast %select_n3A_1333 : vector<16xi32> to vector<16x1xi32>
        %gather3A_1335 = vector.shape_cast %reshape3A_1334 : vector<16x1xi32> to vector<16xi32>
        %gather3A_1336 = tpu.dynamic_gather %gather3A_124[%gather3A_1335] in [0] : vector<16xf32>, vector<16xi32> -> vector<16xf32>
        %mul3A_1337 = arith.constant 16 : i32
        %mul3A_1338 = arith.muli %scan3A_1190, %mul3A_1337 : i32
        %swap3A_1339 = arith.constant 0 : i32
        %swap3A_1340 = arith.constant 7 : i32
        %swap3A_1341 = arith.index_cast %swap3A_1339 : i32 to index
        %swap3A_1342 = arith.index_cast %swap3A_1340 : i32 to index
        %swap3A_1343 = arith.index_cast %mul3A_1338 : i32 to index
        %swap3A_1344 = tpu.vector_load %arg9[%swap3A_1341, %swap3A_1342, %swap3A_1343] {strides = array<i32>} : memref<1x16x2048xf32, #tpu.memory_space<vmem>>, vector<16xf32>,
        tpu.vector_store %arg9[%swap3A_1341, %swap3A_1342, %swap3A_1343], %gather3A_1336 {strides = array<i32>} : memref<1x16x2048xf32, #tpu.memory_space<vmem>>, vector<16xf32>,
        %lt3A_1345 = arith.constant 0 : i32
        %lt3A_1346 = vector.broadcast %lt3A_1345 : i32 to vector<16xi32>
        %lt3A_1347 = arith.cmpi slt, %get3A_900, %lt3A_1346 : vector<16xi32>
        %add3A_1348 = arith.constant 16 : i32
        %add3A_1349 = vector.broadcast %add3A_1348 : i32 to vector<16xi32>
        %add3A_1350 = arith.addi %get3A_900, %add3A_1349 : vector<16xi32>
        %select_n3A_1351 = arith.select %lt3A_1347, %add3A_1350, %get3A_900 : vector<16xi1>, vector<16xi32>
        %reshape3A_1352 = vector.shape_cast %select_n3A_1351 : vector<16xi32> to vector<16x1xi32>
        %gather3A_1353 = vector.shape_cast %reshape3A_1352 : vector<16x1xi32> to vector<16xi32>
        %gather3A_1354 = tpu.dynamic_gather %gather3A_131[%gather3A_1353] in [0] : vector<16xf32>, vector<16xi32> -> vector<16xf32>
        %mul3A_1355 = arith.constant 16 : i32
        %mul3A_1356 = arith.muli %scan3A_1190, %mul3A_1355 : i32
        %swap3A_1357 = arith.constant 0 : i32
        %swap3A_1358 = arith.constant 8 : i32
        %swap3A_1359 = arith.index_cast %swap3A_1357 : i32 to index
        %swap3A_1360 = arith.index_cast %swap3A_1358 : i32 to index
        %swap3A_1361 = arith.index_cast %mul3A_1356 : i32 to index
        %swap3A_1362 = tpu.vector_load %arg9[%swap3A_1359, %swap3A_1360, %swap3A_1361] {strides = array<i32>} : memref<1x16x2048xf32, #tpu.memory_space<vmem>>, vector<16xf32>,
        tpu.vector_store %arg9[%swap3A_1359, %swap3A_1360, %swap3A_1361], %gather3A_1354 {strides = array<i32>} : memref<1x16x2048xf32, #tpu.memory_space<vmem>>, vector<16xf32>,
        %lt3A_1363 = arith.constant 0 : i32
        %lt3A_1364 = vector.broadcast %lt3A_1363 : i32 to vector<16xi32>
        %lt3A_1365 = arith.cmpi slt, %get3A_900, %lt3A_1364 : vector<16xi32>
        %add3A_1366 = arith.constant 16 : i32
        %add3A_1367 = vector.broadcast %add3A_1366 : i32 to vector<16xi32>
        %add3A_1368 = arith.addi %get3A_900, %add3A_1367 : vector<16xi32>
        %select_n3A_1369 = arith.select %lt3A_1365, %add3A_1368, %get3A_900 : vector<16xi1>, vector<16xi32>
        %reshape3A_1370 = vector.shape_cast %select_n3A_1369 : vector<16xi32> to vector<16x1xi32>
        %gather3A_1371 = vector.shape_cast %reshape3A_1370 : vector<16x1xi32> to vector<16xi32>
        %gather3A_1372 = tpu.dynamic_gather %gather3A_138[%gather3A_1371] in [0] : vector<16xf32>, vector<16xi32> -> vector<16xf32>
        %mul3A_1373 = arith.constant 16 : i32
        %mul3A_1374 = arith.muli %scan3A_1190, %mul3A_1373 : i32
        %swap3A_1375 = arith.constant 0 : i32
        %swap3A_1376 = arith.constant 9 : i32
        %swap3A_1377 = arith.index_cast %swap3A_1375 : i32 to index
        %swap3A_1378 = arith.index_cast %swap3A_1376 : i32 to index
        %swap3A_1379 = arith.index_cast %mul3A_1374 : i32 to index
        %swap3A_1380 = tpu.vector_load %arg9[%swap3A_1377, %swap3A_1378, %swap3A_1379] {strides = array<i32>} : memref<1x16x2048xf32, #tpu.memory_space<vmem>>, vector<16xf32>,
        tpu.vector_store %arg9[%swap3A_1377, %swap3A_1378, %swap3A_1379], %gather3A_1372 {strides = array<i32>} : memref<1x16x2048xf32, #tpu.memory_space<vmem>>, vector<16xf32>,
        %lt3A_1381 = arith.constant 0 : i32
        %lt3A_1382 = vector.broadcast %lt3A_1381 : i32 to vector<16xi32>
        %lt3A_1383 = arith.cmpi slt, %get3A_900, %lt3A_1382 : vector<16xi32>
        %add3A_1384 = arith.constant 16 : i32
        %add3A_1385 = vector.broadcast %add3A_1384 : i32 to vector<16xi32>
        %add3A_1386 = arith.addi %get3A_900, %add3A_1385 : vector<16xi32>
        %select_n3A_1387 = arith.select %lt3A_1383, %add3A_1386, %get3A_900 : vector<16xi1>, vector<16xi32>
        %reshape3A_1388 = vector.shape_cast %select_n3A_1387 : vector<16xi32> to vector<16x1xi32>
        %gather3A_1389 = vector.shape_cast %reshape3A_1388 : vector<16x1xi32> to vector<16xi32>
        %gather3A_1390 = tpu.dynamic_gather %gather3A_145[%gather3A_1389] in [0] : vector<16xf32>, vector<16xi32> -> vector<16xf32>
        %mul3A_1391 = arith.constant 16 : i32
        %mul3A_1392 = arith.muli %scan3A_1190, %mul3A_1391 : i32
        %swap3A_1393 = arith.constant 0 : i32
        %swap3A_1394 = arith.constant 10 : i32
        %swap3A_1395 = arith.index_cast %swap3A_1393 : i32 to index
        %swap3A_1396 = arith.index_cast %swap3A_1394 : i32 to index
        %swap3A_1397 = arith.index_cast %mul3A_1392 : i32 to index
        %swap3A_1398 = tpu.vector_load %arg9[%swap3A_1395, %swap3A_1396, %swap3A_1397] {strides = array<i32>} : memref<1x16x2048xf32, #tpu.memory_space<vmem>>, vector<16xf32>,
        tpu.vector_store %arg9[%swap3A_1395, %swap3A_1396, %swap3A_1397], %gather3A_1390 {strides = array<i32>} : memref<1x16x2048xf32, #tpu.memory_space<vmem>>, vector<16xf32>,
        %lt3A_1399 = arith.constant 0 : i32
        %lt3A_1400 = vector.broadcast %lt3A_1399 : i32 to vector<16xi32>
        %lt3A_1401 = arith.cmpi slt, %get3A_900, %lt3A_1400 : vector<16xi32>
        %add3A_1402 = arith.constant 16 : i32
        %add3A_1403 = vector.broadcast %add3A_1402 : i32 to vector<16xi32>
        %add3A_1404 = arith.addi %get3A_900, %add3A_1403 : vector<16xi32>
        %select_n3A_1405 = arith.select %lt3A_1401, %add3A_1404, %get3A_900 : vector<16xi1>, vector<16xi32>
        %reshape3A_1406 = vector.shape_cast %select_n3A_1405 : vector<16xi32> to vector<16x1xi32>
        %gather3A_1407 = vector.shape_cast %reshape3A_1406 : vector<16x1xi32> to vector<16xi32>
        %gather3A_1408 = tpu.dynamic_gather %gather3A_152[%gather3A_1407] in [0] : vector<16xf32>, vector<16xi32> -> vector<16xf32>
        %mul3A_1409 = arith.constant 16 : i32
        %mul3A_1410 = arith.muli %scan3A_1190, %mul3A_1409 : i32
        %swap3A_1411 = arith.constant 0 : i32
        %swap3A_1412 = arith.constant 11 : i32
        %swap3A_1413 = arith.index_cast %swap3A_1411 : i32 to index
        %swap3A_1414 = arith.index_cast %swap3A_1412 : i32 to index
        %swap3A_1415 = arith.index_cast %mul3A_1410 : i32 to index
        %swap3A_1416 = tpu.vector_load %arg9[%swap3A_1413, %swap3A_1414, %swap3A_1415] {strides = array<i32>} : memref<1x16x2048xf32, #tpu.memory_space<vmem>>, vector<16xf32>,
        tpu.vector_store %arg9[%swap3A_1413, %swap3A_1414, %swap3A_1415], %gather3A_1408 {strides = array<i32>} : memref<1x16x2048xf32, #tpu.memory_space<vmem>>, vector<16xf32>,
        %lt3A_1417 = arith.constant 0 : i32
        %lt3A_1418 = vector.broadcast %lt3A_1417 : i32 to vector<16xi32>
        %lt3A_1419 = arith.cmpi slt, %get3A_900, %lt3A_1418 : vector<16xi32>
        %add3A_1420 = arith.constant 16 : i32
        %add3A_1421 = vector.broadcast %add3A_1420 : i32 to vector<16xi32>
        %add3A_1422 = arith.addi %get3A_900, %add3A_1421 : vector<16xi32>
        %select_n3A_1423 = arith.select %lt3A_1419, %add3A_1422, %get3A_900 : vector<16xi1>, vector<16xi32>
        %reshape3A_1424 = vector.shape_cast %select_n3A_1423 : vector<16xi32> to vector<16x1xi32>
        %gather3A_1425 = vector.shape_cast %reshape3A_1424 : vector<16x1xi32> to vector<16xi32>
        %gather3A_1426 = tpu.dynamic_gather %gather3A_159[%gather3A_1425] in [0] : vector<16xf32>, vector<16xi32> -> vector<16xf32>
        %mul3A_1427 = arith.constant 16 : i32
        %mul3A_1428 = arith.muli %scan3A_1190, %mul3A_1427 : i32
        %swap3A_1429 = arith.constant 0 : i32
        %swap3A_1430 = arith.constant 12 : i32
        %swap3A_1431 = arith.index_cast %swap3A_1429 : i32 to index
        %swap3A_1432 = arith.index_cast %swap3A_1430 : i32 to index
        %swap3A_1433 = arith.index_cast %mul3A_1428 : i32 to index
        %swap3A_1434 = tpu.vector_load %arg9[%swap3A_1431, %swap3A_1432, %swap3A_1433] {strides = array<i32>} : memref<1x16x2048xf32, #tpu.memory_space<vmem>>, vector<16xf32>,
        tpu.vector_store %arg9[%swap3A_1431, %swap3A_1432, %swap3A_1433], %gather3A_1426 {strides = array<i32>} : memref<1x16x2048xf32, #tpu.memory_space<vmem>>, vector<16xf32>,
        %lt3A_1435 = arith.constant 0 : i32
        %lt3A_1436 = vector.broadcast %lt3A_1435 : i32 to vector<16xi32>
        %lt3A_1437 = arith.cmpi slt, %get3A_900, %lt3A_1436 : vector<16xi32>
        %add3A_1438 = arith.constant 16 : i32
        %add3A_1439 = vector.broadcast %add3A_1438 : i32 to vector<16xi32>
        %add3A_1440 = arith.addi %get3A_900, %add3A_1439 : vector<16xi32>
        %select_n3A_1441 = arith.select %lt3A_1437, %add3A_1440, %get3A_900 : vector<16xi1>, vector<16xi32>
        %reshape3A_1442 = vector.shape_cast %select_n3A_1441 : vector<16xi32> to vector<16x1xi32>
        %gather3A_1443 = vector.shape_cast %reshape3A_1442 : vector<16x1xi32> to vector<16xi32>
        %gather3A_1444 = tpu.dynamic_gather %gather3A_166[%gather3A_1443] in [0] : vector<16xf32>, vector<16xi32> -> vector<16xf32>
        %mul3A_1445 = arith.constant 16 : i32
        %mul3A_1446 = arith.muli %scan3A_1190, %mul3A_1445 : i32
        %swap3A_1447 = arith.constant 0 : i32
        %swap3A_1448 = arith.constant 13 : i32
        %swap3A_1449 = arith.index_cast %swap3A_1447 : i32 to index
        %swap3A_1450 = arith.index_cast %swap3A_1448 : i32 to index
        %swap3A_1451 = arith.index_cast %mul3A_1446 : i32 to index
        %swap3A_1452 = tpu.vector_load %arg9[%swap3A_1449, %swap3A_1450, %swap3A_1451] {strides = array<i32>} : memref<1x16x2048xf32, #tpu.memory_space<vmem>>, vector<16xf32>,
        tpu.vector_store %arg9[%swap3A_1449, %swap3A_1450, %swap3A_1451], %gather3A_1444 {strides = array<i32>} : memref<1x16x2048xf32, #tpu.memory_space<vmem>>, vector<16xf32>,
        %lt3A_1453 = arith.constant 0 : i32
        %lt3A_1454 = vector.broadcast %lt3A_1453 : i32 to vector<16xi32>
        %lt3A_1455 = arith.cmpi slt, %get3A_900, %lt3A_1454 : vector<16xi32>
        %add3A_1456 = arith.constant 16 : i32
        %add3A_1457 = vector.broadcast %add3A_1456 : i32 to vector<16xi32>
        %add3A_1458 = arith.addi %get3A_900, %add3A_1457 : vector<16xi32>
        %select_n3A_1459 = arith.select %lt3A_1455, %add3A_1458, %get3A_900 : vector<16xi1>, vector<16xi32>
        %reshape3A_1460 = vector.shape_cast %select_n3A_1459 : vector<16xi32> to vector<16x1xi32>
        %gather3A_1461 = vector.shape_cast %reshape3A_1460 : vector<16x1xi32> to vector<16xi32>
        %gather3A_1462 = tpu.dynamic_gather %gather3A_173[%gather3A_1461] in [0] : vector<16xf32>, vector<16xi32> -> vector<16xf32>
        %mul3A_1463 = arith.constant 16 : i32
        %mul3A_1464 = arith.muli %scan3A_1190, %mul3A_1463 : i32
        %swap3A_1465 = arith.constant 0 : i32
        %swap3A_1466 = arith.constant 14 : i32
        %swap3A_1467 = arith.index_cast %swap3A_1465 : i32 to index
        %swap3A_1468 = arith.index_cast %swap3A_1466 : i32 to index
        %swap3A_1469 = arith.index_cast %mul3A_1464 : i32 to index
        %swap3A_1470 = tpu.vector_load %arg9[%swap3A_1467, %swap3A_1468, %swap3A_1469] {strides = array<i32>} : memref<1x16x2048xf32, #tpu.memory_space<vmem>>, vector<16xf32>,
        tpu.vector_store %arg9[%swap3A_1467, %swap3A_1468, %swap3A_1469], %gather3A_1462 {strides = array<i32>} : memref<1x16x2048xf32, #tpu.memory_space<vmem>>, vector<16xf32>,
        %lt3A_1471 = arith.constant 0 : i32
        %lt3A_1472 = vector.broadcast %lt3A_1471 : i32 to vector<16xi32>
        %lt3A_1473 = arith.cmpi slt, %get3A_900, %lt3A_1472 : vector<16xi32>
        %add3A_1474 = arith.constant 16 : i32
        %add3A_1475 = vector.broadcast %add3A_1474 : i32 to vector<16xi32>
        %add3A_1476 = arith.addi %get3A_900, %add3A_1475 : vector<16xi32>
        %select_n3A_1477 = arith.select %lt3A_1473, %add3A_1476, %get3A_900 : vector<16xi1>, vector<16xi32>
        %reshape3A_1478 = vector.shape_cast %select_n3A_1477 : vector<16xi32> to vector<16x1xi32>
        %gather3A_1479 = vector.shape_cast %reshape3A_1478 : vector<16x1xi32> to vector<16xi32>
        %gather3A_1480 = tpu.dynamic_gather %gather3A_180[%gather3A_1479] in [0] : vector<16xf32>, vector<16xi32> -> vector<16xf32>
        %mul3A_1481 = arith.constant 16 : i32
        %mul3A_1482 = arith.muli %scan3A_1190, %mul3A_1481 : i32
        %swap3A_1483 = arith.constant 0 : i32
        %swap3A_1484 = arith.constant 15 : i32
        %swap3A_1485 = arith.index_cast %swap3A_1483 : i32 to index
        %swap3A_1486 = arith.index_cast %swap3A_1484 : i32 to index
        %swap3A_1487 = arith.index_cast %mul3A_1482 : i32 to index
        %swap3A_1488 = tpu.vector_load %arg9[%swap3A_1485, %swap3A_1486, %swap3A_1487] {strides = array<i32>} : memref<1x16x2048xf32, #tpu.memory_space<vmem>>, vector<16xf32>,
        tpu.vector_store %arg9[%swap3A_1485, %swap3A_1486, %swap3A_1487], %gather3A_1480 {strides = array<i32>} : memref<1x16x2048xf32, #tpu.memory_space<vmem>>, vector<16xf32>,
        scf.yield %get3A_1200 : vector<16xi32>
      }
      %scan3A_240 = arith.constant 128 : i32
      %add3A_241 = arith.constant 2 : i32
      %add3A_242 = arith.addi %add3A_224, %add3A_241 : i32
      %add3A_243 = arith.constant 64 : i32
      %add3A_244 = arith.addi %mul3A_2, %add3A_243 : i32
      %lt3A = arith.cmpi slt, %add3A_242, %add3A_244 : i32
      %convert_element_type3A_245 = arith.extui %lt3A : i1 to i32
      %cond3A_246 = arith.constant 0 : i32
      %cond3A_247 = arith.cmpi ne, %convert_element_type3A_245, %cond3A_246 : i32
      scf.if %cond3A_247 {
        %add3A_292 = arith.constant 2 : i32
        %add3A_293 = arith.addi %add3A_224, %add3A_292 : i32
        %dma_start3A_294 = arith.constant 0 : i32
        %dma_start3A_295 = tpu.memref_slice %arg2[%add3A_293, %dma_start3A_294] : memref<2048x2048xi32, #tpu.memory_space<hbm>> -> memref<1x2048xi32, #tpu.memory_space<hbm>>
        %dma_start3A_296 = arith.constant 0 : i32
        %dma_start3A_297 = tpu.memref_slice %arg2[%add3A_293, %dma_start3A_296] : memref<2048x2048xi32, #tpu.memory_space<hbm>> -> memref<1x2048xi32, #tpu.memory_space<hbm>>
        tpu.enqueue_dma source(%dma_start3A_297 : memref<1x2048xi32, #tpu.memory_space<hbm>>) target(%arg7 : memref<1x2048xi32, #tpu.memory_space<vmem>>) target_semaphore(%arg13 : memref<!tpu.dma_semaphore, #tpu.memory_space<semaphore_mem>>)
      } else {
      }
      %dma_start3A_248 = arith.constant 0 : i32
      %dma_start3A_249 = arith.constant 0 : i32
      %dma_start3A_250 = tpu.memref_slice %arg4[%add3A_224, %dma_start3A_248, %dma_start3A_249] : memref<2048x16x2048xf32, #tpu.memory_space<hbm>> -> memref<1x16x2048xf32, #tpu.memory_space<hbm>>
      %dma_start3A_251 = arith.constant 0 : i32
      %dma_start3A_252 = arith.constant 0 : i32
      %dma_start3A_253 = tpu.memref_slice %arg4[%add3A_224, %dma_start3A_251, %dma_start3A_252] : memref<2048x16x2048xf32, #tpu.memory_space<hbm>> -> memref<1x16x2048xf32, #tpu.memory_space<hbm>>
      tpu.enqueue_dma source(%arg9 : memref<1x16x2048xf32, #tpu.memory_space<vmem>>) target(%dma_start3A_253 : memref<1x16x2048xf32, #tpu.memory_space<hbm>>) target_semaphore(%arg11 : memref<!tpu.dma_semaphore, #tpu.memory_space<semaphore_mem>>)
      %mul3A_254 = arith.constant 2 : i32
      %mul3A_255 = arith.muli %scan3A_219, %mul3A_254 : i32
      %add3A_256 = arith.addi %mul3A_2, %mul3A_255 : i32
      %add3A_257 = arith.constant 1 : i32
      %add3A_258 = arith.addi %add3A_256, %add3A_257 : i32
      %dma_wait3A_259 = arith.constant 0 : i32
      %dma_wait3A_260 = tpu.memref_slice %arg2[%add3A_258, %dma_wait3A_259] : memref<2048x2048xi32, #tpu.memory_space<hbm>> -> memref<1x2048xi32, #tpu.memory_space<hbm>>
      %dma_wait3A_261 = arith.constant 0 : i32
      %dma_wait3A_262 = tpu.memref_slice %arg2[%add3A_258, %dma_wait3A_261] : memref<2048x2048xi32, #tpu.memory_space<hbm>> -> memref<1x2048xi32, #tpu.memory_space<hbm>>
      tpu.wait_dma2 semaphore(%arg14 : memref<!tpu.dma_semaphore, #tpu.memory_space<semaphore_mem>>) src(%dma_wait3A_262 : memref<1x2048xi32, #tpu.memory_space<hbm>>) dst(%arg8 : memref<1x2048xi32, #tpu.memory_space<vmem>>)
      %gt3A_263 = arith.constant 0 : i32
      %gt3A_264 = arith.cmpi sgt, %scan3A_219, %gt3A_263 : i32
      %convert_element_type3A_265 = arith.extui %gt3A_264 : i1 to i32
      %cond3A_266 = arith.constant 0 : i32
      %cond3A_267 = arith.cmpi ne, %convert_element_type3A_265, %cond3A_266 : i32
      scf.if %cond3A_267 {
        %sub3A_292 = arith.constant 2 : i32
        %sub3A_293 = arith.subi %add3A_258, %sub3A_292 : i32
        %dma_wait3A_294 = arith.constant 0 : i32
        %dma_wait3A_295 = arith.constant 0 : i32
        %dma_wait3A_296 = tpu.memref_slice %arg4[%sub3A_293, %dma_wait3A_294, %dma_wait3A_295] : memref<2048x16x2048xf32, #tpu.memory_space<hbm>> -> memref<1x16x2048xf32, #tpu.memory_space<hbm>>
        %dma_wait3A_297 = arith.constant 0 : i32
        %dma_wait3A_298 = arith.constant 0 : i32
        %dma_wait3A_299 = tpu.memref_slice %arg4[%sub3A_293, %dma_wait3A_297, %dma_wait3A_298] : memref<2048x16x2048xf32, #tpu.memory_space<hbm>> -> memref<1x16x2048xf32, #tpu.memory_space<hbm>>
        tpu.wait_dma2 semaphore(%arg12 : memref<!tpu.dma_semaphore, #tpu.memory_space<semaphore_mem>>) src(%arg10 : memref<1x16x2048xf32, #tpu.memory_space<vmem>>) dst(%dma_wait3A_299 : memref<1x16x2048xf32, #tpu.memory_space<hbm>>)
      } else {
      }
      %get3A_268 = arith.constant 0 : i32
      %get3A_269 = arith.index_cast %get3A_268 : i32 to index
      %get3A_270 = arith.constant 0 : index
      %get3A_271 = tpu.vector_load %arg8[%get3A_269, %get3A_270] {strides = array<i32>} : memref<1x2048xi32, #tpu.memory_space<vmem>>, vector<16xi32>,
      %scan3A_272 = arith.constant 0 : i32
      %scan3A_273 = arith.constant 128 : i32
      %scan3A_274 = arith.addi %scan3A_272, %scan3A_273 : i32
      %scan3A_275 = arith.constant 4 : i32
      %scan3A_276 = scf.for %scan3A_292 = %scan3A_272 to %scan3A_274 step %scan3A_275 iter_args(%scan3A_293 = %get3A_271) -> (vector<16xi32>)  : i32 {
        %add3A_294 = arith.constant 1 : i32
        %add3A_295 = arith.addi %scan3A_292, %add3A_294 : i32
        %mul3A_296 = arith.constant 16 : i32
        %mul3A_297 = arith.muli %add3A_295, %mul3A_296 : i32
        %min3A = arith.constant 2032 : i32
        %min3A_298 = arith.minsi %mul3A_297, %min3A : i32
        %get3A_299 = arith.constant 0 : i32
        %get3A_300 = arith.index_cast %get3A_299 : i32 to index
        %get3A_301 = arith.index_cast %min3A_298 : i32 to index
        %get3A_302 = tpu.vector_load %arg8[%get3A_300, %get3A_301] {strides = array<i32>} : memref<1x2048xi32, #tpu.memory_space<vmem>>, vector<16xi32>,
        %lt3A_303 = arith.constant 0 : i32
        %lt3A_304 = vector.broadcast %lt3A_303 : i32 to vector<16xi32>
        %lt3A_305 = arith.cmpi slt, %scan3A_293, %lt3A_304 : vector<16xi32>
        %add3A_306 = arith.constant 16 : i32
        %add3A_307 = vector.broadcast %add3A_306 : i32 to vector<16xi32>
        %add3A_308 = arith.addi %scan3A_293, %add3A_307 : vector<16xi32>
        %select_n3A = arith.select %lt3A_305, %add3A_308, %scan3A_293 : vector<16xi1>, vector<16xi32>
        %reshape3A = vector.shape_cast %select_n3A : vector<16xi32> to vector<16x1xi32>
        %gather3A_309 = vector.shape_cast %reshape3A : vector<16x1xi32> to vector<16xi32>
        %gather3A_310 = tpu.dynamic_gather %gather3A[%gather3A_309] in [0] : vector<16xf32>, vector<16xi32> -> vector<16xf32>
        %mul3A_311 = arith.constant 16 : i32
        %mul3A_312 = arith.muli %scan3A_292, %mul3A_311 : i32
        %swap3A_313 = arith.constant 0 : i32
        %swap3A_314 = arith.constant 0 : i32
        %swap3A_315 = arith.index_cast %swap3A_313 : i32 to index
        %swap3A_316 = arith.index_cast %swap3A_314 : i32 to index
        %swap3A_317 = arith.index_cast %mul3A_312 : i32 to index
        %swap3A_318 = tpu.vector_load %arg10[%swap3A_315, %swap3A_316, %swap3A_317] {strides = array<i32>} : memref<1x16x2048xf32, #tpu.memory_space<vmem>>, vector<16xf32>,
        tpu.vector_store %arg10[%swap3A_315, %swap3A_316, %swap3A_317], %gather3A_310 {strides = array<i32>} : memref<1x16x2048xf32, #tpu.memory_space<vmem>>, vector<16xf32>,
        %lt3A_319 = arith.constant 0 : i32
        %lt3A_320 = vector.broadcast %lt3A_319 : i32 to vector<16xi32>
        %lt3A_321 = arith.cmpi slt, %scan3A_293, %lt3A_320 : vector<16xi32>
        %add3A_322 = arith.constant 16 : i32
        %add3A_323 = vector.broadcast %add3A_322 : i32 to vector<16xi32>
        %add3A_324 = arith.addi %scan3A_293, %add3A_323 : vector<16xi32>
        %select_n3A_325 = arith.select %lt3A_321, %add3A_324, %scan3A_293 : vector<16xi1>, vector<16xi32>
        %reshape3A_326 = vector.shape_cast %select_n3A_325 : vector<16xi32> to vector<16x1xi32>
        %gather3A_327 = vector.shape_cast %reshape3A_326 : vector<16x1xi32> to vector<16xi32>
        %gather3A_328 = tpu.dynamic_gather %gather3A_82[%gather3A_327] in [0] : vector<16xf32>, vector<16xi32> -> vector<16xf32>
        %mul3A_329 = arith.constant 16 : i32
        %mul3A_330 = arith.muli %scan3A_292, %mul3A_329 : i32
        %swap3A_331 = arith.constant 0 : i32
        %swap3A_332 = arith.constant 1 : i32
        %swap3A_333 = arith.index_cast %swap3A_331 : i32 to index
        %swap3A_334 = arith.index_cast %swap3A_332 : i32 to index
        %swap3A_335 = arith.index_cast %mul3A_330 : i32 to index
        %swap3A_336 = tpu.vector_load %arg10[%swap3A_333, %swap3A_334, %swap3A_335] {strides = array<i32>} : memref<1x16x2048xf32, #tpu.memory_space<vmem>>, vector<16xf32>,
        tpu.vector_store %arg10[%swap3A_333, %swap3A_334, %swap3A_335], %gather3A_328 {strides = array<i32>} : memref<1x16x2048xf32, #tpu.memory_space<vmem>>, vector<16xf32>,
        %lt3A_337 = arith.constant 0 : i32
        %lt3A_338 = vector.broadcast %lt3A_337 : i32 to vector<16xi32>
        %lt3A_339 = arith.cmpi slt, %scan3A_293, %lt3A_338 : vector<16xi32>
        %add3A_340 = arith.constant 16 : i32
        %add3A_341 = vector.broadcast %add3A_340 : i32 to vector<16xi32>
        %add3A_342 = arith.addi %scan3A_293, %add3A_341 : vector<16xi32>
        %select_n3A_343 = arith.select %lt3A_339, %add3A_342, %scan3A_293 : vector<16xi1>, vector<16xi32>
        %reshape3A_344 = vector.shape_cast %select_n3A_343 : vector<16xi32> to vector<16x1xi32>
        %gather3A_345 = vector.shape_cast %reshape3A_344 : vector<16x1xi32> to vector<16xi32>
        %gather3A_346 = tpu.dynamic_gather %gather3A_89[%gather3A_345] in [0] : vector<16xf32>, vector<16xi32> -> vector<16xf32>
        %mul3A_347 = arith.constant 16 : i32
        %mul3A_348 = arith.muli %scan3A_292, %mul3A_347 : i32
        %swap3A_349 = arith.constant 0 : i32
        %swap3A_350 = arith.constant 2 : i32
        %swap3A_351 = arith.index_cast %swap3A_349 : i32 to index
        %swap3A_352 = arith.index_cast %swap3A_350 : i32 to index
        %swap3A_353 = arith.index_cast %mul3A_348 : i32 to index
        %swap3A_354 = tpu.vector_load %arg10[%swap3A_351, %swap3A_352, %swap3A_353] {strides = array<i32>} : memref<1x16x2048xf32, #tpu.memory_space<vmem>>, vector<16xf32>,
        tpu.vector_store %arg10[%swap3A_351, %swap3A_352, %swap3A_353], %gather3A_346 {strides = array<i32>} : memref<1x16x2048xf32, #tpu.memory_space<vmem>>, vector<16xf32>,
        %lt3A_355 = arith.constant 0 : i32
        %lt3A_356 = vector.broadcast %lt3A_355 : i32 to vector<16xi32>
        %lt3A_357 = arith.cmpi slt, %scan3A_293, %lt3A_356 : vector<16xi32>
        %add3A_358 = arith.constant 16 : i32
        %add3A_359 = vector.broadcast %add3A_358 : i32 to vector<16xi32>
        %add3A_360 = arith.addi %scan3A_293, %add3A_359 : vector<16xi32>
        %select_n3A_361 = arith.select %lt3A_357, %add3A_360, %scan3A_293 : vector<16xi1>, vector<16xi32>
        %reshape3A_362 = vector.shape_cast %select_n3A_361 : vector<16xi32> to vector<16x1xi32>
        %gather3A_363 = vector.shape_cast %reshape3A_362 : vector<16x1xi32> to vector<16xi32>
        %gather3A_364 = tpu.dynamic_gather %gather3A_96[%gather3A_363] in [0] : vector<16xf32>, vector<16xi32> -> vector<16xf32>
        %mul3A_365 = arith.constant 16 : i32
        %mul3A_366 = arith.muli %scan3A_292, %mul3A_365 : i32
        %swap3A_367 = arith.constant 0 : i32
        %swap3A_368 = arith.constant 3 : i32
        %swap3A_369 = arith.index_cast %swap3A_367 : i32 to index
        %swap3A_370 = arith.index_cast %swap3A_368 : i32 to index
        %swap3A_371 = arith.index_cast %mul3A_366 : i32 to index
        %swap3A_372 = tpu.vector_load %arg10[%swap3A_369, %swap3A_370, %swap3A_371] {strides = array<i32>} : memref<1x16x2048xf32, #tpu.memory_space<vmem>>, vector<16xf32>,
        tpu.vector_store %arg10[%swap3A_369, %swap3A_370, %swap3A_371], %gather3A_364 {strides = array<i32>} : memref<1x16x2048xf32, #tpu.memory_space<vmem>>, vector<16xf32>,
        %lt3A_373 = arith.constant 0 : i32
        %lt3A_374 = vector.broadcast %lt3A_373 : i32 to vector<16xi32>
        %lt3A_375 = arith.cmpi slt, %scan3A_293, %lt3A_374 : vector<16xi32>
        %add3A_376 = arith.constant 16 : i32
        %add3A_377 = vector.broadcast %add3A_376 : i32 to vector<16xi32>
        %add3A_378 = arith.addi %scan3A_293, %add3A_377 : vector<16xi32>
        %select_n3A_379 = arith.select %lt3A_375, %add3A_378, %scan3A_293 : vector<16xi1>, vector<16xi32>
        %reshape3A_380 = vector.shape_cast %select_n3A_379 : vector<16xi32> to vector<16x1xi32>
        %gather3A_381 = vector.shape_cast %reshape3A_380 : vector<16x1xi32> to vector<16xi32>
        %gather3A_382 = tpu.dynamic_gather %gather3A_103[%gather3A_381] in [0] : vector<16xf32>, vector<16xi32> -> vector<16xf32>
        %mul3A_383 = arith.constant 16 : i32
        %mul3A_384 = arith.muli %scan3A_292, %mul3A_383 : i32
        %swap3A_385 = arith.constant 0 : i32
        %swap3A_386 = arith.constant 4 : i32
        %swap3A_387 = arith.index_cast %swap3A_385 : i32 to index
        %swap3A_388 = arith.index_cast %swap3A_386 : i32 to index
        %swap3A_389 = arith.index_cast %mul3A_384 : i32 to index
        %swap3A_390 = tpu.vector_load %arg10[%swap3A_387, %swap3A_388, %swap3A_389] {strides = array<i32>} : memref<1x16x2048xf32, #tpu.memory_space<vmem>>, vector<16xf32>,
        tpu.vector_store %arg10[%swap3A_387, %swap3A_388, %swap3A_389], %gather3A_382 {strides = array<i32>} : memref<1x16x2048xf32, #tpu.memory_space<vmem>>, vector<16xf32>,
        %lt3A_391 = arith.constant 0 : i32
        %lt3A_392 = vector.broadcast %lt3A_391 : i32 to vector<16xi32>
        %lt3A_393 = arith.cmpi slt, %scan3A_293, %lt3A_392 : vector<16xi32>
        %add3A_394 = arith.constant 16 : i32
        %add3A_395 = vector.broadcast %add3A_394 : i32 to vector<16xi32>
        %add3A_396 = arith.addi %scan3A_293, %add3A_395 : vector<16xi32>
        %select_n3A_397 = arith.select %lt3A_393, %add3A_396, %scan3A_293 : vector<16xi1>, vector<16xi32>
        %reshape3A_398 = vector.shape_cast %select_n3A_397 : vector<16xi32> to vector<16x1xi32>
        %gather3A_399 = vector.shape_cast %reshape3A_398 : vector<16x1xi32> to vector<16xi32>
        %gather3A_400 = tpu.dynamic_gather %gather3A_110[%gather3A_399] in [0] : vector<16xf32>, vector<16xi32> -> vector<16xf32>
        %mul3A_401 = arith.constant 16 : i32
        %mul3A_402 = arith.muli %scan3A_292, %mul3A_401 : i32
        %swap3A_403 = arith.constant 0 : i32
        %swap3A_404 = arith.constant 5 : i32
        %swap3A_405 = arith.index_cast %swap3A_403 : i32 to index
        %swap3A_406 = arith.index_cast %swap3A_404 : i32 to index
        %swap3A_407 = arith.index_cast %mul3A_402 : i32 to index
        %swap3A_408 = tpu.vector_load %arg10[%swap3A_405, %swap3A_406, %swap3A_407] {strides = array<i32>} : memref<1x16x2048xf32, #tpu.memory_space<vmem>>, vector<16xf32>,
        tpu.vector_store %arg10[%swap3A_405, %swap3A_406, %swap3A_407], %gather3A_400 {strides = array<i32>} : memref<1x16x2048xf32, #tpu.memory_space<vmem>>, vector<16xf32>,
        %lt3A_409 = arith.constant 0 : i32
        %lt3A_410 = vector.broadcast %lt3A_409 : i32 to vector<16xi32>
        %lt3A_411 = arith.cmpi slt, %scan3A_293, %lt3A_410 : vector<16xi32>
        %add3A_412 = arith.constant 16 : i32
        %add3A_413 = vector.broadcast %add3A_412 : i32 to vector<16xi32>
        %add3A_414 = arith.addi %scan3A_293, %add3A_413 : vector<16xi32>
        %select_n3A_415 = arith.select %lt3A_411, %add3A_414, %scan3A_293 : vector<16xi1>, vector<16xi32>
        %reshape3A_416 = vector.shape_cast %select_n3A_415 : vector<16xi32> to vector<16x1xi32>
        %gather3A_417 = vector.shape_cast %reshape3A_416 : vector<16x1xi32> to vector<16xi32>
        %gather3A_418 = tpu.dynamic_gather %gather3A_117[%gather3A_417] in [0] : vector<16xf32>, vector<16xi32> -> vector<16xf32>
        %mul3A_419 = arith.constant 16 : i32
        %mul3A_420 = arith.muli %scan3A_292, %mul3A_419 : i32
        %swap3A_421 = arith.constant 0 : i32
        %swap3A_422 = arith.constant 6 : i32
        %swap3A_423 = arith.index_cast %swap3A_421 : i32 to index
        %swap3A_424 = arith.index_cast %swap3A_422 : i32 to index
        %swap3A_425 = arith.index_cast %mul3A_420 : i32 to index
        %swap3A_426 = tpu.vector_load %arg10[%swap3A_423, %swap3A_424, %swap3A_425] {strides = array<i32>} : memref<1x16x2048xf32, #tpu.memory_space<vmem>>, vector<16xf32>,
        tpu.vector_store %arg10[%swap3A_423, %swap3A_424, %swap3A_425], %gather3A_418 {strides = array<i32>} : memref<1x16x2048xf32, #tpu.memory_space<vmem>>, vector<16xf32>,
        %lt3A_427 = arith.constant 0 : i32
        %lt3A_428 = vector.broadcast %lt3A_427 : i32 to vector<16xi32>
        %lt3A_429 = arith.cmpi slt, %scan3A_293, %lt3A_428 : vector<16xi32>
        %add3A_430 = arith.constant 16 : i32
        %add3A_431 = vector.broadcast %add3A_430 : i32 to vector<16xi32>
        %add3A_432 = arith.addi %scan3A_293, %add3A_431 : vector<16xi32>
        %select_n3A_433 = arith.select %lt3A_429, %add3A_432, %scan3A_293 : vector<16xi1>, vector<16xi32>
        %reshape3A_434 = vector.shape_cast %select_n3A_433 : vector<16xi32> to vector<16x1xi32>
        %gather3A_435 = vector.shape_cast %reshape3A_434 : vector<16x1xi32> to vector<16xi32>
        %gather3A_436 = tpu.dynamic_gather %gather3A_124[%gather3A_435] in [0] : vector<16xf32>, vector<16xi32> -> vector<16xf32>
        %mul3A_437 = arith.constant 16 : i32
        %mul3A_438 = arith.muli %scan3A_292, %mul3A_437 : i32
        %swap3A_439 = arith.constant 0 : i32
        %swap3A_440 = arith.constant 7 : i32
        %swap3A_441 = arith.index_cast %swap3A_439 : i32 to index
        %swap3A_442 = arith.index_cast %swap3A_440 : i32 to index
        %swap3A_443 = arith.index_cast %mul3A_438 : i32 to index
        %swap3A_444 = tpu.vector_load %arg10[%swap3A_441, %swap3A_442, %swap3A_443] {strides = array<i32>} : memref<1x16x2048xf32, #tpu.memory_space<vmem>>, vector<16xf32>,
        tpu.vector_store %arg10[%swap3A_441, %swap3A_442, %swap3A_443], %gather3A_436 {strides = array<i32>} : memref<1x16x2048xf32, #tpu.memory_space<vmem>>, vector<16xf32>,
        %lt3A_445 = arith.constant 0 : i32
        %lt3A_446 = vector.broadcast %lt3A_445 : i32 to vector<16xi32>
        %lt3A_447 = arith.cmpi slt, %scan3A_293, %lt3A_446 : vector<16xi32>
        %add3A_448 = arith.constant 16 : i32
        %add3A_449 = vector.broadcast %add3A_448 : i32 to vector<16xi32>
        %add3A_450 = arith.addi %scan3A_293, %add3A_449 : vector<16xi32>
        %select_n3A_451 = arith.select %lt3A_447, %add3A_450, %scan3A_293 : vector<16xi1>, vector<16xi32>
        %reshape3A_452 = vector.shape_cast %select_n3A_451 : vector<16xi32> to vector<16x1xi32>
        %gather3A_453 = vector.shape_cast %reshape3A_452 : vector<16x1xi32> to vector<16xi32>
        %gather3A_454 = tpu.dynamic_gather %gather3A_131[%gather3A_453] in [0] : vector<16xf32>, vector<16xi32> -> vector<16xf32>
        %mul3A_455 = arith.constant 16 : i32
        %mul3A_456 = arith.muli %scan3A_292, %mul3A_455 : i32
        %swap3A_457 = arith.constant 0 : i32
        %swap3A_458 = arith.constant 8 : i32
        %swap3A_459 = arith.index_cast %swap3A_457 : i32 to index
        %swap3A_460 = arith.index_cast %swap3A_458 : i32 to index
        %swap3A_461 = arith.index_cast %mul3A_456 : i32 to index
        %swap3A_462 = tpu.vector_load %arg10[%swap3A_459, %swap3A_460, %swap3A_461] {strides = array<i32>} : memref<1x16x2048xf32, #tpu.memory_space<vmem>>, vector<16xf32>,
        tpu.vector_store %arg10[%swap3A_459, %swap3A_460, %swap3A_461], %gather3A_454 {strides = array<i32>} : memref<1x16x2048xf32, #tpu.memory_space<vmem>>, vector<16xf32>,
        %lt3A_463 = arith.constant 0 : i32
        %lt3A_464 = vector.broadcast %lt3A_463 : i32 to vector<16xi32>
        %lt3A_465 = arith.cmpi slt, %scan3A_293, %lt3A_464 : vector<16xi32>
        %add3A_466 = arith.constant 16 : i32
        %add3A_467 = vector.broadcast %add3A_466 : i32 to vector<16xi32>
        %add3A_468 = arith.addi %scan3A_293, %add3A_467 : vector<16xi32>
        %select_n3A_469 = arith.select %lt3A_465, %add3A_468, %scan3A_293 : vector<16xi1>, vector<16xi32>
        %reshape3A_470 = vector.shape_cast %select_n3A_469 : vector<16xi32> to vector<16x1xi32>
        %gather3A_471 = vector.shape_cast %reshape3A_470 : vector<16x1xi32> to vector<16xi32>
        %gather3A_472 = tpu.dynamic_gather %gather3A_138[%gather3A_471] in [0] : vector<16xf32>, vector<16xi32> -> vector<16xf32>
        %mul3A_473 = arith.constant 16 : i32
        %mul3A_474 = arith.muli %scan3A_292, %mul3A_473 : i32
        %swap3A_475 = arith.constant 0 : i32
        %swap3A_476 = arith.constant 9 : i32
        %swap3A_477 = arith.index_cast %swap3A_475 : i32 to index
        %swap3A_478 = arith.index_cast %swap3A_476 : i32 to index
        %swap3A_479 = arith.index_cast %mul3A_474 : i32 to index
        %swap3A_480 = tpu.vector_load %arg10[%swap3A_477, %swap3A_478, %swap3A_479] {strides = array<i32>} : memref<1x16x2048xf32, #tpu.memory_space<vmem>>, vector<16xf32>,
        tpu.vector_store %arg10[%swap3A_477, %swap3A_478, %swap3A_479], %gather3A_472 {strides = array<i32>} : memref<1x16x2048xf32, #tpu.memory_space<vmem>>, vector<16xf32>,
        %lt3A_481 = arith.constant 0 : i32
        %lt3A_482 = vector.broadcast %lt3A_481 : i32 to vector<16xi32>
        %lt3A_483 = arith.cmpi slt, %scan3A_293, %lt3A_482 : vector<16xi32>
        %add3A_484 = arith.constant 16 : i32
        %add3A_485 = vector.broadcast %add3A_484 : i32 to vector<16xi32>
        %add3A_486 = arith.addi %scan3A_293, %add3A_485 : vector<16xi32>
        %select_n3A_487 = arith.select %lt3A_483, %add3A_486, %scan3A_293 : vector<16xi1>, vector<16xi32>
        %reshape3A_488 = vector.shape_cast %select_n3A_487 : vector<16xi32> to vector<16x1xi32>
        %gather3A_489 = vector.shape_cast %reshape3A_488 : vector<16x1xi32> to vector<16xi32>
        %gather3A_490 = tpu.dynamic_gather %gather3A_145[%gather3A_489] in [0] : vector<16xf32>, vector<16xi32> -> vector<16xf32>
        %mul3A_491 = arith.constant 16 : i32
        %mul3A_492 = arith.muli %scan3A_292, %mul3A_491 : i32
        %swap3A_493 = arith.constant 0 : i32
        %swap3A_494 = arith.constant 10 : i32
        %swap3A_495 = arith.index_cast %swap3A_493 : i32 to index
        %swap3A_496 = arith.index_cast %swap3A_494 : i32 to index
        %swap3A_497 = arith.index_cast %mul3A_492 : i32 to index
        %swap3A_498 = tpu.vector_load %arg10[%swap3A_495, %swap3A_496, %swap3A_497] {strides = array<i32>} : memref<1x16x2048xf32, #tpu.memory_space<vmem>>, vector<16xf32>,
        tpu.vector_store %arg10[%swap3A_495, %swap3A_496, %swap3A_497], %gather3A_490 {strides = array<i32>} : memref<1x16x2048xf32, #tpu.memory_space<vmem>>, vector<16xf32>,
        %lt3A_499 = arith.constant 0 : i32
        %lt3A_500 = vector.broadcast %lt3A_499 : i32 to vector<16xi32>
        %lt3A_501 = arith.cmpi slt, %scan3A_293, %lt3A_500 : vector<16xi32>
        %add3A_502 = arith.constant 16 : i32
        %add3A_503 = vector.broadcast %add3A_502 : i32 to vector<16xi32>
        %add3A_504 = arith.addi %scan3A_293, %add3A_503 : vector<16xi32>
        %select_n3A_505 = arith.select %lt3A_501, %add3A_504, %scan3A_293 : vector<16xi1>, vector<16xi32>
        %reshape3A_506 = vector.shape_cast %select_n3A_505 : vector<16xi32> to vector<16x1xi32>
        %gather3A_507 = vector.shape_cast %reshape3A_506 : vector<16x1xi32> to vector<16xi32>
        %gather3A_508 = tpu.dynamic_gather %gather3A_152[%gather3A_507] in [0] : vector<16xf32>, vector<16xi32> -> vector<16xf32>
        %mul3A_509 = arith.constant 16 : i32
        %mul3A_510 = arith.muli %scan3A_292, %mul3A_509 : i32
        %swap3A_511 = arith.constant 0 : i32
        %swap3A_512 = arith.constant 11 : i32
        %swap3A_513 = arith.index_cast %swap3A_511 : i32 to index
        %swap3A_514 = arith.index_cast %swap3A_512 : i32 to index
        %swap3A_515 = arith.index_cast %mul3A_510 : i32 to index
        %swap3A_516 = tpu.vector_load %arg10[%swap3A_513, %swap3A_514, %swap3A_515] {strides = array<i32>} : memref<1x16x2048xf32, #tpu.memory_space<vmem>>, vector<16xf32>,
        tpu.vector_store %arg10[%swap3A_513, %swap3A_514, %swap3A_515], %gather3A_508 {strides = array<i32>} : memref<1x16x2048xf32, #tpu.memory_space<vmem>>, vector<16xf32>,
        %lt3A_517 = arith.constant 0 : i32
        %lt3A_518 = vector.broadcast %lt3A_517 : i32 to vector<16xi32>
        %lt3A_519 = arith.cmpi slt, %scan3A_293, %lt3A_518 : vector<16xi32>
        %add3A_520 = arith.constant 16 : i32
        %add3A_521 = vector.broadcast %add3A_520 : i32 to vector<16xi32>
        %add3A_522 = arith.addi %scan3A_293, %add3A_521 : vector<16xi32>
        %select_n3A_523 = arith.select %lt3A_519, %add3A_522, %scan3A_293 : vector<16xi1>, vector<16xi32>
        %reshape3A_524 = vector.shape_cast %select_n3A_523 : vector<16xi32> to vector<16x1xi32>
        %gather3A_525 = vector.shape_cast %reshape3A_524 : vector<16x1xi32> to vector<16xi32>
        %gather3A_526 = tpu.dynamic_gather %gather3A_159[%gather3A_525] in [0] : vector<16xf32>, vector<16xi32> -> vector<16xf32>
        %mul3A_527 = arith.constant 16 : i32
        %mul3A_528 = arith.muli %scan3A_292, %mul3A_527 : i32
        %swap3A_529 = arith.constant 0 : i32
        %swap3A_530 = arith.constant 12 : i32
        %swap3A_531 = arith.index_cast %swap3A_529 : i32 to index
        %swap3A_532 = arith.index_cast %swap3A_530 : i32 to index
        %swap3A_533 = arith.index_cast %mul3A_528 : i32 to index
        %swap3A_534 = tpu.vector_load %arg10[%swap3A_531, %swap3A_532, %swap3A_533] {strides = array<i32>} : memref<1x16x2048xf32, #tpu.memory_space<vmem>>, vector<16xf32>,
        tpu.vector_store %arg10[%swap3A_531, %swap3A_532, %swap3A_533], %gather3A_526 {strides = array<i32>} : memref<1x16x2048xf32, #tpu.memory_space<vmem>>, vector<16xf32>,
        %lt3A_535 = arith.constant 0 : i32
        %lt3A_536 = vector.broadcast %lt3A_535 : i32 to vector<16xi32>
        %lt3A_537 = arith.cmpi slt, %scan3A_293, %lt3A_536 : vector<16xi32>
        %add3A_538 = arith.constant 16 : i32
        %add3A_539 = vector.broadcast %add3A_538 : i32 to vector<16xi32>
        %add3A_540 = arith.addi %scan3A_293, %add3A_539 : vector<16xi32>
        %select_n3A_541 = arith.select %lt3A_537, %add3A_540, %scan3A_293 : vector<16xi1>, vector<16xi32>
        %reshape3A_542 = vector.shape_cast %select_n3A_541 : vector<16xi32> to vector<16x1xi32>
        %gather3A_543 = vector.shape_cast %reshape3A_542 : vector<16x1xi32> to vector<16xi32>
        %gather3A_544 = tpu.dynamic_gather %gather3A_166[%gather3A_543] in [0] : vector<16xf32>, vector<16xi32> -> vector<16xf32>
        %mul3A_545 = arith.constant 16 : i32
        %mul3A_546 = arith.muli %scan3A_292, %mul3A_545 : i32
        %swap3A_547 = arith.constant 0 : i32
        %swap3A_548 = arith.constant 13 : i32
        %swap3A_549 = arith.index_cast %swap3A_547 : i32 to index
        %swap3A_550 = arith.index_cast %swap3A_548 : i32 to index
        %swap3A_551 = arith.index_cast %mul3A_546 : i32 to index
        %swap3A_552 = tpu.vector_load %arg10[%swap3A_549, %swap3A_550, %swap3A_551] {strides = array<i32>} : memref<1x16x2048xf32, #tpu.memory_space<vmem>>, vector<16xf32>,
        tpu.vector_store %arg10[%swap3A_549, %swap3A_550, %swap3A_551], %gather3A_544 {strides = array<i32>} : memref<1x16x2048xf32, #tpu.memory_space<vmem>>, vector<16xf32>,
        %lt3A_553 = arith.constant 0 : i32
        %lt3A_554 = vector.broadcast %lt3A_553 : i32 to vector<16xi32>
        %lt3A_555 = arith.cmpi slt, %scan3A_293, %lt3A_554 : vector<16xi32>
        %add3A_556 = arith.constant 16 : i32
        %add3A_557 = vector.broadcast %add3A_556 : i32 to vector<16xi32>
        %add3A_558 = arith.addi %scan3A_293, %add3A_557 : vector<16xi32>
        %select_n3A_559 = arith.select %lt3A_555, %add3A_558, %scan3A_293 : vector<16xi1>, vector<16xi32>
        %reshape3A_560 = vector.shape_cast %select_n3A_559 : vector<16xi32> to vector<16x1xi32>
        %gather3A_561 = vector.shape_cast %reshape3A_560 : vector<16x1xi32> to vector<16xi32>
        %gather3A_562 = tpu.dynamic_gather %gather3A_173[%gather3A_561] in [0] : vector<16xf32>, vector<16xi32> -> vector<16xf32>
        %mul3A_563 = arith.constant 16 : i32
        %mul3A_564 = arith.muli %scan3A_292, %mul3A_563 : i32
        %swap3A_565 = arith.constant 0 : i32
        %swap3A_566 = arith.constant 14 : i32
        %swap3A_567 = arith.index_cast %swap3A_565 : i32 to index
        %swap3A_568 = arith.index_cast %swap3A_566 : i32 to index
        %swap3A_569 = arith.index_cast %mul3A_564 : i32 to index
        %swap3A_570 = tpu.vector_load %arg10[%swap3A_567, %swap3A_568, %swap3A_569] {strides = array<i32>} : memref<1x16x2048xf32, #tpu.memory_space<vmem>>, vector<16xf32>,
        tpu.vector_store %arg10[%swap3A_567, %swap3A_568, %swap3A_569], %gather3A_562 {strides = array<i32>} : memref<1x16x2048xf32, #tpu.memory_space<vmem>>, vector<16xf32>,
        %lt3A_571 = arith.constant 0 : i32
        %lt3A_572 = vector.broadcast %lt3A_571 : i32 to vector<16xi32>
        %lt3A_573 = arith.cmpi slt, %scan3A_293, %lt3A_572 : vector<16xi32>
        %add3A_574 = arith.constant 16 : i32
        %add3A_575 = vector.broadcast %add3A_574 : i32 to vector<16xi32>
        %add3A_576 = arith.addi %scan3A_293, %add3A_575 : vector<16xi32>
        %select_n3A_577 = arith.select %lt3A_573, %add3A_576, %scan3A_293 : vector<16xi1>, vector<16xi32>
        %reshape3A_578 = vector.shape_cast %select_n3A_577 : vector<16xi32> to vector<16x1xi32>
        %gather3A_579 = vector.shape_cast %reshape3A_578 : vector<16x1xi32> to vector<16xi32>
        %gather3A_580 = tpu.dynamic_gather %gather3A_180[%gather3A_579] in [0] : vector<16xf32>, vector<16xi32> -> vector<16xf32>
        %mul3A_581 = arith.constant 16 : i32
        %mul3A_582 = arith.muli %scan3A_292, %mul3A_581 : i32
        %swap3A_583 = arith.constant 0 : i32
        %swap3A_584 = arith.constant 15 : i32
        %swap3A_585 = arith.index_cast %swap3A_583 : i32 to index
        %swap3A_586 = arith.index_cast %swap3A_584 : i32 to index
        %swap3A_587 = arith.index_cast %mul3A_582 : i32 to index
        %swap3A_588 = tpu.vector_load %arg10[%swap3A_585, %swap3A_586, %swap3A_587] {strides = array<i32>} : memref<1x16x2048xf32, #tpu.memory_space<vmem>>, vector<16xf32>,
        tpu.vector_store %arg10[%swap3A_585, %swap3A_586, %swap3A_587], %gather3A_580 {strides = array<i32>} : memref<1x16x2048xf32, #tpu.memory_space<vmem>>, vector<16xf32>,
        %scan3A_589 = arith.constant 1 : i32
        %scan3A_590 = arith.addi %scan3A_292, %scan3A_589 : i32
        %add3A_591 = arith.constant 1 : i32
        %add3A_592 = arith.addi %scan3A_590, %add3A_591 : i32
        %mul3A_593 = arith.constant 16 : i32
        %mul3A_594 = arith.muli %add3A_592, %mul3A_593 : i32
        %min3A_595 = arith.constant 2032 : i32
        %min3A_596 = arith.minsi %mul3A_594, %min3A_595 : i32
        %get3A_597 = arith.constant 0 : i32
        %get3A_598 = arith.index_cast %get3A_597 : i32 to index
        %get3A_599 = arith.index_cast %min3A_596 : i32 to index
        %get3A_600 = tpu.vector_load %arg8[%get3A_598, %get3A_599] {strides = array<i32>} : memref<1x2048xi32, #tpu.memory_space<vmem>>, vector<16xi32>,
        %lt3A_601 = arith.constant 0 : i32
        %lt3A_602 = vector.broadcast %lt3A_601 : i32 to vector<16xi32>
        %lt3A_603 = arith.cmpi slt, %get3A_302, %lt3A_602 : vector<16xi32>
        %add3A_604 = arith.constant 16 : i32
        %add3A_605 = vector.broadcast %add3A_604 : i32 to vector<16xi32>
        %add3A_606 = arith.addi %get3A_302, %add3A_605 : vector<16xi32>
        %select_n3A_607 = arith.select %lt3A_603, %add3A_606, %get3A_302 : vector<16xi1>, vector<16xi32>
        %reshape3A_608 = vector.shape_cast %select_n3A_607 : vector<16xi32> to vector<16x1xi32>
        %gather3A_609 = vector.shape_cast %reshape3A_608 : vector<16x1xi32> to vector<16xi32>
        %gather3A_610 = tpu.dynamic_gather %gather3A[%gather3A_609] in [0] : vector<16xf32>, vector<16xi32> -> vector<16xf32>
        %mul3A_611 = arith.constant 16 : i32
        %mul3A_612 = arith.muli %scan3A_590, %mul3A_611 : i32
        %swap3A_613 = arith.constant 0 : i32
        %swap3A_614 = arith.constant 0 : i32
        %swap3A_615 = arith.index_cast %swap3A_613 : i32 to index
        %swap3A_616 = arith.index_cast %swap3A_614 : i32 to index
        %swap3A_617 = arith.index_cast %mul3A_612 : i32 to index
        %swap3A_618 = tpu.vector_load %arg10[%swap3A_615, %swap3A_616, %swap3A_617] {strides = array<i32>} : memref<1x16x2048xf32, #tpu.memory_space<vmem>>, vector<16xf32>,
        tpu.vector_store %arg10[%swap3A_615, %swap3A_616, %swap3A_617], %gather3A_610 {strides = array<i32>} : memref<1x16x2048xf32, #tpu.memory_space<vmem>>, vector<16xf32>,
        %lt3A_619 = arith.constant 0 : i32
        %lt3A_620 = vector.broadcast %lt3A_619 : i32 to vector<16xi32>
        %lt3A_621 = arith.cmpi slt, %get3A_302, %lt3A_620 : vector<16xi32>
        %add3A_622 = arith.constant 16 : i32
        %add3A_623 = vector.broadcast %add3A_622 : i32 to vector<16xi32>
        %add3A_624 = arith.addi %get3A_302, %add3A_623 : vector<16xi32>
        %select_n3A_625 = arith.select %lt3A_621, %add3A_624, %get3A_302 : vector<16xi1>, vector<16xi32>
        %reshape3A_626 = vector.shape_cast %select_n3A_625 : vector<16xi32> to vector<16x1xi32>
        %gather3A_627 = vector.shape_cast %reshape3A_626 : vector<16x1xi32> to vector<16xi32>
        %gather3A_628 = tpu.dynamic_gather %gather3A_82[%gather3A_627] in [0] : vector<16xf32>, vector<16xi32> -> vector<16xf32>
        %mul3A_629 = arith.constant 16 : i32
        %mul3A_630 = arith.muli %scan3A_590, %mul3A_629 : i32
        %swap3A_631 = arith.constant 0 : i32
        %swap3A_632 = arith.constant 1 : i32
        %swap3A_633 = arith.index_cast %swap3A_631 : i32 to index
        %swap3A_634 = arith.index_cast %swap3A_632 : i32 to index
        %swap3A_635 = arith.index_cast %mul3A_630 : i32 to index
        %swap3A_636 = tpu.vector_load %arg10[%swap3A_633, %swap3A_634, %swap3A_635] {strides = array<i32>} : memref<1x16x2048xf32, #tpu.memory_space<vmem>>, vector<16xf32>,
        tpu.vector_store %arg10[%swap3A_633, %swap3A_634, %swap3A_635], %gather3A_628 {strides = array<i32>} : memref<1x16x2048xf32, #tpu.memory_space<vmem>>, vector<16xf32>,
        %lt3A_637 = arith.constant 0 : i32
        %lt3A_638 = vector.broadcast %lt3A_637 : i32 to vector<16xi32>
        %lt3A_639 = arith.cmpi slt, %get3A_302, %lt3A_638 : vector<16xi32>
        %add3A_640 = arith.constant 16 : i32
        %add3A_641 = vector.broadcast %add3A_640 : i32 to vector<16xi32>
        %add3A_642 = arith.addi %get3A_302, %add3A_641 : vector<16xi32>
        %select_n3A_643 = arith.select %lt3A_639, %add3A_642, %get3A_302 : vector<16xi1>, vector<16xi32>
        %reshape3A_644 = vector.shape_cast %select_n3A_643 : vector<16xi32> to vector<16x1xi32>
        %gather3A_645 = vector.shape_cast %reshape3A_644 : vector<16x1xi32> to vector<16xi32>
        %gather3A_646 = tpu.dynamic_gather %gather3A_89[%gather3A_645] in [0] : vector<16xf32>, vector<16xi32> -> vector<16xf32>
        %mul3A_647 = arith.constant 16 : i32
        %mul3A_648 = arith.muli %scan3A_590, %mul3A_647 : i32
        %swap3A_649 = arith.constant 0 : i32
        %swap3A_650 = arith.constant 2 : i32
        %swap3A_651 = arith.index_cast %swap3A_649 : i32 to index
        %swap3A_652 = arith.index_cast %swap3A_650 : i32 to index
        %swap3A_653 = arith.index_cast %mul3A_648 : i32 to index
        %swap3A_654 = tpu.vector_load %arg10[%swap3A_651, %swap3A_652, %swap3A_653] {strides = array<i32>} : memref<1x16x2048xf32, #tpu.memory_space<vmem>>, vector<16xf32>,
        tpu.vector_store %arg10[%swap3A_651, %swap3A_652, %swap3A_653], %gather3A_646 {strides = array<i32>} : memref<1x16x2048xf32, #tpu.memory_space<vmem>>, vector<16xf32>,
        %lt3A_655 = arith.constant 0 : i32
        %lt3A_656 = vector.broadcast %lt3A_655 : i32 to vector<16xi32>
        %lt3A_657 = arith.cmpi slt, %get3A_302, %lt3A_656 : vector<16xi32>
        %add3A_658 = arith.constant 16 : i32
        %add3A_659 = vector.broadcast %add3A_658 : i32 to vector<16xi32>
        %add3A_660 = arith.addi %get3A_302, %add3A_659 : vector<16xi32>
        %select_n3A_661 = arith.select %lt3A_657, %add3A_660, %get3A_302 : vector<16xi1>, vector<16xi32>
        %reshape3A_662 = vector.shape_cast %select_n3A_661 : vector<16xi32> to vector<16x1xi32>
        %gather3A_663 = vector.shape_cast %reshape3A_662 : vector<16x1xi32> to vector<16xi32>
        %gather3A_664 = tpu.dynamic_gather %gather3A_96[%gather3A_663] in [0] : vector<16xf32>, vector<16xi32> -> vector<16xf32>
        %mul3A_665 = arith.constant 16 : i32
        %mul3A_666 = arith.muli %scan3A_590, %mul3A_665 : i32
        %swap3A_667 = arith.constant 0 : i32
        %swap3A_668 = arith.constant 3 : i32
        %swap3A_669 = arith.index_cast %swap3A_667 : i32 to index
        %swap3A_670 = arith.index_cast %swap3A_668 : i32 to index
        %swap3A_671 = arith.index_cast %mul3A_666 : i32 to index
        %swap3A_672 = tpu.vector_load %arg10[%swap3A_669, %swap3A_670, %swap3A_671] {strides = array<i32>} : memref<1x16x2048xf32, #tpu.memory_space<vmem>>, vector<16xf32>,
        tpu.vector_store %arg10[%swap3A_669, %swap3A_670, %swap3A_671], %gather3A_664 {strides = array<i32>} : memref<1x16x2048xf32, #tpu.memory_space<vmem>>, vector<16xf32>,
        %lt3A_673 = arith.constant 0 : i32
        %lt3A_674 = vector.broadcast %lt3A_673 : i32 to vector<16xi32>
        %lt3A_675 = arith.cmpi slt, %get3A_302, %lt3A_674 : vector<16xi32>
        %add3A_676 = arith.constant 16 : i32
        %add3A_677 = vector.broadcast %add3A_676 : i32 to vector<16xi32>
        %add3A_678 = arith.addi %get3A_302, %add3A_677 : vector<16xi32>
        %select_n3A_679 = arith.select %lt3A_675, %add3A_678, %get3A_302 : vector<16xi1>, vector<16xi32>
        %reshape3A_680 = vector.shape_cast %select_n3A_679 : vector<16xi32> to vector<16x1xi32>
        %gather3A_681 = vector.shape_cast %reshape3A_680 : vector<16x1xi32> to vector<16xi32>
        %gather3A_682 = tpu.dynamic_gather %gather3A_103[%gather3A_681] in [0] : vector<16xf32>, vector<16xi32> -> vector<16xf32>
        %mul3A_683 = arith.constant 16 : i32
        %mul3A_684 = arith.muli %scan3A_590, %mul3A_683 : i32
        %swap3A_685 = arith.constant 0 : i32
        %swap3A_686 = arith.constant 4 : i32
        %swap3A_687 = arith.index_cast %swap3A_685 : i32 to index
        %swap3A_688 = arith.index_cast %swap3A_686 : i32 to index
        %swap3A_689 = arith.index_cast %mul3A_684 : i32 to index
        %swap3A_690 = tpu.vector_load %arg10[%swap3A_687, %swap3A_688, %swap3A_689] {strides = array<i32>} : memref<1x16x2048xf32, #tpu.memory_space<vmem>>, vector<16xf32>,
        tpu.vector_store %arg10[%swap3A_687, %swap3A_688, %swap3A_689], %gather3A_682 {strides = array<i32>} : memref<1x16x2048xf32, #tpu.memory_space<vmem>>, vector<16xf32>,
        %lt3A_691 = arith.constant 0 : i32
        %lt3A_692 = vector.broadcast %lt3A_691 : i32 to vector<16xi32>
        %lt3A_693 = arith.cmpi slt, %get3A_302, %lt3A_692 : vector<16xi32>
        %add3A_694 = arith.constant 16 : i32
        %add3A_695 = vector.broadcast %add3A_694 : i32 to vector<16xi32>
        %add3A_696 = arith.addi %get3A_302, %add3A_695 : vector<16xi32>
        %select_n3A_697 = arith.select %lt3A_693, %add3A_696, %get3A_302 : vector<16xi1>, vector<16xi32>
        %reshape3A_698 = vector.shape_cast %select_n3A_697 : vector<16xi32> to vector<16x1xi32>
        %gather3A_699 = vector.shape_cast %reshape3A_698 : vector<16x1xi32> to vector<16xi32>
        %gather3A_700 = tpu.dynamic_gather %gather3A_110[%gather3A_699] in [0] : vector<16xf32>, vector<16xi32> -> vector<16xf32>
        %mul3A_701 = arith.constant 16 : i32
        %mul3A_702 = arith.muli %scan3A_590, %mul3A_701 : i32
        %swap3A_703 = arith.constant 0 : i32
        %swap3A_704 = arith.constant 5 : i32
        %swap3A_705 = arith.index_cast %swap3A_703 : i32 to index
        %swap3A_706 = arith.index_cast %swap3A_704 : i32 to index
        %swap3A_707 = arith.index_cast %mul3A_702 : i32 to index
        %swap3A_708 = tpu.vector_load %arg10[%swap3A_705, %swap3A_706, %swap3A_707] {strides = array<i32>} : memref<1x16x2048xf32, #tpu.memory_space<vmem>>, vector<16xf32>,
        tpu.vector_store %arg10[%swap3A_705, %swap3A_706, %swap3A_707], %gather3A_700 {strides = array<i32>} : memref<1x16x2048xf32, #tpu.memory_space<vmem>>, vector<16xf32>,
        %lt3A_709 = arith.constant 0 : i32
        %lt3A_710 = vector.broadcast %lt3A_709 : i32 to vector<16xi32>
        %lt3A_711 = arith.cmpi slt, %get3A_302, %lt3A_710 : vector<16xi32>
        %add3A_712 = arith.constant 16 : i32
        %add3A_713 = vector.broadcast %add3A_712 : i32 to vector<16xi32>
        %add3A_714 = arith.addi %get3A_302, %add3A_713 : vector<16xi32>
        %select_n3A_715 = arith.select %lt3A_711, %add3A_714, %get3A_302 : vector<16xi1>, vector<16xi32>
        %reshape3A_716 = vector.shape_cast %select_n3A_715 : vector<16xi32> to vector<16x1xi32>
        %gather3A_717 = vector.shape_cast %reshape3A_716 : vector<16x1xi32> to vector<16xi32>
        %gather3A_718 = tpu.dynamic_gather %gather3A_117[%gather3A_717] in [0] : vector<16xf32>, vector<16xi32> -> vector<16xf32>
        %mul3A_719 = arith.constant 16 : i32
        %mul3A_720 = arith.muli %scan3A_590, %mul3A_719 : i32
        %swap3A_721 = arith.constant 0 : i32
        %swap3A_722 = arith.constant 6 : i32
        %swap3A_723 = arith.index_cast %swap3A_721 : i32 to index
        %swap3A_724 = arith.index_cast %swap3A_722 : i32 to index
        %swap3A_725 = arith.index_cast %mul3A_720 : i32 to index
        %swap3A_726 = tpu.vector_load %arg10[%swap3A_723, %swap3A_724, %swap3A_725] {strides = array<i32>} : memref<1x16x2048xf32, #tpu.memory_space<vmem>>, vector<16xf32>,
        tpu.vector_store %arg10[%swap3A_723, %swap3A_724, %swap3A_725], %gather3A_718 {strides = array<i32>} : memref<1x16x2048xf32, #tpu.memory_space<vmem>>, vector<16xf32>,
        %lt3A_727 = arith.constant 0 : i32
        %lt3A_728 = vector.broadcast %lt3A_727 : i32 to vector<16xi32>
        %lt3A_729 = arith.cmpi slt, %get3A_302, %lt3A_728 : vector<16xi32>
        %add3A_730 = arith.constant 16 : i32
        %add3A_731 = vector.broadcast %add3A_730 : i32 to vector<16xi32>
        %add3A_732 = arith.addi %get3A_302, %add3A_731 : vector<16xi32>
        %select_n3A_733 = arith.select %lt3A_729, %add3A_732, %get3A_302 : vector<16xi1>, vector<16xi32>
        %reshape3A_734 = vector.shape_cast %select_n3A_733 : vector<16xi32> to vector<16x1xi32>
        %gather3A_735 = vector.shape_cast %reshape3A_734 : vector<16x1xi32> to vector<16xi32>
        %gather3A_736 = tpu.dynamic_gather %gather3A_124[%gather3A_735] in [0] : vector<16xf32>, vector<16xi32> -> vector<16xf32>
        %mul3A_737 = arith.constant 16 : i32
        %mul3A_738 = arith.muli %scan3A_590, %mul3A_737 : i32
        %swap3A_739 = arith.constant 0 : i32
        %swap3A_740 = arith.constant 7 : i32
        %swap3A_741 = arith.index_cast %swap3A_739 : i32 to index
        %swap3A_742 = arith.index_cast %swap3A_740 : i32 to index
        %swap3A_743 = arith.index_cast %mul3A_738 : i32 to index
        %swap3A_744 = tpu.vector_load %arg10[%swap3A_741, %swap3A_742, %swap3A_743] {strides = array<i32>} : memref<1x16x2048xf32, #tpu.memory_space<vmem>>, vector<16xf32>,
        tpu.vector_store %arg10[%swap3A_741, %swap3A_742, %swap3A_743], %gather3A_736 {strides = array<i32>} : memref<1x16x2048xf32, #tpu.memory_space<vmem>>, vector<16xf32>,
        %lt3A_745 = arith.constant 0 : i32
        %lt3A_746 = vector.broadcast %lt3A_745 : i32 to vector<16xi32>
        %lt3A_747 = arith.cmpi slt, %get3A_302, %lt3A_746 : vector<16xi32>
        %add3A_748 = arith.constant 16 : i32
        %add3A_749 = vector.broadcast %add3A_748 : i32 to vector<16xi32>
        %add3A_750 = arith.addi %get3A_302, %add3A_749 : vector<16xi32>
        %select_n3A_751 = arith.select %lt3A_747, %add3A_750, %get3A_302 : vector<16xi1>, vector<16xi32>
        %reshape3A_752 = vector.shape_cast %select_n3A_751 : vector<16xi32> to vector<16x1xi32>
        %gather3A_753 = vector.shape_cast %reshape3A_752 : vector<16x1xi32> to vector<16xi32>
        %gather3A_754 = tpu.dynamic_gather %gather3A_131[%gather3A_753] in [0] : vector<16xf32>, vector<16xi32> -> vector<16xf32>
        %mul3A_755 = arith.constant 16 : i32
        %mul3A_756 = arith.muli %scan3A_590, %mul3A_755 : i32
        %swap3A_757 = arith.constant 0 : i32
        %swap3A_758 = arith.constant 8 : i32
        %swap3A_759 = arith.index_cast %swap3A_757 : i32 to index
        %swap3A_760 = arith.index_cast %swap3A_758 : i32 to index
        %swap3A_761 = arith.index_cast %mul3A_756 : i32 to index
        %swap3A_762 = tpu.vector_load %arg10[%swap3A_759, %swap3A_760, %swap3A_761] {strides = array<i32>} : memref<1x16x2048xf32, #tpu.memory_space<vmem>>, vector<16xf32>,
        tpu.vector_store %arg10[%swap3A_759, %swap3A_760, %swap3A_761], %gather3A_754 {strides = array<i32>} : memref<1x16x2048xf32, #tpu.memory_space<vmem>>, vector<16xf32>,
        %lt3A_763 = arith.constant 0 : i32
        %lt3A_764 = vector.broadcast %lt3A_763 : i32 to vector<16xi32>
        %lt3A_765 = arith.cmpi slt, %get3A_302, %lt3A_764 : vector<16xi32>
        %add3A_766 = arith.constant 16 : i32
        %add3A_767 = vector.broadcast %add3A_766 : i32 to vector<16xi32>
        %add3A_768 = arith.addi %get3A_302, %add3A_767 : vector<16xi32>
        %select_n3A_769 = arith.select %lt3A_765, %add3A_768, %get3A_302 : vector<16xi1>, vector<16xi32>
        %reshape3A_770 = vector.shape_cast %select_n3A_769 : vector<16xi32> to vector<16x1xi32>
        %gather3A_771 = vector.shape_cast %reshape3A_770 : vector<16x1xi32> to vector<16xi32>
        %gather3A_772 = tpu.dynamic_gather %gather3A_138[%gather3A_771] in [0] : vector<16xf32>, vector<16xi32> -> vector<16xf32>
        %mul3A_773 = arith.constant 16 : i32
        %mul3A_774 = arith.muli %scan3A_590, %mul3A_773 : i32
        %swap3A_775 = arith.constant 0 : i32
        %swap3A_776 = arith.constant 9 : i32
        %swap3A_777 = arith.index_cast %swap3A_775 : i32 to index
        %swap3A_778 = arith.index_cast %swap3A_776 : i32 to index
        %swap3A_779 = arith.index_cast %mul3A_774 : i32 to index
        %swap3A_780 = tpu.vector_load %arg10[%swap3A_777, %swap3A_778, %swap3A_779] {strides = array<i32>} : memref<1x16x2048xf32, #tpu.memory_space<vmem>>, vector<16xf32>,
        tpu.vector_store %arg10[%swap3A_777, %swap3A_778, %swap3A_779], %gather3A_772 {strides = array<i32>} : memref<1x16x2048xf32, #tpu.memory_space<vmem>>, vector<16xf32>,
        %lt3A_781 = arith.constant 0 : i32
        %lt3A_782 = vector.broadcast %lt3A_781 : i32 to vector<16xi32>
        %lt3A_783 = arith.cmpi slt, %get3A_302, %lt3A_782 : vector<16xi32>
        %add3A_784 = arith.constant 16 : i32
        %add3A_785 = vector.broadcast %add3A_784 : i32 to vector<16xi32>
        %add3A_786 = arith.addi %get3A_302, %add3A_785 : vector<16xi32>
        %select_n3A_787 = arith.select %lt3A_783, %add3A_786, %get3A_302 : vector<16xi1>, vector<16xi32>
        %reshape3A_788 = vector.shape_cast %select_n3A_787 : vector<16xi32> to vector<16x1xi32>
        %gather3A_789 = vector.shape_cast %reshape3A_788 : vector<16x1xi32> to vector<16xi32>
        %gather3A_790 = tpu.dynamic_gather %gather3A_145[%gather3A_789] in [0] : vector<16xf32>, vector<16xi32> -> vector<16xf32>
        %mul3A_791 = arith.constant 16 : i32
        %mul3A_792 = arith.muli %scan3A_590, %mul3A_791 : i32
        %swap3A_793 = arith.constant 0 : i32
        %swap3A_794 = arith.constant 10 : i32
        %swap3A_795 = arith.index_cast %swap3A_793 : i32 to index
        %swap3A_796 = arith.index_cast %swap3A_794 : i32 to index
        %swap3A_797 = arith.index_cast %mul3A_792 : i32 to index
        %swap3A_798 = tpu.vector_load %arg10[%swap3A_795, %swap3A_796, %swap3A_797] {strides = array<i32>} : memref<1x16x2048xf32, #tpu.memory_space<vmem>>, vector<16xf32>,
        tpu.vector_store %arg10[%swap3A_795, %swap3A_796, %swap3A_797], %gather3A_790 {strides = array<i32>} : memref<1x16x2048xf32, #tpu.memory_space<vmem>>, vector<16xf32>,
        %lt3A_799 = arith.constant 0 : i32
        %lt3A_800 = vector.broadcast %lt3A_799 : i32 to vector<16xi32>
        %lt3A_801 = arith.cmpi slt, %get3A_302, %lt3A_800 : vector<16xi32>
        %add3A_802 = arith.constant 16 : i32
        %add3A_803 = vector.broadcast %add3A_802 : i32 to vector<16xi32>
        %add3A_804 = arith.addi %get3A_302, %add3A_803 : vector<16xi32>
        %select_n3A_805 = arith.select %lt3A_801, %add3A_804, %get3A_302 : vector<16xi1>, vector<16xi32>
        %reshape3A_806 = vector.shape_cast %select_n3A_805 : vector<16xi32> to vector<16x1xi32>
        %gather3A_807 = vector.shape_cast %reshape3A_806 : vector<16x1xi32> to vector<16xi32>
        %gather3A_808 = tpu.dynamic_gather %gather3A_152[%gather3A_807] in [0] : vector<16xf32>, vector<16xi32> -> vector<16xf32>
        %mul3A_809 = arith.constant 16 : i32
        %mul3A_810 = arith.muli %scan3A_590, %mul3A_809 : i32
        %swap3A_811 = arith.constant 0 : i32
        %swap3A_812 = arith.constant 11 : i32
        %swap3A_813 = arith.index_cast %swap3A_811 : i32 to index
        %swap3A_814 = arith.index_cast %swap3A_812 : i32 to index
        %swap3A_815 = arith.index_cast %mul3A_810 : i32 to index
        %swap3A_816 = tpu.vector_load %arg10[%swap3A_813, %swap3A_814, %swap3A_815] {strides = array<i32>} : memref<1x16x2048xf32, #tpu.memory_space<vmem>>, vector<16xf32>,
        tpu.vector_store %arg10[%swap3A_813, %swap3A_814, %swap3A_815], %gather3A_808 {strides = array<i32>} : memref<1x16x2048xf32, #tpu.memory_space<vmem>>, vector<16xf32>,
        %lt3A_817 = arith.constant 0 : i32
        %lt3A_818 = vector.broadcast %lt3A_817 : i32 to vector<16xi32>
        %lt3A_819 = arith.cmpi slt, %get3A_302, %lt3A_818 : vector<16xi32>
        %add3A_820 = arith.constant 16 : i32
        %add3A_821 = vector.broadcast %add3A_820 : i32 to vector<16xi32>
        %add3A_822 = arith.addi %get3A_302, %add3A_821 : vector<16xi32>
        %select_n3A_823 = arith.select %lt3A_819, %add3A_822, %get3A_302 : vector<16xi1>, vector<16xi32>
        %reshape3A_824 = vector.shape_cast %select_n3A_823 : vector<16xi32> to vector<16x1xi32>
        %gather3A_825 = vector.shape_cast %reshape3A_824 : vector<16x1xi32> to vector<16xi32>
        %gather3A_826 = tpu.dynamic_gather %gather3A_159[%gather3A_825] in [0] : vector<16xf32>, vector<16xi32> -> vector<16xf32>
        %mul3A_827 = arith.constant 16 : i32
        %mul3A_828 = arith.muli %scan3A_590, %mul3A_827 : i32
        %swap3A_829 = arith.constant 0 : i32
        %swap3A_830 = arith.constant 12 : i32
        %swap3A_831 = arith.index_cast %swap3A_829 : i32 to index
        %swap3A_832 = arith.index_cast %swap3A_830 : i32 to index
        %swap3A_833 = arith.index_cast %mul3A_828 : i32 to index
        %swap3A_834 = tpu.vector_load %arg10[%swap3A_831, %swap3A_832, %swap3A_833] {strides = array<i32>} : memref<1x16x2048xf32, #tpu.memory_space<vmem>>, vector<16xf32>,
        tpu.vector_store %arg10[%swap3A_831, %swap3A_832, %swap3A_833], %gather3A_826 {strides = array<i32>} : memref<1x16x2048xf32, #tpu.memory_space<vmem>>, vector<16xf32>,
        %lt3A_835 = arith.constant 0 : i32
        %lt3A_836 = vector.broadcast %lt3A_835 : i32 to vector<16xi32>
        %lt3A_837 = arith.cmpi slt, %get3A_302, %lt3A_836 : vector<16xi32>
        %add3A_838 = arith.constant 16 : i32
        %add3A_839 = vector.broadcast %add3A_838 : i32 to vector<16xi32>
        %add3A_840 = arith.addi %get3A_302, %add3A_839 : vector<16xi32>
        %select_n3A_841 = arith.select %lt3A_837, %add3A_840, %get3A_302 : vector<16xi1>, vector<16xi32>
        %reshape3A_842 = vector.shape_cast %select_n3A_841 : vector<16xi32> to vector<16x1xi32>
        %gather3A_843 = vector.shape_cast %reshape3A_842 : vector<16x1xi32> to vector<16xi32>
        %gather3A_844 = tpu.dynamic_gather %gather3A_166[%gather3A_843] in [0] : vector<16xf32>, vector<16xi32> -> vector<16xf32>
        %mul3A_845 = arith.constant 16 : i32
        %mul3A_846 = arith.muli %scan3A_590, %mul3A_845 : i32
        %swap3A_847 = arith.constant 0 : i32
        %swap3A_848 = arith.constant 13 : i32
        %swap3A_849 = arith.index_cast %swap3A_847 : i32 to index
        %swap3A_850 = arith.index_cast %swap3A_848 : i32 to index
        %swap3A_851 = arith.index_cast %mul3A_846 : i32 to index
        %swap3A_852 = tpu.vector_load %arg10[%swap3A_849, %swap3A_850, %swap3A_851] {strides = array<i32>} : memref<1x16x2048xf32, #tpu.memory_space<vmem>>, vector<16xf32>,
        tpu.vector_store %arg10[%swap3A_849, %swap3A_850, %swap3A_851], %gather3A_844 {strides = array<i32>} : memref<1x16x2048xf32, #tpu.memory_space<vmem>>, vector<16xf32>,
        %lt3A_853 = arith.constant 0 : i32
        %lt3A_854 = vector.broadcast %lt3A_853 : i32 to vector<16xi32>
        %lt3A_855 = arith.cmpi slt, %get3A_302, %lt3A_854 : vector<16xi32>
        %add3A_856 = arith.constant 16 : i32
        %add3A_857 = vector.broadcast %add3A_856 : i32 to vector<16xi32>
        %add3A_858 = arith.addi %get3A_302, %add3A_857 : vector<16xi32>
        %select_n3A_859 = arith.select %lt3A_855, %add3A_858, %get3A_302 : vector<16xi1>, vector<16xi32>
        %reshape3A_860 = vector.shape_cast %select_n3A_859 : vector<16xi32> to vector<16x1xi32>
        %gather3A_861 = vector.shape_cast %reshape3A_860 : vector<16x1xi32> to vector<16xi32>
        %gather3A_862 = tpu.dynamic_gather %gather3A_173[%gather3A_861] in [0] : vector<16xf32>, vector<16xi32> -> vector<16xf32>
        %mul3A_863 = arith.constant 16 : i32
        %mul3A_864 = arith.muli %scan3A_590, %mul3A_863 : i32
        %swap3A_865 = arith.constant 0 : i32
        %swap3A_866 = arith.constant 14 : i32
        %swap3A_867 = arith.index_cast %swap3A_865 : i32 to index
        %swap3A_868 = arith.index_cast %swap3A_866 : i32 to index
        %swap3A_869 = arith.index_cast %mul3A_864 : i32 to index
        %swap3A_870 = tpu.vector_load %arg10[%swap3A_867, %swap3A_868, %swap3A_869] {strides = array<i32>} : memref<1x16x2048xf32, #tpu.memory_space<vmem>>, vector<16xf32>,
        tpu.vector_store %arg10[%swap3A_867, %swap3A_868, %swap3A_869], %gather3A_862 {strides = array<i32>} : memref<1x16x2048xf32, #tpu.memory_space<vmem>>, vector<16xf32>,
        %lt3A_871 = arith.constant 0 : i32
        %lt3A_872 = vector.broadcast %lt3A_871 : i32 to vector<16xi32>
        %lt3A_873 = arith.cmpi slt, %get3A_302, %lt3A_872 : vector<16xi32>
        %add3A_874 = arith.constant 16 : i32
        %add3A_875 = vector.broadcast %add3A_874 : i32 to vector<16xi32>
        %add3A_876 = arith.addi %get3A_302, %add3A_875 : vector<16xi32>
        %select_n3A_877 = arith.select %lt3A_873, %add3A_876, %get3A_302 : vector<16xi1>, vector<16xi32>
        %reshape3A_878 = vector.shape_cast %select_n3A_877 : vector<16xi32> to vector<16x1xi32>
        %gather3A_879 = vector.shape_cast %reshape3A_878 : vector<16x1xi32> to vector<16xi32>
        %gather3A_880 = tpu.dynamic_gather %gather3A_180[%gather3A_879] in [0] : vector<16xf32>, vector<16xi32> -> vector<16xf32>
        %mul3A_881 = arith.constant 16 : i32
        %mul3A_882 = arith.muli %scan3A_590, %mul3A_881 : i32
        %swap3A_883 = arith.constant 0 : i32
        %swap3A_884 = arith.constant 15 : i32
        %swap3A_885 = arith.index_cast %swap3A_883 : i32 to index
        %swap3A_886 = arith.index_cast %swap3A_884 : i32 to index
        %swap3A_887 = arith.index_cast %mul3A_882 : i32 to index
        %swap3A_888 = tpu.vector_load %arg10[%swap3A_885, %swap3A_886, %swap3A_887] {strides = array<i32>} : memref<1x16x2048xf32, #tpu.memory_space<vmem>>, vector<16xf32>,
        tpu.vector_store %arg10[%swap3A_885, %swap3A_886, %swap3A_887], %gather3A_880 {strides = array<i32>} : memref<1x16x2048xf32, #tpu.memory_space<vmem>>, vector<16xf32>,
        %scan3A_889 = arith.constant 2 : i32
        %scan3A_890 = arith.addi %scan3A_292, %scan3A_889 : i32
        %add3A_891 = arith.constant 1 : i32
        %add3A_892 = arith.addi %scan3A_890, %add3A_891 : i32
        %mul3A_893 = arith.constant 16 : i32
        %mul3A_894 = arith.muli %add3A_892, %mul3A_893 : i32
        %min3A_895 = arith.constant 2032 : i32
        %min3A_896 = arith.minsi %mul3A_894, %min3A_895 : i32
        %get3A_897 = arith.constant 0 : i32
        %get3A_898 = arith.index_cast %get3A_897 : i32 to index
        %get3A_899 = arith.index_cast %min3A_896 : i32 to index
        %get3A_900 = tpu.vector_load %arg8[%get3A_898, %get3A_899] {strides = array<i32>} : memref<1x2048xi32, #tpu.memory_space<vmem>>, vector<16xi32>,
        %lt3A_901 = arith.constant 0 : i32
        %lt3A_902 = vector.broadcast %lt3A_901 : i32 to vector<16xi32>
        %lt3A_903 = arith.cmpi slt, %get3A_600, %lt3A_902 : vector<16xi32>
        %add3A_904 = arith.constant 16 : i32
        %add3A_905 = vector.broadcast %add3A_904 : i32 to vector<16xi32>
        %add3A_906 = arith.addi %get3A_600, %add3A_905 : vector<16xi32>
        %select_n3A_907 = arith.select %lt3A_903, %add3A_906, %get3A_600 : vector<16xi1>, vector<16xi32>
        %reshape3A_908 = vector.shape_cast %select_n3A_907 : vector<16xi32> to vector<16x1xi32>
        %gather3A_909 = vector.shape_cast %reshape3A_908 : vector<16x1xi32> to vector<16xi32>
        %gather3A_910 = tpu.dynamic_gather %gather3A[%gather3A_909] in [0] : vector<16xf32>, vector<16xi32> -> vector<16xf32>
        %mul3A_911 = arith.constant 16 : i32
        %mul3A_912 = arith.muli %scan3A_890, %mul3A_911 : i32
        %swap3A_913 = arith.constant 0 : i32
        %swap3A_914 = arith.constant 0 : i32
        %swap3A_915 = arith.index_cast %swap3A_913 : i32 to index
        %swap3A_916 = arith.index_cast %swap3A_914 : i32 to index
        %swap3A_917 = arith.index_cast %mul3A_912 : i32 to index
        %swap3A_918 = tpu.vector_load %arg10[%swap3A_915, %swap3A_916, %swap3A_917] {strides = array<i32>} : memref<1x16x2048xf32, #tpu.memory_space<vmem>>, vector<16xf32>,
        tpu.vector_store %arg10[%swap3A_915, %swap3A_916, %swap3A_917], %gather3A_910 {strides = array<i32>} : memref<1x16x2048xf32, #tpu.memory_space<vmem>>, vector<16xf32>,
        %lt3A_919 = arith.constant 0 : i32
        %lt3A_920 = vector.broadcast %lt3A_919 : i32 to vector<16xi32>
        %lt3A_921 = arith.cmpi slt, %get3A_600, %lt3A_920 : vector<16xi32>
        %add3A_922 = arith.constant 16 : i32
        %add3A_923 = vector.broadcast %add3A_922 : i32 to vector<16xi32>
        %add3A_924 = arith.addi %get3A_600, %add3A_923 : vector<16xi32>
        %select_n3A_925 = arith.select %lt3A_921, %add3A_924, %get3A_600 : vector<16xi1>, vector<16xi32>
        %reshape3A_926 = vector.shape_cast %select_n3A_925 : vector<16xi32> to vector<16x1xi32>
        %gather3A_927 = vector.shape_cast %reshape3A_926 : vector<16x1xi32> to vector<16xi32>
        %gather3A_928 = tpu.dynamic_gather %gather3A_82[%gather3A_927] in [0] : vector<16xf32>, vector<16xi32> -> vector<16xf32>
        %mul3A_929 = arith.constant 16 : i32
        %mul3A_930 = arith.muli %scan3A_890, %mul3A_929 : i32
        %swap3A_931 = arith.constant 0 : i32
        %swap3A_932 = arith.constant 1 : i32
        %swap3A_933 = arith.index_cast %swap3A_931 : i32 to index
        %swap3A_934 = arith.index_cast %swap3A_932 : i32 to index
        %swap3A_935 = arith.index_cast %mul3A_930 : i32 to index
        %swap3A_936 = tpu.vector_load %arg10[%swap3A_933, %swap3A_934, %swap3A_935] {strides = array<i32>} : memref<1x16x2048xf32, #tpu.memory_space<vmem>>, vector<16xf32>,
        tpu.vector_store %arg10[%swap3A_933, %swap3A_934, %swap3A_935], %gather3A_928 {strides = array<i32>} : memref<1x16x2048xf32, #tpu.memory_space<vmem>>, vector<16xf32>,
        %lt3A_937 = arith.constant 0 : i32
        %lt3A_938 = vector.broadcast %lt3A_937 : i32 to vector<16xi32>
        %lt3A_939 = arith.cmpi slt, %get3A_600, %lt3A_938 : vector<16xi32>
        %add3A_940 = arith.constant 16 : i32
        %add3A_941 = vector.broadcast %add3A_940 : i32 to vector<16xi32>
        %add3A_942 = arith.addi %get3A_600, %add3A_941 : vector<16xi32>
        %select_n3A_943 = arith.select %lt3A_939, %add3A_942, %get3A_600 : vector<16xi1>, vector<16xi32>
        %reshape3A_944 = vector.shape_cast %select_n3A_943 : vector<16xi32> to vector<16x1xi32>
        %gather3A_945 = vector.shape_cast %reshape3A_944 : vector<16x1xi32> to vector<16xi32>
        %gather3A_946 = tpu.dynamic_gather %gather3A_89[%gather3A_945] in [0] : vector<16xf32>, vector<16xi32> -> vector<16xf32>
        %mul3A_947 = arith.constant 16 : i32
        %mul3A_948 = arith.muli %scan3A_890, %mul3A_947 : i32
        %swap3A_949 = arith.constant 0 : i32
        %swap3A_950 = arith.constant 2 : i32
        %swap3A_951 = arith.index_cast %swap3A_949 : i32 to index
        %swap3A_952 = arith.index_cast %swap3A_950 : i32 to index
        %swap3A_953 = arith.index_cast %mul3A_948 : i32 to index
        %swap3A_954 = tpu.vector_load %arg10[%swap3A_951, %swap3A_952, %swap3A_953] {strides = array<i32>} : memref<1x16x2048xf32, #tpu.memory_space<vmem>>, vector<16xf32>,
        tpu.vector_store %arg10[%swap3A_951, %swap3A_952, %swap3A_953], %gather3A_946 {strides = array<i32>} : memref<1x16x2048xf32, #tpu.memory_space<vmem>>, vector<16xf32>,
        %lt3A_955 = arith.constant 0 : i32
        %lt3A_956 = vector.broadcast %lt3A_955 : i32 to vector<16xi32>
        %lt3A_957 = arith.cmpi slt, %get3A_600, %lt3A_956 : vector<16xi32>
        %add3A_958 = arith.constant 16 : i32
        %add3A_959 = vector.broadcast %add3A_958 : i32 to vector<16xi32>
        %add3A_960 = arith.addi %get3A_600, %add3A_959 : vector<16xi32>
        %select_n3A_961 = arith.select %lt3A_957, %add3A_960, %get3A_600 : vector<16xi1>, vector<16xi32>
        %reshape3A_962 = vector.shape_cast %select_n3A_961 : vector<16xi32> to vector<16x1xi32>
        %gather3A_963 = vector.shape_cast %reshape3A_962 : vector<16x1xi32> to vector<16xi32>
        %gather3A_964 = tpu.dynamic_gather %gather3A_96[%gather3A_963] in [0] : vector<16xf32>, vector<16xi32> -> vector<16xf32>
        %mul3A_965 = arith.constant 16 : i32
        %mul3A_966 = arith.muli %scan3A_890, %mul3A_965 : i32
        %swap3A_967 = arith.constant 0 : i32
        %swap3A_968 = arith.constant 3 : i32
        %swap3A_969 = arith.index_cast %swap3A_967 : i32 to index
        %swap3A_970 = arith.index_cast %swap3A_968 : i32 to index
        %swap3A_971 = arith.index_cast %mul3A_966 : i32 to index
        %swap3A_972 = tpu.vector_load %arg10[%swap3A_969, %swap3A_970, %swap3A_971] {strides = array<i32>} : memref<1x16x2048xf32, #tpu.memory_space<vmem>>, vector<16xf32>,
        tpu.vector_store %arg10[%swap3A_969, %swap3A_970, %swap3A_971], %gather3A_964 {strides = array<i32>} : memref<1x16x2048xf32, #tpu.memory_space<vmem>>, vector<16xf32>,
        %lt3A_973 = arith.constant 0 : i32
        %lt3A_974 = vector.broadcast %lt3A_973 : i32 to vector<16xi32>
        %lt3A_975 = arith.cmpi slt, %get3A_600, %lt3A_974 : vector<16xi32>
        %add3A_976 = arith.constant 16 : i32
        %add3A_977 = vector.broadcast %add3A_976 : i32 to vector<16xi32>
        %add3A_978 = arith.addi %get3A_600, %add3A_977 : vector<16xi32>
        %select_n3A_979 = arith.select %lt3A_975, %add3A_978, %get3A_600 : vector<16xi1>, vector<16xi32>
        %reshape3A_980 = vector.shape_cast %select_n3A_979 : vector<16xi32> to vector<16x1xi32>
        %gather3A_981 = vector.shape_cast %reshape3A_980 : vector<16x1xi32> to vector<16xi32>
        %gather3A_982 = tpu.dynamic_gather %gather3A_103[%gather3A_981] in [0] : vector<16xf32>, vector<16xi32> -> vector<16xf32>
        %mul3A_983 = arith.constant 16 : i32
        %mul3A_984 = arith.muli %scan3A_890, %mul3A_983 : i32
        %swap3A_985 = arith.constant 0 : i32
        %swap3A_986 = arith.constant 4 : i32
        %swap3A_987 = arith.index_cast %swap3A_985 : i32 to index
        %swap3A_988 = arith.index_cast %swap3A_986 : i32 to index
        %swap3A_989 = arith.index_cast %mul3A_984 : i32 to index
        %swap3A_990 = tpu.vector_load %arg10[%swap3A_987, %swap3A_988, %swap3A_989] {strides = array<i32>} : memref<1x16x2048xf32, #tpu.memory_space<vmem>>, vector<16xf32>,
        tpu.vector_store %arg10[%swap3A_987, %swap3A_988, %swap3A_989], %gather3A_982 {strides = array<i32>} : memref<1x16x2048xf32, #tpu.memory_space<vmem>>, vector<16xf32>,
        %lt3A_991 = arith.constant 0 : i32
        %lt3A_992 = vector.broadcast %lt3A_991 : i32 to vector<16xi32>
        %lt3A_993 = arith.cmpi slt, %get3A_600, %lt3A_992 : vector<16xi32>
        %add3A_994 = arith.constant 16 : i32
        %add3A_995 = vector.broadcast %add3A_994 : i32 to vector<16xi32>
        %add3A_996 = arith.addi %get3A_600, %add3A_995 : vector<16xi32>
        %select_n3A_997 = arith.select %lt3A_993, %add3A_996, %get3A_600 : vector<16xi1>, vector<16xi32>
        %reshape3A_998 = vector.shape_cast %select_n3A_997 : vector<16xi32> to vector<16x1xi32>
        %gather3A_999 = vector.shape_cast %reshape3A_998 : vector<16x1xi32> to vector<16xi32>
        %gather3A_1000 = tpu.dynamic_gather %gather3A_110[%gather3A_999] in [0] : vector<16xf32>, vector<16xi32> -> vector<16xf32>
        %mul3A_1001 = arith.constant 16 : i32
        %mul3A_1002 = arith.muli %scan3A_890, %mul3A_1001 : i32
        %swap3A_1003 = arith.constant 0 : i32
        %swap3A_1004 = arith.constant 5 : i32
        %swap3A_1005 = arith.index_cast %swap3A_1003 : i32 to index
        %swap3A_1006 = arith.index_cast %swap3A_1004 : i32 to index
        %swap3A_1007 = arith.index_cast %mul3A_1002 : i32 to index
        %swap3A_1008 = tpu.vector_load %arg10[%swap3A_1005, %swap3A_1006, %swap3A_1007] {strides = array<i32>} : memref<1x16x2048xf32, #tpu.memory_space<vmem>>, vector<16xf32>,
        tpu.vector_store %arg10[%swap3A_1005, %swap3A_1006, %swap3A_1007], %gather3A_1000 {strides = array<i32>} : memref<1x16x2048xf32, #tpu.memory_space<vmem>>, vector<16xf32>,
        %lt3A_1009 = arith.constant 0 : i32
        %lt3A_1010 = vector.broadcast %lt3A_1009 : i32 to vector<16xi32>
        %lt3A_1011 = arith.cmpi slt, %get3A_600, %lt3A_1010 : vector<16xi32>
        %add3A_1012 = arith.constant 16 : i32
        %add3A_1013 = vector.broadcast %add3A_1012 : i32 to vector<16xi32>
        %add3A_1014 = arith.addi %get3A_600, %add3A_1013 : vector<16xi32>
        %select_n3A_1015 = arith.select %lt3A_1011, %add3A_1014, %get3A_600 : vector<16xi1>, vector<16xi32>
        %reshape3A_1016 = vector.shape_cast %select_n3A_1015 : vector<16xi32> to vector<16x1xi32>
        %gather3A_1017 = vector.shape_cast %reshape3A_1016 : vector<16x1xi32> to vector<16xi32>
        %gather3A_1018 = tpu.dynamic_gather %gather3A_117[%gather3A_1017] in [0] : vector<16xf32>, vector<16xi32> -> vector<16xf32>
        %mul3A_1019 = arith.constant 16 : i32
        %mul3A_1020 = arith.muli %scan3A_890, %mul3A_1019 : i32
        %swap3A_1021 = arith.constant 0 : i32
        %swap3A_1022 = arith.constant 6 : i32
        %swap3A_1023 = arith.index_cast %swap3A_1021 : i32 to index
        %swap3A_1024 = arith.index_cast %swap3A_1022 : i32 to index
        %swap3A_1025 = arith.index_cast %mul3A_1020 : i32 to index
        %swap3A_1026 = tpu.vector_load %arg10[%swap3A_1023, %swap3A_1024, %swap3A_1025] {strides = array<i32>} : memref<1x16x2048xf32, #tpu.memory_space<vmem>>, vector<16xf32>,
        tpu.vector_store %arg10[%swap3A_1023, %swap3A_1024, %swap3A_1025], %gather3A_1018 {strides = array<i32>} : memref<1x16x2048xf32, #tpu.memory_space<vmem>>, vector<16xf32>,
        %lt3A_1027 = arith.constant 0 : i32
        %lt3A_1028 = vector.broadcast %lt3A_1027 : i32 to vector<16xi32>
        %lt3A_1029 = arith.cmpi slt, %get3A_600, %lt3A_1028 : vector<16xi32>
        %add3A_1030 = arith.constant 16 : i32
        %add3A_1031 = vector.broadcast %add3A_1030 : i32 to vector<16xi32>
        %add3A_1032 = arith.addi %get3A_600, %add3A_1031 : vector<16xi32>
        %select_n3A_1033 = arith.select %lt3A_1029, %add3A_1032, %get3A_600 : vector<16xi1>, vector<16xi32>
        %reshape3A_1034 = vector.shape_cast %select_n3A_1033 : vector<16xi32> to vector<16x1xi32>
        %gather3A_1035 = vector.shape_cast %reshape3A_1034 : vector<16x1xi32> to vector<16xi32>
        %gather3A_1036 = tpu.dynamic_gather %gather3A_124[%gather3A_1035] in [0] : vector<16xf32>, vector<16xi32> -> vector<16xf32>
        %mul3A_1037 = arith.constant 16 : i32
        %mul3A_1038 = arith.muli %scan3A_890, %mul3A_1037 : i32
        %swap3A_1039 = arith.constant 0 : i32
        %swap3A_1040 = arith.constant 7 : i32
        %swap3A_1041 = arith.index_cast %swap3A_1039 : i32 to index
        %swap3A_1042 = arith.index_cast %swap3A_1040 : i32 to index
        %swap3A_1043 = arith.index_cast %mul3A_1038 : i32 to index
        %swap3A_1044 = tpu.vector_load %arg10[%swap3A_1041, %swap3A_1042, %swap3A_1043] {strides = array<i32>} : memref<1x16x2048xf32, #tpu.memory_space<vmem>>, vector<16xf32>,
        tpu.vector_store %arg10[%swap3A_1041, %swap3A_1042, %swap3A_1043], %gather3A_1036 {strides = array<i32>} : memref<1x16x2048xf32, #tpu.memory_space<vmem>>, vector<16xf32>,
        %lt3A_1045 = arith.constant 0 : i32
        %lt3A_1046 = vector.broadcast %lt3A_1045 : i32 to vector<16xi32>
        %lt3A_1047 = arith.cmpi slt, %get3A_600, %lt3A_1046 : vector<16xi32>
        %add3A_1048 = arith.constant 16 : i32
        %add3A_1049 = vector.broadcast %add3A_1048 : i32 to vector<16xi32>
        %add3A_1050 = arith.addi %get3A_600, %add3A_1049 : vector<16xi32>
        %select_n3A_1051 = arith.select %lt3A_1047, %add3A_1050, %get3A_600 : vector<16xi1>, vector<16xi32>
        %reshape3A_1052 = vector.shape_cast %select_n3A_1051 : vector<16xi32> to vector<16x1xi32>
        %gather3A_1053 = vector.shape_cast %reshape3A_1052 : vector<16x1xi32> to vector<16xi32>
        %gather3A_1054 = tpu.dynamic_gather %gather3A_131[%gather3A_1053] in [0] : vector<16xf32>, vector<16xi32> -> vector<16xf32>
        %mul3A_1055 = arith.constant 16 : i32
        %mul3A_1056 = arith.muli %scan3A_890, %mul3A_1055 : i32
        %swap3A_1057 = arith.constant 0 : i32
        %swap3A_1058 = arith.constant 8 : i32
        %swap3A_1059 = arith.index_cast %swap3A_1057 : i32 to index
        %swap3A_1060 = arith.index_cast %swap3A_1058 : i32 to index
        %swap3A_1061 = arith.index_cast %mul3A_1056 : i32 to index
        %swap3A_1062 = tpu.vector_load %arg10[%swap3A_1059, %swap3A_1060, %swap3A_1061] {strides = array<i32>} : memref<1x16x2048xf32, #tpu.memory_space<vmem>>, vector<16xf32>,
        tpu.vector_store %arg10[%swap3A_1059, %swap3A_1060, %swap3A_1061], %gather3A_1054 {strides = array<i32>} : memref<1x16x2048xf32, #tpu.memory_space<vmem>>, vector<16xf32>,
        %lt3A_1063 = arith.constant 0 : i32
        %lt3A_1064 = vector.broadcast %lt3A_1063 : i32 to vector<16xi32>
        %lt3A_1065 = arith.cmpi slt, %get3A_600, %lt3A_1064 : vector<16xi32>
        %add3A_1066 = arith.constant 16 : i32
        %add3A_1067 = vector.broadcast %add3A_1066 : i32 to vector<16xi32>
        %add3A_1068 = arith.addi %get3A_600, %add3A_1067 : vector<16xi32>
        %select_n3A_1069 = arith.select %lt3A_1065, %add3A_1068, %get3A_600 : vector<16xi1>, vector<16xi32>
        %reshape3A_1070 = vector.shape_cast %select_n3A_1069 : vector<16xi32> to vector<16x1xi32>
        %gather3A_1071 = vector.shape_cast %reshape3A_1070 : vector<16x1xi32> to vector<16xi32>
        %gather3A_1072 = tpu.dynamic_gather %gather3A_138[%gather3A_1071] in [0] : vector<16xf32>, vector<16xi32> -> vector<16xf32>
        %mul3A_1073 = arith.constant 16 : i32
        %mul3A_1074 = arith.muli %scan3A_890, %mul3A_1073 : i32
        %swap3A_1075 = arith.constant 0 : i32
        %swap3A_1076 = arith.constant 9 : i32
        %swap3A_1077 = arith.index_cast %swap3A_1075 : i32 to index
        %swap3A_1078 = arith.index_cast %swap3A_1076 : i32 to index
        %swap3A_1079 = arith.index_cast %mul3A_1074 : i32 to index
        %swap3A_1080 = tpu.vector_load %arg10[%swap3A_1077, %swap3A_1078, %swap3A_1079] {strides = array<i32>} : memref<1x16x2048xf32, #tpu.memory_space<vmem>>, vector<16xf32>,
        tpu.vector_store %arg10[%swap3A_1077, %swap3A_1078, %swap3A_1079], %gather3A_1072 {strides = array<i32>} : memref<1x16x2048xf32, #tpu.memory_space<vmem>>, vector<16xf32>,
        %lt3A_1081 = arith.constant 0 : i32
        %lt3A_1082 = vector.broadcast %lt3A_1081 : i32 to vector<16xi32>
        %lt3A_1083 = arith.cmpi slt, %get3A_600, %lt3A_1082 : vector<16xi32>
        %add3A_1084 = arith.constant 16 : i32
        %add3A_1085 = vector.broadcast %add3A_1084 : i32 to vector<16xi32>
        %add3A_1086 = arith.addi %get3A_600, %add3A_1085 : vector<16xi32>
        %select_n3A_1087 = arith.select %lt3A_1083, %add3A_1086, %get3A_600 : vector<16xi1>, vector<16xi32>
        %reshape3A_1088 = vector.shape_cast %select_n3A_1087 : vector<16xi32> to vector<16x1xi32>
        %gather3A_1089 = vector.shape_cast %reshape3A_1088 : vector<16x1xi32> to vector<16xi32>
        %gather3A_1090 = tpu.dynamic_gather %gather3A_145[%gather3A_1089] in [0] : vector<16xf32>, vector<16xi32> -> vector<16xf32>
        %mul3A_1091 = arith.constant 16 : i32
        %mul3A_1092 = arith.muli %scan3A_890, %mul3A_1091 : i32
        %swap3A_1093 = arith.constant 0 : i32
        %swap3A_1094 = arith.constant 10 : i32
        %swap3A_1095 = arith.index_cast %swap3A_1093 : i32 to index
        %swap3A_1096 = arith.index_cast %swap3A_1094 : i32 to index
        %swap3A_1097 = arith.index_cast %mul3A_1092 : i32 to index
        %swap3A_1098 = tpu.vector_load %arg10[%swap3A_1095, %swap3A_1096, %swap3A_1097] {strides = array<i32>} : memref<1x16x2048xf32, #tpu.memory_space<vmem>>, vector<16xf32>,
        tpu.vector_store %arg10[%swap3A_1095, %swap3A_1096, %swap3A_1097], %gather3A_1090 {strides = array<i32>} : memref<1x16x2048xf32, #tpu.memory_space<vmem>>, vector<16xf32>,
        %lt3A_1099 = arith.constant 0 : i32
        %lt3A_1100 = vector.broadcast %lt3A_1099 : i32 to vector<16xi32>
        %lt3A_1101 = arith.cmpi slt, %get3A_600, %lt3A_1100 : vector<16xi32>
        %add3A_1102 = arith.constant 16 : i32
        %add3A_1103 = vector.broadcast %add3A_1102 : i32 to vector<16xi32>
        %add3A_1104 = arith.addi %get3A_600, %add3A_1103 : vector<16xi32>
        %select_n3A_1105 = arith.select %lt3A_1101, %add3A_1104, %get3A_600 : vector<16xi1>, vector<16xi32>
        %reshape3A_1106 = vector.shape_cast %select_n3A_1105 : vector<16xi32> to vector<16x1xi32>
        %gather3A_1107 = vector.shape_cast %reshape3A_1106 : vector<16x1xi32> to vector<16xi32>
        %gather3A_1108 = tpu.dynamic_gather %gather3A_152[%gather3A_1107] in [0] : vector<16xf32>, vector<16xi32> -> vector<16xf32>
        %mul3A_1109 = arith.constant 16 : i32
        %mul3A_1110 = arith.muli %scan3A_890, %mul3A_1109 : i32
        %swap3A_1111 = arith.constant 0 : i32
        %swap3A_1112 = arith.constant 11 : i32
        %swap3A_1113 = arith.index_cast %swap3A_1111 : i32 to index
        %swap3A_1114 = arith.index_cast %swap3A_1112 : i32 to index
        %swap3A_1115 = arith.index_cast %mul3A_1110 : i32 to index
        %swap3A_1116 = tpu.vector_load %arg10[%swap3A_1113, %swap3A_1114, %swap3A_1115] {strides = array<i32>} : memref<1x16x2048xf32, #tpu.memory_space<vmem>>, vector<16xf32>,
        tpu.vector_store %arg10[%swap3A_1113, %swap3A_1114, %swap3A_1115], %gather3A_1108 {strides = array<i32>} : memref<1x16x2048xf32, #tpu.memory_space<vmem>>, vector<16xf32>,
        %lt3A_1117 = arith.constant 0 : i32
        %lt3A_1118 = vector.broadcast %lt3A_1117 : i32 to vector<16xi32>
        %lt3A_1119 = arith.cmpi slt, %get3A_600, %lt3A_1118 : vector<16xi32>
        %add3A_1120 = arith.constant 16 : i32
        %add3A_1121 = vector.broadcast %add3A_1120 : i32 to vector<16xi32>
        %add3A_1122 = arith.addi %get3A_600, %add3A_1121 : vector<16xi32>
        %select_n3A_1123 = arith.select %lt3A_1119, %add3A_1122, %get3A_600 : vector<16xi1>, vector<16xi32>
        %reshape3A_1124 = vector.shape_cast %select_n3A_1123 : vector<16xi32> to vector<16x1xi32>
        %gather3A_1125 = vector.shape_cast %reshape3A_1124 : vector<16x1xi32> to vector<16xi32>
        %gather3A_1126 = tpu.dynamic_gather %gather3A_159[%gather3A_1125] in [0] : vector<16xf32>, vector<16xi32> -> vector<16xf32>
        %mul3A_1127 = arith.constant 16 : i32
        %mul3A_1128 = arith.muli %scan3A_890, %mul3A_1127 : i32
        %swap3A_1129 = arith.constant 0 : i32
        %swap3A_1130 = arith.constant 12 : i32
        %swap3A_1131 = arith.index_cast %swap3A_1129 : i32 to index
        %swap3A_1132 = arith.index_cast %swap3A_1130 : i32 to index
        %swap3A_1133 = arith.index_cast %mul3A_1128 : i32 to index
        %swap3A_1134 = tpu.vector_load %arg10[%swap3A_1131, %swap3A_1132, %swap3A_1133] {strides = array<i32>} : memref<1x16x2048xf32, #tpu.memory_space<vmem>>, vector<16xf32>,
        tpu.vector_store %arg10[%swap3A_1131, %swap3A_1132, %swap3A_1133], %gather3A_1126 {strides = array<i32>} : memref<1x16x2048xf32, #tpu.memory_space<vmem>>, vector<16xf32>,
        %lt3A_1135 = arith.constant 0 : i32
        %lt3A_1136 = vector.broadcast %lt3A_1135 : i32 to vector<16xi32>
        %lt3A_1137 = arith.cmpi slt, %get3A_600, %lt3A_1136 : vector<16xi32>
        %add3A_1138 = arith.constant 16 : i32
        %add3A_1139 = vector.broadcast %add3A_1138 : i32 to vector<16xi32>
        %add3A_1140 = arith.addi %get3A_600, %add3A_1139 : vector<16xi32>
        %select_n3A_1141 = arith.select %lt3A_1137, %add3A_1140, %get3A_600 : vector<16xi1>, vector<16xi32>
        %reshape3A_1142 = vector.shape_cast %select_n3A_1141 : vector<16xi32> to vector<16x1xi32>
        %gather3A_1143 = vector.shape_cast %reshape3A_1142 : vector<16x1xi32> to vector<16xi32>
        %gather3A_1144 = tpu.dynamic_gather %gather3A_166[%gather3A_1143] in [0] : vector<16xf32>, vector<16xi32> -> vector<16xf32>
        %mul3A_1145 = arith.constant 16 : i32
        %mul3A_1146 = arith.muli %scan3A_890, %mul3A_1145 : i32
        %swap3A_1147 = arith.constant 0 : i32
        %swap3A_1148 = arith.constant 13 : i32
        %swap3A_1149 = arith.index_cast %swap3A_1147 : i32 to index
        %swap3A_1150 = arith.index_cast %swap3A_1148 : i32 to index
        %swap3A_1151 = arith.index_cast %mul3A_1146 : i32 to index
        %swap3A_1152 = tpu.vector_load %arg10[%swap3A_1149, %swap3A_1150, %swap3A_1151] {strides = array<i32>} : memref<1x16x2048xf32, #tpu.memory_space<vmem>>, vector<16xf32>,
        tpu.vector_store %arg10[%swap3A_1149, %swap3A_1150, %swap3A_1151], %gather3A_1144 {strides = array<i32>} : memref<1x16x2048xf32, #tpu.memory_space<vmem>>, vector<16xf32>,
        %lt3A_1153 = arith.constant 0 : i32
        %lt3A_1154 = vector.broadcast %lt3A_1153 : i32 to vector<16xi32>
        %lt3A_1155 = arith.cmpi slt, %get3A_600, %lt3A_1154 : vector<16xi32>
        %add3A_1156 = arith.constant 16 : i32
        %add3A_1157 = vector.broadcast %add3A_1156 : i32 to vector<16xi32>
        %add3A_1158 = arith.addi %get3A_600, %add3A_1157 : vector<16xi32>
        %select_n3A_1159 = arith.select %lt3A_1155, %add3A_1158, %get3A_600 : vector<16xi1>, vector<16xi32>
        %reshape3A_1160 = vector.shape_cast %select_n3A_1159 : vector<16xi32> to vector<16x1xi32>
        %gather3A_1161 = vector.shape_cast %reshape3A_1160 : vector<16x1xi32> to vector<16xi32>
        %gather3A_1162 = tpu.dynamic_gather %gather3A_173[%gather3A_1161] in [0] : vector<16xf32>, vector<16xi32> -> vector<16xf32>
        %mul3A_1163 = arith.constant 16 : i32
        %mul3A_1164 = arith.muli %scan3A_890, %mul3A_1163 : i32
        %swap3A_1165 = arith.constant 0 : i32
        %swap3A_1166 = arith.constant 14 : i32
        %swap3A_1167 = arith.index_cast %swap3A_1165 : i32 to index
        %swap3A_1168 = arith.index_cast %swap3A_1166 : i32 to index
        %swap3A_1169 = arith.index_cast %mul3A_1164 : i32 to index
        %swap3A_1170 = tpu.vector_load %arg10[%swap3A_1167, %swap3A_1168, %swap3A_1169] {strides = array<i32>} : memref<1x16x2048xf32, #tpu.memory_space<vmem>>, vector<16xf32>,
        tpu.vector_store %arg10[%swap3A_1167, %swap3A_1168, %swap3A_1169], %gather3A_1162 {strides = array<i32>} : memref<1x16x2048xf32, #tpu.memory_space<vmem>>, vector<16xf32>,
        %lt3A_1171 = arith.constant 0 : i32
        %lt3A_1172 = vector.broadcast %lt3A_1171 : i32 to vector<16xi32>
        %lt3A_1173 = arith.cmpi slt, %get3A_600, %lt3A_1172 : vector<16xi32>
        %add3A_1174 = arith.constant 16 : i32
        %add3A_1175 = vector.broadcast %add3A_1174 : i32 to vector<16xi32>
        %add3A_1176 = arith.addi %get3A_600, %add3A_1175 : vector<16xi32>
        %select_n3A_1177 = arith.select %lt3A_1173, %add3A_1176, %get3A_600 : vector<16xi1>, vector<16xi32>
        %reshape3A_1178 = vector.shape_cast %select_n3A_1177 : vector<16xi32> to vector<16x1xi32>
        %gather3A_1179 = vector.shape_cast %reshape3A_1178 : vector<16x1xi32> to vector<16xi32>
        %gather3A_1180 = tpu.dynamic_gather %gather3A_180[%gather3A_1179] in [0] : vector<16xf32>, vector<16xi32> -> vector<16xf32>
        %mul3A_1181 = arith.constant 16 : i32
        %mul3A_1182 = arith.muli %scan3A_890, %mul3A_1181 : i32
        %swap3A_1183 = arith.constant 0 : i32
        %swap3A_1184 = arith.constant 15 : i32
        %swap3A_1185 = arith.index_cast %swap3A_1183 : i32 to index
        %swap3A_1186 = arith.index_cast %swap3A_1184 : i32 to index
        %swap3A_1187 = arith.index_cast %mul3A_1182 : i32 to index
        %swap3A_1188 = tpu.vector_load %arg10[%swap3A_1185, %swap3A_1186, %swap3A_1187] {strides = array<i32>} : memref<1x16x2048xf32, #tpu.memory_space<vmem>>, vector<16xf32>,
        tpu.vector_store %arg10[%swap3A_1185, %swap3A_1186, %swap3A_1187], %gather3A_1180 {strides = array<i32>} : memref<1x16x2048xf32, #tpu.memory_space<vmem>>, vector<16xf32>,
        %scan3A_1189 = arith.constant 3 : i32
        %scan3A_1190 = arith.addi %scan3A_292, %scan3A_1189 : i32
        %add3A_1191 = arith.constant 1 : i32
        %add3A_1192 = arith.addi %scan3A_1190, %add3A_1191 : i32
        %mul3A_1193 = arith.constant 16 : i32
        %mul3A_1194 = arith.muli %add3A_1192, %mul3A_1193 : i32
        %min3A_1195 = arith.constant 2032 : i32
        %min3A_1196 = arith.minsi %mul3A_1194, %min3A_1195 : i32
        %get3A_1197 = arith.constant 0 : i32
        %get3A_1198 = arith.index_cast %get3A_1197 : i32 to index
        %get3A_1199 = arith.index_cast %min3A_1196 : i32 to index
        %get3A_1200 = tpu.vector_load %arg8[%get3A_1198, %get3A_1199] {strides = array<i32>} : memref<1x2048xi32, #tpu.memory_space<vmem>>, vector<16xi32>,
        %lt3A_1201 = arith.constant 0 : i32
        %lt3A_1202 = vector.broadcast %lt3A_1201 : i32 to vector<16xi32>
        %lt3A_1203 = arith.cmpi slt, %get3A_900, %lt3A_1202 : vector<16xi32>
        %add3A_1204 = arith.constant 16 : i32
        %add3A_1205 = vector.broadcast %add3A_1204 : i32 to vector<16xi32>
        %add3A_1206 = arith.addi %get3A_900, %add3A_1205 : vector<16xi32>
        %select_n3A_1207 = arith.select %lt3A_1203, %add3A_1206, %get3A_900 : vector<16xi1>, vector<16xi32>
        %reshape3A_1208 = vector.shape_cast %select_n3A_1207 : vector<16xi32> to vector<16x1xi32>
        %gather3A_1209 = vector.shape_cast %reshape3A_1208 : vector<16x1xi32> to vector<16xi32>
        %gather3A_1210 = tpu.dynamic_gather %gather3A[%gather3A_1209] in [0] : vector<16xf32>, vector<16xi32> -> vector<16xf32>
        %mul3A_1211 = arith.constant 16 : i32
        %mul3A_1212 = arith.muli %scan3A_1190, %mul3A_1211 : i32
        %swap3A_1213 = arith.constant 0 : i32
        %swap3A_1214 = arith.constant 0 : i32
        %swap3A_1215 = arith.index_cast %swap3A_1213 : i32 to index
        %swap3A_1216 = arith.index_cast %swap3A_1214 : i32 to index
        %swap3A_1217 = arith.index_cast %mul3A_1212 : i32 to index
        %swap3A_1218 = tpu.vector_load %arg10[%swap3A_1215, %swap3A_1216, %swap3A_1217] {strides = array<i32>} : memref<1x16x2048xf32, #tpu.memory_space<vmem>>, vector<16xf32>,
        tpu.vector_store %arg10[%swap3A_1215, %swap3A_1216, %swap3A_1217], %gather3A_1210 {strides = array<i32>} : memref<1x16x2048xf32, #tpu.memory_space<vmem>>, vector<16xf32>,
        %lt3A_1219 = arith.constant 0 : i32
        %lt3A_1220 = vector.broadcast %lt3A_1219 : i32 to vector<16xi32>
        %lt3A_1221 = arith.cmpi slt, %get3A_900, %lt3A_1220 : vector<16xi32>
        %add3A_1222 = arith.constant 16 : i32
        %add3A_1223 = vector.broadcast %add3A_1222 : i32 to vector<16xi32>
        %add3A_1224 = arith.addi %get3A_900, %add3A_1223 : vector<16xi32>
        %select_n3A_1225 = arith.select %lt3A_1221, %add3A_1224, %get3A_900 : vector<16xi1>, vector<16xi32>
        %reshape3A_1226 = vector.shape_cast %select_n3A_1225 : vector<16xi32> to vector<16x1xi32>
        %gather3A_1227 = vector.shape_cast %reshape3A_1226 : vector<16x1xi32> to vector<16xi32>
        %gather3A_1228 = tpu.dynamic_gather %gather3A_82[%gather3A_1227] in [0] : vector<16xf32>, vector<16xi32> -> vector<16xf32>
        %mul3A_1229 = arith.constant 16 : i32
        %mul3A_1230 = arith.muli %scan3A_1190, %mul3A_1229 : i32
        %swap3A_1231 = arith.constant 0 : i32
        %swap3A_1232 = arith.constant 1 : i32
        %swap3A_1233 = arith.index_cast %swap3A_1231 : i32 to index
        %swap3A_1234 = arith.index_cast %swap3A_1232 : i32 to index
        %swap3A_1235 = arith.index_cast %mul3A_1230 : i32 to index
        %swap3A_1236 = tpu.vector_load %arg10[%swap3A_1233, %swap3A_1234, %swap3A_1235] {strides = array<i32>} : memref<1x16x2048xf32, #tpu.memory_space<vmem>>, vector<16xf32>,
        tpu.vector_store %arg10[%swap3A_1233, %swap3A_1234, %swap3A_1235], %gather3A_1228 {strides = array<i32>} : memref<1x16x2048xf32, #tpu.memory_space<vmem>>, vector<16xf32>,
        %lt3A_1237 = arith.constant 0 : i32
        %lt3A_1238 = vector.broadcast %lt3A_1237 : i32 to vector<16xi32>
        %lt3A_1239 = arith.cmpi slt, %get3A_900, %lt3A_1238 : vector<16xi32>
        %add3A_1240 = arith.constant 16 : i32
        %add3A_1241 = vector.broadcast %add3A_1240 : i32 to vector<16xi32>
        %add3A_1242 = arith.addi %get3A_900, %add3A_1241 : vector<16xi32>
        %select_n3A_1243 = arith.select %lt3A_1239, %add3A_1242, %get3A_900 : vector<16xi1>, vector<16xi32>
        %reshape3A_1244 = vector.shape_cast %select_n3A_1243 : vector<16xi32> to vector<16x1xi32>
        %gather3A_1245 = vector.shape_cast %reshape3A_1244 : vector<16x1xi32> to vector<16xi32>
        %gather3A_1246 = tpu.dynamic_gather %gather3A_89[%gather3A_1245] in [0] : vector<16xf32>, vector<16xi32> -> vector<16xf32>
        %mul3A_1247 = arith.constant 16 : i32
        %mul3A_1248 = arith.muli %scan3A_1190, %mul3A_1247 : i32
        %swap3A_1249 = arith.constant 0 : i32
        %swap3A_1250 = arith.constant 2 : i32
        %swap3A_1251 = arith.index_cast %swap3A_1249 : i32 to index
        %swap3A_1252 = arith.index_cast %swap3A_1250 : i32 to index
        %swap3A_1253 = arith.index_cast %mul3A_1248 : i32 to index
        %swap3A_1254 = tpu.vector_load %arg10[%swap3A_1251, %swap3A_1252, %swap3A_1253] {strides = array<i32>} : memref<1x16x2048xf32, #tpu.memory_space<vmem>>, vector<16xf32>,
        tpu.vector_store %arg10[%swap3A_1251, %swap3A_1252, %swap3A_1253], %gather3A_1246 {strides = array<i32>} : memref<1x16x2048xf32, #tpu.memory_space<vmem>>, vector<16xf32>,
        %lt3A_1255 = arith.constant 0 : i32
        %lt3A_1256 = vector.broadcast %lt3A_1255 : i32 to vector<16xi32>
        %lt3A_1257 = arith.cmpi slt, %get3A_900, %lt3A_1256 : vector<16xi32>
        %add3A_1258 = arith.constant 16 : i32
        %add3A_1259 = vector.broadcast %add3A_1258 : i32 to vector<16xi32>
        %add3A_1260 = arith.addi %get3A_900, %add3A_1259 : vector<16xi32>
        %select_n3A_1261 = arith.select %lt3A_1257, %add3A_1260, %get3A_900 : vector<16xi1>, vector<16xi32>
        %reshape3A_1262 = vector.shape_cast %select_n3A_1261 : vector<16xi32> to vector<16x1xi32>
        %gather3A_1263 = vector.shape_cast %reshape3A_1262 : vector<16x1xi32> to vector<16xi32>
        %gather3A_1264 = tpu.dynamic_gather %gather3A_96[%gather3A_1263] in [0] : vector<16xf32>, vector<16xi32> -> vector<16xf32>
        %mul3A_1265 = arith.constant 16 : i32
        %mul3A_1266 = arith.muli %scan3A_1190, %mul3A_1265 : i32
        %swap3A_1267 = arith.constant 0 : i32
        %swap3A_1268 = arith.constant 3 : i32
        %swap3A_1269 = arith.index_cast %swap3A_1267 : i32 to index
        %swap3A_1270 = arith.index_cast %swap3A_1268 : i32 to index
        %swap3A_1271 = arith.index_cast %mul3A_1266 : i32 to index
        %swap3A_1272 = tpu.vector_load %arg10[%swap3A_1269, %swap3A_1270, %swap3A_1271] {strides = array<i32>} : memref<1x16x2048xf32, #tpu.memory_space<vmem>>, vector<16xf32>,
        tpu.vector_store %arg10[%swap3A_1269, %swap3A_1270, %swap3A_1271], %gather3A_1264 {strides = array<i32>} : memref<1x16x2048xf32, #tpu.memory_space<vmem>>, vector<16xf32>,
        %lt3A_1273 = arith.constant 0 : i32
        %lt3A_1274 = vector.broadcast %lt3A_1273 : i32 to vector<16xi32>
        %lt3A_1275 = arith.cmpi slt, %get3A_900, %lt3A_1274 : vector<16xi32>
        %add3A_1276 = arith.constant 16 : i32
        %add3A_1277 = vector.broadcast %add3A_1276 : i32 to vector<16xi32>
        %add3A_1278 = arith.addi %get3A_900, %add3A_1277 : vector<16xi32>
        %select_n3A_1279 = arith.select %lt3A_1275, %add3A_1278, %get3A_900 : vector<16xi1>, vector<16xi32>
        %reshape3A_1280 = vector.shape_cast %select_n3A_1279 : vector<16xi32> to vector<16x1xi32>
        %gather3A_1281 = vector.shape_cast %reshape3A_1280 : vector<16x1xi32> to vector<16xi32>
        %gather3A_1282 = tpu.dynamic_gather %gather3A_103[%gather3A_1281] in [0] : vector<16xf32>, vector<16xi32> -> vector<16xf32>
        %mul3A_1283 = arith.constant 16 : i32
        %mul3A_1284 = arith.muli %scan3A_1190, %mul3A_1283 : i32
        %swap3A_1285 = arith.constant 0 : i32
        %swap3A_1286 = arith.constant 4 : i32
        %swap3A_1287 = arith.index_cast %swap3A_1285 : i32 to index
        %swap3A_1288 = arith.index_cast %swap3A_1286 : i32 to index
        %swap3A_1289 = arith.index_cast %mul3A_1284 : i32 to index
        %swap3A_1290 = tpu.vector_load %arg10[%swap3A_1287, %swap3A_1288, %swap3A_1289] {strides = array<i32>} : memref<1x16x2048xf32, #tpu.memory_space<vmem>>, vector<16xf32>,
        tpu.vector_store %arg10[%swap3A_1287, %swap3A_1288, %swap3A_1289], %gather3A_1282 {strides = array<i32>} : memref<1x16x2048xf32, #tpu.memory_space<vmem>>, vector<16xf32>,
        %lt3A_1291 = arith.constant 0 : i32
        %lt3A_1292 = vector.broadcast %lt3A_1291 : i32 to vector<16xi32>
        %lt3A_1293 = arith.cmpi slt, %get3A_900, %lt3A_1292 : vector<16xi32>
        %add3A_1294 = arith.constant 16 : i32
        %add3A_1295 = vector.broadcast %add3A_1294 : i32 to vector<16xi32>
        %add3A_1296 = arith.addi %get3A_900, %add3A_1295 : vector<16xi32>
        %select_n3A_1297 = arith.select %lt3A_1293, %add3A_1296, %get3A_900 : vector<16xi1>, vector<16xi32>
        %reshape3A_1298 = vector.shape_cast %select_n3A_1297 : vector<16xi32> to vector<16x1xi32>
        %gather3A_1299 = vector.shape_cast %reshape3A_1298 : vector<16x1xi32> to vector<16xi32>
        %gather3A_1300 = tpu.dynamic_gather %gather3A_110[%gather3A_1299] in [0] : vector<16xf32>, vector<16xi32> -> vector<16xf32>
        %mul3A_1301 = arith.constant 16 : i32
        %mul3A_1302 = arith.muli %scan3A_1190, %mul3A_1301 : i32
        %swap3A_1303 = arith.constant 0 : i32
        %swap3A_1304 = arith.constant 5 : i32
        %swap3A_1305 = arith.index_cast %swap3A_1303 : i32 to index
        %swap3A_1306 = arith.index_cast %swap3A_1304 : i32 to index
        %swap3A_1307 = arith.index_cast %mul3A_1302 : i32 to index
        %swap3A_1308 = tpu.vector_load %arg10[%swap3A_1305, %swap3A_1306, %swap3A_1307] {strides = array<i32>} : memref<1x16x2048xf32, #tpu.memory_space<vmem>>, vector<16xf32>,
        tpu.vector_store %arg10[%swap3A_1305, %swap3A_1306, %swap3A_1307], %gather3A_1300 {strides = array<i32>} : memref<1x16x2048xf32, #tpu.memory_space<vmem>>, vector<16xf32>,
        %lt3A_1309 = arith.constant 0 : i32
        %lt3A_1310 = vector.broadcast %lt3A_1309 : i32 to vector<16xi32>
        %lt3A_1311 = arith.cmpi slt, %get3A_900, %lt3A_1310 : vector<16xi32>
        %add3A_1312 = arith.constant 16 : i32
        %add3A_1313 = vector.broadcast %add3A_1312 : i32 to vector<16xi32>
        %add3A_1314 = arith.addi %get3A_900, %add3A_1313 : vector<16xi32>
        %select_n3A_1315 = arith.select %lt3A_1311, %add3A_1314, %get3A_900 : vector<16xi1>, vector<16xi32>
        %reshape3A_1316 = vector.shape_cast %select_n3A_1315 : vector<16xi32> to vector<16x1xi32>
        %gather3A_1317 = vector.shape_cast %reshape3A_1316 : vector<16x1xi32> to vector<16xi32>
        %gather3A_1318 = tpu.dynamic_gather %gather3A_117[%gather3A_1317] in [0] : vector<16xf32>, vector<16xi32> -> vector<16xf32>
        %mul3A_1319 = arith.constant 16 : i32
        %mul3A_1320 = arith.muli %scan3A_1190, %mul3A_1319 : i32
        %swap3A_1321 = arith.constant 0 : i32
        %swap3A_1322 = arith.constant 6 : i32
        %swap3A_1323 = arith.index_cast %swap3A_1321 : i32 to index
        %swap3A_1324 = arith.index_cast %swap3A_1322 : i32 to index
        %swap3A_1325 = arith.index_cast %mul3A_1320 : i32 to index
        %swap3A_1326 = tpu.vector_load %arg10[%swap3A_1323, %swap3A_1324, %swap3A_1325] {strides = array<i32>} : memref<1x16x2048xf32, #tpu.memory_space<vmem>>, vector<16xf32>,
        tpu.vector_store %arg10[%swap3A_1323, %swap3A_1324, %swap3A_1325], %gather3A_1318 {strides = array<i32>} : memref<1x16x2048xf32, #tpu.memory_space<vmem>>, vector<16xf32>,
        %lt3A_1327 = arith.constant 0 : i32
        %lt3A_1328 = vector.broadcast %lt3A_1327 : i32 to vector<16xi32>
        %lt3A_1329 = arith.cmpi slt, %get3A_900, %lt3A_1328 : vector<16xi32>
        %add3A_1330 = arith.constant 16 : i32
        %add3A_1331 = vector.broadcast %add3A_1330 : i32 to vector<16xi32>
        %add3A_1332 = arith.addi %get3A_900, %add3A_1331 : vector<16xi32>
        %select_n3A_1333 = arith.select %lt3A_1329, %add3A_1332, %get3A_900 : vector<16xi1>, vector<16xi32>
        %reshape3A_1334 = vector.shape_cast %select_n3A_1333 : vector<16xi32> to vector<16x1xi32>
        %gather3A_1335 = vector.shape_cast %reshape3A_1334 : vector<16x1xi32> to vector<16xi32>
        %gather3A_1336 = tpu.dynamic_gather %gather3A_124[%gather3A_1335] in [0] : vector<16xf32>, vector<16xi32> -> vector<16xf32>
        %mul3A_1337 = arith.constant 16 : i32
        %mul3A_1338 = arith.muli %scan3A_1190, %mul3A_1337 : i32
        %swap3A_1339 = arith.constant 0 : i32
        %swap3A_1340 = arith.constant 7 : i32
        %swap3A_1341 = arith.index_cast %swap3A_1339 : i32 to index
        %swap3A_1342 = arith.index_cast %swap3A_1340 : i32 to index
        %swap3A_1343 = arith.index_cast %mul3A_1338 : i32 to index
        %swap3A_1344 = tpu.vector_load %arg10[%swap3A_1341, %swap3A_1342, %swap3A_1343] {strides = array<i32>} : memref<1x16x2048xf32, #tpu.memory_space<vmem>>, vector<16xf32>,
        tpu.vector_store %arg10[%swap3A_1341, %swap3A_1342, %swap3A_1343], %gather3A_1336 {strides = array<i32>} : memref<1x16x2048xf32, #tpu.memory_space<vmem>>, vector<16xf32>,
        %lt3A_1345 = arith.constant 0 : i32
        %lt3A_1346 = vector.broadcast %lt3A_1345 : i32 to vector<16xi32>
        %lt3A_1347 = arith.cmpi slt, %get3A_900, %lt3A_1346 : vector<16xi32>
        %add3A_1348 = arith.constant 16 : i32
        %add3A_1349 = vector.broadcast %add3A_1348 : i32 to vector<16xi32>
        %add3A_1350 = arith.addi %get3A_900, %add3A_1349 : vector<16xi32>
        %select_n3A_1351 = arith.select %lt3A_1347, %add3A_1350, %get3A_900 : vector<16xi1>, vector<16xi32>
        %reshape3A_1352 = vector.shape_cast %select_n3A_1351 : vector<16xi32> to vector<16x1xi32>
        %gather3A_1353 = vector.shape_cast %reshape3A_1352 : vector<16x1xi32> to vector<16xi32>
        %gather3A_1354 = tpu.dynamic_gather %gather3A_131[%gather3A_1353] in [0] : vector<16xf32>, vector<16xi32> -> vector<16xf32>
        %mul3A_1355 = arith.constant 16 : i32
        %mul3A_1356 = arith.muli %scan3A_1190, %mul3A_1355 : i32
        %swap3A_1357 = arith.constant 0 : i32
        %swap3A_1358 = arith.constant 8 : i32
        %swap3A_1359 = arith.index_cast %swap3A_1357 : i32 to index
        %swap3A_1360 = arith.index_cast %swap3A_1358 : i32 to index
        %swap3A_1361 = arith.index_cast %mul3A_1356 : i32 to index
        %swap3A_1362 = tpu.vector_load %arg10[%swap3A_1359, %swap3A_1360, %swap3A_1361] {strides = array<i32>} : memref<1x16x2048xf32, #tpu.memory_space<vmem>>, vector<16xf32>,
        tpu.vector_store %arg10[%swap3A_1359, %swap3A_1360, %swap3A_1361], %gather3A_1354 {strides = array<i32>} : memref<1x16x2048xf32, #tpu.memory_space<vmem>>, vector<16xf32>,
        %lt3A_1363 = arith.constant 0 : i32
        %lt3A_1364 = vector.broadcast %lt3A_1363 : i32 to vector<16xi32>
        %lt3A_1365 = arith.cmpi slt, %get3A_900, %lt3A_1364 : vector<16xi32>
        %add3A_1366 = arith.constant 16 : i32
        %add3A_1367 = vector.broadcast %add3A_1366 : i32 to vector<16xi32>
        %add3A_1368 = arith.addi %get3A_900, %add3A_1367 : vector<16xi32>
        %select_n3A_1369 = arith.select %lt3A_1365, %add3A_1368, %get3A_900 : vector<16xi1>, vector<16xi32>
        %reshape3A_1370 = vector.shape_cast %select_n3A_1369 : vector<16xi32> to vector<16x1xi32>
        %gather3A_1371 = vector.shape_cast %reshape3A_1370 : vector<16x1xi32> to vector<16xi32>
        %gather3A_1372 = tpu.dynamic_gather %gather3A_138[%gather3A_1371] in [0] : vector<16xf32>, vector<16xi32> -> vector<16xf32>
        %mul3A_1373 = arith.constant 16 : i32
        %mul3A_1374 = arith.muli %scan3A_1190, %mul3A_1373 : i32
        %swap3A_1375 = arith.constant 0 : i32
        %swap3A_1376 = arith.constant 9 : i32
        %swap3A_1377 = arith.index_cast %swap3A_1375 : i32 to index
        %swap3A_1378 = arith.index_cast %swap3A_1376 : i32 to index
        %swap3A_1379 = arith.index_cast %mul3A_1374 : i32 to index
        %swap3A_1380 = tpu.vector_load %arg10[%swap3A_1377, %swap3A_1378, %swap3A_1379] {strides = array<i32>} : memref<1x16x2048xf32, #tpu.memory_space<vmem>>, vector<16xf32>,
        tpu.vector_store %arg10[%swap3A_1377, %swap3A_1378, %swap3A_1379], %gather3A_1372 {strides = array<i32>} : memref<1x16x2048xf32, #tpu.memory_space<vmem>>, vector<16xf32>,
        %lt3A_1381 = arith.constant 0 : i32
        %lt3A_1382 = vector.broadcast %lt3A_1381 : i32 to vector<16xi32>
        %lt3A_1383 = arith.cmpi slt, %get3A_900, %lt3A_1382 : vector<16xi32>
        %add3A_1384 = arith.constant 16 : i32
        %add3A_1385 = vector.broadcast %add3A_1384 : i32 to vector<16xi32>
        %add3A_1386 = arith.addi %get3A_900, %add3A_1385 : vector<16xi32>
        %select_n3A_1387 = arith.select %lt3A_1383, %add3A_1386, %get3A_900 : vector<16xi1>, vector<16xi32>
        %reshape3A_1388 = vector.shape_cast %select_n3A_1387 : vector<16xi32> to vector<16x1xi32>
        %gather3A_1389 = vector.shape_cast %reshape3A_1388 : vector<16x1xi32> to vector<16xi32>
        %gather3A_1390 = tpu.dynamic_gather %gather3A_145[%gather3A_1389] in [0] : vector<16xf32>, vector<16xi32> -> vector<16xf32>
        %mul3A_1391 = arith.constant 16 : i32
        %mul3A_1392 = arith.muli %scan3A_1190, %mul3A_1391 : i32
        %swap3A_1393 = arith.constant 0 : i32
        %swap3A_1394 = arith.constant 10 : i32
        %swap3A_1395 = arith.index_cast %swap3A_1393 : i32 to index
        %swap3A_1396 = arith.index_cast %swap3A_1394 : i32 to index
        %swap3A_1397 = arith.index_cast %mul3A_1392 : i32 to index
        %swap3A_1398 = tpu.vector_load %arg10[%swap3A_1395, %swap3A_1396, %swap3A_1397] {strides = array<i32>} : memref<1x16x2048xf32, #tpu.memory_space<vmem>>, vector<16xf32>,
        tpu.vector_store %arg10[%swap3A_1395, %swap3A_1396, %swap3A_1397], %gather3A_1390 {strides = array<i32>} : memref<1x16x2048xf32, #tpu.memory_space<vmem>>, vector<16xf32>,
        %lt3A_1399 = arith.constant 0 : i32
        %lt3A_1400 = vector.broadcast %lt3A_1399 : i32 to vector<16xi32>
        %lt3A_1401 = arith.cmpi slt, %get3A_900, %lt3A_1400 : vector<16xi32>
        %add3A_1402 = arith.constant 16 : i32
        %add3A_1403 = vector.broadcast %add3A_1402 : i32 to vector<16xi32>
        %add3A_1404 = arith.addi %get3A_900, %add3A_1403 : vector<16xi32>
        %select_n3A_1405 = arith.select %lt3A_1401, %add3A_1404, %get3A_900 : vector<16xi1>, vector<16xi32>
        %reshape3A_1406 = vector.shape_cast %select_n3A_1405 : vector<16xi32> to vector<16x1xi32>
        %gather3A_1407 = vector.shape_cast %reshape3A_1406 : vector<16x1xi32> to vector<16xi32>
        %gather3A_1408 = tpu.dynamic_gather %gather3A_152[%gather3A_1407] in [0] : vector<16xf32>, vector<16xi32> -> vector<16xf32>
        %mul3A_1409 = arith.constant 16 : i32
        %mul3A_1410 = arith.muli %scan3A_1190, %mul3A_1409 : i32
        %swap3A_1411 = arith.constant 0 : i32
        %swap3A_1412 = arith.constant 11 : i32
        %swap3A_1413 = arith.index_cast %swap3A_1411 : i32 to index
        %swap3A_1414 = arith.index_cast %swap3A_1412 : i32 to index
        %swap3A_1415 = arith.index_cast %mul3A_1410 : i32 to index
        %swap3A_1416 = tpu.vector_load %arg10[%swap3A_1413, %swap3A_1414, %swap3A_1415] {strides = array<i32>} : memref<1x16x2048xf32, #tpu.memory_space<vmem>>, vector<16xf32>,
        tpu.vector_store %arg10[%swap3A_1413, %swap3A_1414, %swap3A_1415], %gather3A_1408 {strides = array<i32>} : memref<1x16x2048xf32, #tpu.memory_space<vmem>>, vector<16xf32>,
        %lt3A_1417 = arith.constant 0 : i32
        %lt3A_1418 = vector.broadcast %lt3A_1417 : i32 to vector<16xi32>
        %lt3A_1419 = arith.cmpi slt, %get3A_900, %lt3A_1418 : vector<16xi32>
        %add3A_1420 = arith.constant 16 : i32
        %add3A_1421 = vector.broadcast %add3A_1420 : i32 to vector<16xi32>
        %add3A_1422 = arith.addi %get3A_900, %add3A_1421 : vector<16xi32>
        %select_n3A_1423 = arith.select %lt3A_1419, %add3A_1422, %get3A_900 : vector<16xi1>, vector<16xi32>
        %reshape3A_1424 = vector.shape_cast %select_n3A_1423 : vector<16xi32> to vector<16x1xi32>
        %gather3A_1425 = vector.shape_cast %reshape3A_1424 : vector<16x1xi32> to vector<16xi32>
        %gather3A_1426 = tpu.dynamic_gather %gather3A_159[%gather3A_1425] in [0] : vector<16xf32>, vector<16xi32> -> vector<16xf32>
        %mul3A_1427 = arith.constant 16 : i32
        %mul3A_1428 = arith.muli %scan3A_1190, %mul3A_1427 : i32
        %swap3A_1429 = arith.constant 0 : i32
        %swap3A_1430 = arith.constant 12 : i32
        %swap3A_1431 = arith.index_cast %swap3A_1429 : i32 to index
        %swap3A_1432 = arith.index_cast %swap3A_1430 : i32 to index
        %swap3A_1433 = arith.index_cast %mul3A_1428 : i32 to index
        %swap3A_1434 = tpu.vector_load %arg10[%swap3A_1431, %swap3A_1432, %swap3A_1433] {strides = array<i32>} : memref<1x16x2048xf32, #tpu.memory_space<vmem>>, vector<16xf32>,
        tpu.vector_store %arg10[%swap3A_1431, %swap3A_1432, %swap3A_1433], %gather3A_1426 {strides = array<i32>} : memref<1x16x2048xf32, #tpu.memory_space<vmem>>, vector<16xf32>,
        %lt3A_1435 = arith.constant 0 : i32
        %lt3A_1436 = vector.broadcast %lt3A_1435 : i32 to vector<16xi32>
        %lt3A_1437 = arith.cmpi slt, %get3A_900, %lt3A_1436 : vector<16xi32>
        %add3A_1438 = arith.constant 16 : i32
        %add3A_1439 = vector.broadcast %add3A_1438 : i32 to vector<16xi32>
        %add3A_1440 = arith.addi %get3A_900, %add3A_1439 : vector<16xi32>
        %select_n3A_1441 = arith.select %lt3A_1437, %add3A_1440, %get3A_900 : vector<16xi1>, vector<16xi32>
        %reshape3A_1442 = vector.shape_cast %select_n3A_1441 : vector<16xi32> to vector<16x1xi32>
        %gather3A_1443 = vector.shape_cast %reshape3A_1442 : vector<16x1xi32> to vector<16xi32>
        %gather3A_1444 = tpu.dynamic_gather %gather3A_166[%gather3A_1443] in [0] : vector<16xf32>, vector<16xi32> -> vector<16xf32>
        %mul3A_1445 = arith.constant 16 : i32
        %mul3A_1446 = arith.muli %scan3A_1190, %mul3A_1445 : i32
        %swap3A_1447 = arith.constant 0 : i32
        %swap3A_1448 = arith.constant 13 : i32
        %swap3A_1449 = arith.index_cast %swap3A_1447 : i32 to index
        %swap3A_1450 = arith.index_cast %swap3A_1448 : i32 to index
        %swap3A_1451 = arith.index_cast %mul3A_1446 : i32 to index
        %swap3A_1452 = tpu.vector_load %arg10[%swap3A_1449, %swap3A_1450, %swap3A_1451] {strides = array<i32>} : memref<1x16x2048xf32, #tpu.memory_space<vmem>>, vector<16xf32>,
        tpu.vector_store %arg10[%swap3A_1449, %swap3A_1450, %swap3A_1451], %gather3A_1444 {strides = array<i32>} : memref<1x16x2048xf32, #tpu.memory_space<vmem>>, vector<16xf32>,
        %lt3A_1453 = arith.constant 0 : i32
        %lt3A_1454 = vector.broadcast %lt3A_1453 : i32 to vector<16xi32>
        %lt3A_1455 = arith.cmpi slt, %get3A_900, %lt3A_1454 : vector<16xi32>
        %add3A_1456 = arith.constant 16 : i32
        %add3A_1457 = vector.broadcast %add3A_1456 : i32 to vector<16xi32>
        %add3A_1458 = arith.addi %get3A_900, %add3A_1457 : vector<16xi32>
        %select_n3A_1459 = arith.select %lt3A_1455, %add3A_1458, %get3A_900 : vector<16xi1>, vector<16xi32>
        %reshape3A_1460 = vector.shape_cast %select_n3A_1459 : vector<16xi32> to vector<16x1xi32>
        %gather3A_1461 = vector.shape_cast %reshape3A_1460 : vector<16x1xi32> to vector<16xi32>
        %gather3A_1462 = tpu.dynamic_gather %gather3A_173[%gather3A_1461] in [0] : vector<16xf32>, vector<16xi32> -> vector<16xf32>
        %mul3A_1463 = arith.constant 16 : i32
        %mul3A_1464 = arith.muli %scan3A_1190, %mul3A_1463 : i32
        %swap3A_1465 = arith.constant 0 : i32
        %swap3A_1466 = arith.constant 14 : i32
        %swap3A_1467 = arith.index_cast %swap3A_1465 : i32 to index
        %swap3A_1468 = arith.index_cast %swap3A_1466 : i32 to index
        %swap3A_1469 = arith.index_cast %mul3A_1464 : i32 to index
        %swap3A_1470 = tpu.vector_load %arg10[%swap3A_1467, %swap3A_1468, %swap3A_1469] {strides = array<i32>} : memref<1x16x2048xf32, #tpu.memory_space<vmem>>, vector<16xf32>,
        tpu.vector_store %arg10[%swap3A_1467, %swap3A_1468, %swap3A_1469], %gather3A_1462 {strides = array<i32>} : memref<1x16x2048xf32, #tpu.memory_space<vmem>>, vector<16xf32>,
        %lt3A_1471 = arith.constant 0 : i32
        %lt3A_1472 = vector.broadcast %lt3A_1471 : i32 to vector<16xi32>
        %lt3A_1473 = arith.cmpi slt, %get3A_900, %lt3A_1472 : vector<16xi32>
        %add3A_1474 = arith.constant 16 : i32
        %add3A_1475 = vector.broadcast %add3A_1474 : i32 to vector<16xi32>
        %add3A_1476 = arith.addi %get3A_900, %add3A_1475 : vector<16xi32>
        %select_n3A_1477 = arith.select %lt3A_1473, %add3A_1476, %get3A_900 : vector<16xi1>, vector<16xi32>
        %reshape3A_1478 = vector.shape_cast %select_n3A_1477 : vector<16xi32> to vector<16x1xi32>
        %gather3A_1479 = vector.shape_cast %reshape3A_1478 : vector<16x1xi32> to vector<16xi32>
        %gather3A_1480 = tpu.dynamic_gather %gather3A_180[%gather3A_1479] in [0] : vector<16xf32>, vector<16xi32> -> vector<16xf32>
        %mul3A_1481 = arith.constant 16 : i32
        %mul3A_1482 = arith.muli %scan3A_1190, %mul3A_1481 : i32
        %swap3A_1483 = arith.constant 0 : i32
        %swap3A_1484 = arith.constant 15 : i32
        %swap3A_1485 = arith.index_cast %swap3A_1483 : i32 to index
        %swap3A_1486 = arith.index_cast %swap3A_1484 : i32 to index
        %swap3A_1487 = arith.index_cast %mul3A_1482 : i32 to index
        %swap3A_1488 = tpu.vector_load %arg10[%swap3A_1485, %swap3A_1486, %swap3A_1487] {strides = array<i32>} : memref<1x16x2048xf32, #tpu.memory_space<vmem>>, vector<16xf32>,
        tpu.vector_store %arg10[%swap3A_1485, %swap3A_1486, %swap3A_1487], %gather3A_1480 {strides = array<i32>} : memref<1x16x2048xf32, #tpu.memory_space<vmem>>, vector<16xf32>,
        scf.yield %get3A_1200 : vector<16xi32>
      }
      %scan3A_277 = arith.constant 128 : i32
      %add3A_278 = arith.constant 2 : i32
      %add3A_279 = arith.addi %add3A_258, %add3A_278 : i32
      %add3A_280 = arith.constant 64 : i32
      %add3A_281 = arith.addi %mul3A_2, %add3A_280 : i32
      %lt3A_282 = arith.cmpi slt, %add3A_279, %add3A_281 : i32
      %convert_element_type3A_283 = arith.extui %lt3A_282 : i1 to i32
      %cond3A_284 = arith.constant 0 : i32
      %cond3A_285 = arith.cmpi ne, %convert_element_type3A_283, %cond3A_284 : i32
      scf.if %cond3A_285 {
        %add3A_292 = arith.constant 2 : i32
        %add3A_293 = arith.addi %add3A_258, %add3A_292 : i32
        %dma_start3A_294 = arith.constant 0 : i32
        %dma_start3A_295 = tpu.memref_slice %arg2[%add3A_293, %dma_start3A_294] : memref<2048x2048xi32, #tpu.memory_space<hbm>> -> memref<1x2048xi32, #tpu.memory_space<hbm>>
        %dma_start3A_296 = arith.constant 0 : i32
        %dma_start3A_297 = tpu.memref_slice %arg2[%add3A_293, %dma_start3A_296] : memref<2048x2048xi32, #tpu.memory_space<hbm>> -> memref<1x2048xi32, #tpu.memory_space<hbm>>
        tpu.enqueue_dma source(%dma_start3A_297 : memref<1x2048xi32, #tpu.memory_space<hbm>>) target(%arg8 : memref<1x2048xi32, #tpu.memory_space<vmem>>) target_semaphore(%arg14 : memref<!tpu.dma_semaphore, #tpu.memory_space<semaphore_mem>>)
      } else {
      }
      %dma_start3A_286 = arith.constant 0 : i32
      %dma_start3A_287 = arith.constant 0 : i32
      %dma_start3A_288 = tpu.memref_slice %arg4[%add3A_258, %dma_start3A_286, %dma_start3A_287] : memref<2048x16x2048xf32, #tpu.memory_space<hbm>> -> memref<1x16x2048xf32, #tpu.memory_space<hbm>>
      %dma_start3A_289 = arith.constant 0 : i32
      %dma_start3A_290 = arith.constant 0 : i32
      %dma_start3A_291 = tpu.memref_slice %arg4[%add3A_258, %dma_start3A_289, %dma_start3A_290] : memref<2048x16x2048xf32, #tpu.memory_space<hbm>> -> memref<1x16x2048xf32, #tpu.memory_space<hbm>>
      tpu.enqueue_dma source(%arg10 : memref<1x16x2048xf32, #tpu.memory_space<vmem>>) target(%dma_start3A_291 : memref<1x16x2048xf32, #tpu.memory_space<hbm>>) target_semaphore(%arg12 : memref<!tpu.dma_semaphore, #tpu.memory_space<semaphore_mem>>)
    }
    %scan3A_196 = arith.constant 32 : i32
    %add3A_197 = arith.constant 64 : i32
    %add3A_198 = arith.addi %mul3A_2, %add3A_197 : i32
    %sub3A = arith.constant 2 : i32
    %sub3A_199 = arith.subi %add3A_198, %sub3A : i32
    %add3A_200 = arith.constant 0 : i32
    %add3A_201 = arith.addi %sub3A_199, %add3A_200 : i32
    %dma_wait3A = arith.constant 0 : i32
    %dma_wait3A_202 = arith.constant 0 : i32
    %dma_wait3A_203 = tpu.memref_slice %arg4[%add3A_201, %dma_wait3A, %dma_wait3A_202] : memref<2048x16x2048xf32, #tpu.memory_space<hbm>> -> memref<1x16x2048xf32, #tpu.memory_space<hbm>>
    %dma_wait3A_204 = arith.constant 0 : i32
    %dma_wait3A_205 = arith.constant 0 : i32
    %dma_wait3A_206 = tpu.memref_slice %arg4[%add3A_201, %dma_wait3A_204, %dma_wait3A_205] : memref<2048x16x2048xf32, #tpu.memory_space<hbm>> -> memref<1x16x2048xf32, #tpu.memory_space<hbm>>
    tpu.wait_dma2 semaphore(%arg11 : memref<!tpu.dma_semaphore, #tpu.memory_space<semaphore_mem>>) src(%arg9 : memref<1x16x2048xf32, #tpu.memory_space<vmem>>) dst(%dma_wait3A_206 : memref<1x16x2048xf32, #tpu.memory_space<hbm>>)
    %add3A_207 = arith.constant 64 : i32
    %add3A_208 = arith.addi %mul3A_2, %add3A_207 : i32
    %sub3A_209 = arith.constant 2 : i32
    %sub3A_210 = arith.subi %add3A_208, %sub3A_209 : i32
    %add3A_211 = arith.constant 1 : i32
    %add3A_212 = arith.addi %sub3A_210, %add3A_211 : i32
    %dma_wait3A_213 = arith.constant 0 : i32
    %dma_wait3A_214 = arith.constant 0 : i32
    %dma_wait3A_215 = tpu.memref_slice %arg4[%add3A_212, %dma_wait3A_213, %dma_wait3A_214] : memref<2048x16x2048xf32, #tpu.memory_space<hbm>> -> memref<1x16x2048xf32, #tpu.memory_space<hbm>>
    %dma_wait3A_216 = arith.constant 0 : i32
    %dma_wait3A_217 = arith.constant 0 : i32
    %dma_wait3A_218 = tpu.memref_slice %arg4[%add3A_212, %dma_wait3A_216, %dma_wait3A_217] : memref<2048x16x2048xf32, #tpu.memory_space<hbm>> -> memref<1x16x2048xf32, #tpu.memory_space<hbm>>
    tpu.wait_dma2 semaphore(%arg12 : memref<!tpu.dma_semaphore, #tpu.memory_space<semaphore_mem>>) src(%arg10 : memref<1x16x2048xf32, #tpu.memory_space<vmem>>) dst(%dma_wait3A_218 : memref<1x16x2048xf32, #tpu.memory_space<hbm>>)
    return
  }
}

</mosaic_0001>

<sc_bundles>
// kernel: kernel.3.cloned.1.call-start
scs
__scs_entry_jumppad:
0x0: {  	(pc) =	sbr.rel $0x88, $3  }
0x1: {  	(tag) =	ssettag $0x0;
	lr =	simm.s32 $0x1  }
0x2: {  	[smem:$0x3F9F] =	sst lr;
	_ =	strace $0xD0000000  }
0x3: {  	_ = 	snop  }
0x4: {  	_ = 	snop  }
0x5: {  	_ = 	snop  }
0x6: {  	_ = 	snop  }
0x7: {  	_ = 	snop  }
__scs_overlays_trampoline_lowered:
0x8: {  	[smem:$0x3FAE] =	sst s0  }
0x9: {  	[smem:$0x3FAF] =	sst s1  }
0xa: {  	[smem:$0x3FB0] =	sst s2  }
0xb: {  	[smem:$0x3FB1] =	sst s3  }
0xc: {  	[smem:$0x3FB2] =	sst s4  }
0xd: {  	[smem:$0x3FB3] =	sst s5  }
0xe: {  	[smem:$0x3FB4] =	sst s6  }
0xf: {  	[smem:$0x3FB5] =	sst s7  }
0x10: {  	[smem:$0x3FB6] =	sst s8  }
0x11: {  	[smem:$0x3FB7] =	sst s9;
	s0 =	simm.s32 @!p0 $0x0  }
0x12: {  	s1 =	sld [smem:$0x3F9D];
	s0 =	simm.s32 @p0 $0x1  }
0x13: {  	[smem:$0x3FB8] =	sst s0;
	s0 =	simm.s32 @!p1 $0x0  }
0x14: {  	s2 =	sld [smem:$0x3F9C];
	s0 =	simm.s32 @p1 $0x1  }
0x15: {  	[smem:$0x3FB9] =	sst s0;
	s0 =	simm.s32 @!p2 $0x0  }
0x16: {  	s3 =	sld [smem:$0x3FDB];
	s0 =	simm.s32 @p2 $0x1  }
0x17: {  	s4 =	simm.s32 $0x1BF5;
	[smem:$0x3FBB] =	sst s0  }
0x18: {  	s0 =	sld [smem:$0x3F9E];
	_ =	swait.ge [sflag:s4], $0x0  }
0x19: {  	s7 =	sld [smem:$0x3F9F]  }
0x1a: {  	s8 =	sadd.s32 $0xFFFFE003, lr  }
0x1b: {  	s9 =	sadd.s32 $0xFFFFFEF7, lr;
	s5 =	simm.s32 $0xFFFFFFFF;
	p2 =	slt.u32 s8, $0xFFFFF086  }
0x1c: {  	p1 =	slt.u32 s9, $0xF7A;
	s5 =	simm.s32 @!p2 $0x0  }
0x1d: {  	s5 =	simm.s32 @p1 $0x1;
	p0 =	seq.s32 s7, s2  }
0x1e: {  	s7 =	smul.u32 @!p0 $0xF7A, s2;
	p2 =	seq.s32 @!p0 s5, $0x0  }
0x1f: {  	s9 =	smul.u32 $0xF7A, s1;
	s8 =	simm.s32 @!p0 $0x1BF5;
	p2 =	por !p2, p0  }
0x20: {  	[sflag:s8] =	ssyncset.s32 @!p0 $0xFFFFF086;
	s6 =	sadd.s32 @!p0 s3, s7;
	s7 =	simm.s32 @!p0 $0x108  }
0x21: {  	s3 =	sadd.s32 s3, s9;
	s6 =	sadd.s32 @!p0 $0x88, s6;
	s7 =	simm.s32 @p2 $0x1082  }
0x22: {  	[simem:s7], [sflag:s8] =	dma.local @!p0 [hbm:s6], $0xF7A  }
0x23: {  	s9 =	sor.u32 $0xD0000000, s2;
	s6 =	simm.s32 $0x108;
	_ =	swait.ge @!p0 [sflag:s8], $0x0  }
0x24: {  	s3 =	sadd.s32 $0x88, s3;
	s6 =	simm.s32 @!p1 $0x1082;
	[sflag:s4] =	ssyncset.s32 $0xFFFFF086  }
0x25: {  	[simem:s6], [sflag:s4] =	dma.local [hbm:s3], $0xF7A  }
0x26: {  	[smem:$0x3F9F] =	sst s1;
	(tag) =	ssettag s2;
	_ =	strace s9  }
0x27: {  	s1 =	sld [smem:$0x3FAF]  }
0x28: {  	s2 =	sld [smem:$0x3FB0]  }
0x29: {  	s4 =	sld [smem:$0x3FB2]  }
0x2a: {  	p0 =	seq.s32 s5, $0x0;
	s5 =	sld [smem:$0x3FB3]  }
0x2b: {  	s6 =	sld [smem:$0x3FB4]  }
0x2c: {  	s7 =	sld [smem:$0x3FB5]  }
0x2d: {  	s3 =	simm.s32 $0x108;
	s8 =	sld [smem:$0x3FB6]  }
0x2e: {  	s3 =	simm.s32 @!p0 $0x1082;
	s9 =	sld [smem:$0x3FB7]  }
0x2f: {  	lr =	sadd.s32 s0, s3;
	s0 =	sld [smem:$0x3FAE]  }
0x30: {  	s3 =	sld [smem:$0x3FB1]  }
0x31: {  	[smem:$0x3FBA] =	sst s10  }
0x32: {  	s10 =	sld [smem:$0x3FB8];
	_ =	sdelay $0x3  }
0x33: {  	p0 =	seq.s32 s10, $0x1;
	s10 =	sld [smem:$0x3FBA];
	_ =	sdelay $0x3  }
0x34: {  	[smem:$0x3FBA] =	sst s10  }
0x35: {  	s10 =	sld [smem:$0x3FB9];
	_ =	sdelay $0x3  }
0x36: {  	p1 =	seq.s32 s10, $0x1;
	s10 =	sld [smem:$0x3FBA];
	_ =	sdelay $0x3  }
0x37: {  	[smem:$0x3FBA] =	sst s10  }
0x38: {  	s10 =	sld [smem:$0x3FBB]  }
0x39: {  	_ = 	snop;
	(pc) =	sbr.ind lr, $3  }
0x3a: {  	_ = 	snop  }
0x3b: {  	_ = 	snop  }
0x3c: {  	p2 =	seq.s32 s10, $0x1;
	s10 =	sld [smem:$0x3FBA]  }
0x3d: {  	_ =	shalt  }
0x3e: {  	_ =	shalt  }
0x3f: {  	_ =	shalt  }
0x40: {  	_ =	shalt  }
0x41: {  	_ =	shalt  }
0x42: {  	_ =	shalt  }
0x43: {  	_ =	shalt  }
0x44: {  	_ =	shalt  }
0x45: {  	_ =	shalt  }
0x46: {  	_ =	shalt  }
0x47: {  	_ =	shalt  }
0x48: {  	_ =	shalt  }
0x49: {  	_ =	shalt  }
0x4a: {  	_ =	shalt  }
0x4b: {  	_ =	shalt  }
0x4c: {  	_ =	shalt  }
0x4d: {  	_ =	shalt  }
0x4e: {  	_ =	shalt  }
0x4f: {  	_ =	shalt  }
0x50: {  	_ =	shalt  }
0x51: {  	_ =	shalt  }
0x52: {  	_ =	shalt  }
0x53: {  	_ =	shalt  }
0x54: {  	_ =	shalt  }
0x55: {  	_ =	shalt  }
0x56: {  	_ =	shalt  }
0x57: {  	_ =	shalt  }
0x58: {  	_ =	shalt  }
0x59: {  	_ =	shalt  }
0x5a: {  	_ =	shalt  }
0x5b: {  	_ =	shalt  }
0x5c: {  	_ =	shalt  }
0x5d: {  	_ =	shalt  }
0x5e: {  	_ =	shalt  }
0x5f: {  	_ =	shalt  }
0x60: {  	_ =	shalt  }
0x61: {  	_ =	shalt  }
0x62: {  	_ =	shalt  }
0x63: {  	_ =	shalt  }
0x64: {  	_ =	shalt  }
0x65: {  	_ =	shalt  }
0x66: {  	_ =	shalt  }
0x67: {  	_ =	shalt  }
0x68: {  	_ =	shalt  }
0x69: {  	_ =	shalt  }
0x6a: {  	_ =	shalt  }
0x6b: {  	_ =	shalt  }
0x6c: {  	_ =	shalt  }
0x6d: {  	_ =	shalt  }
0x6e: {  	_ =	shalt  }
0x6f: {  	_ =	shalt  }
0x70: {  	_ =	shalt  }
0x71: {  	_ =	shalt  }
0x72: {  	_ =	shalt  }
0x73: {  	_ =	shalt  }
0x74: {  	_ =	shalt  }
0x75: {  	_ =	shalt  }
0x76: {  	_ =	shalt  }
0x77: {  	_ =	shalt  }
0x78: {  	_ =	shalt  }
0x79: {  	_ =	shalt  }
0x7a: {  	_ =	shalt  }
0x7b: {  	_ =	shalt  }
0x7c: {  	_ =	shalt  }
0x7d: {  	_ =	shalt  }
0x7e: {  	_ =	shalt  }
0x7f: {  	_ =	shalt  }
0x80: {  	_ =	shalt  }
0x81: {  	_ =	shalt  }
0x82: {  	_ =	shalt  }
0x83: {  	_ =	shalt  }
0x84: {  	_ =	shalt  }
0x85: {  	_ =	shalt  }
0x86: {  	_ =	shalt  }
0x87: {  	_ =	shalt  }
.Lfunc_end0:
.L_simem_size_0:
called_computation_lowered:
.L_overlay_start_0:
0x88: {  	s2 =	sld [smem:$0x3FD9]  }
0x89: {  	s3 =	sld [smem:$0x3FFE];
	_ =	sdelay $0x1  }
0x8a: {  	s1 =	srdreg.scid  }
0x8b: {  	s0 =	sand.u32 $0x1, s1  }
0x8c: {  	s18 =	sshll.u32 s0, $0xA;
	s2 =	sadd.s32 s3, s2  }
0x8d: {  	s2 =	sadd.s32 s2, s18  }
0x8e: {  	[smem:$0x3FC6] =	sst s2  }
0x8f: {  	_ = 	snop  }
0x90: {  	s2 =	sld [smem:$0x3FC9]  }
0x91: {  	s19 =	sld [smem:$0x3FC8]  }
0x92: {  	s4 =	sld [smem:$0x3FD0];
	(tm) =	ssettm $0x1  }
0x93: {  	s5 =	sld [smem:$0x3FFB];
	_ =	sdelay $0x3  }
0x94: {  	_ =	strace s5  }
0x95: {  	s5 =	sld [smem:$0x3FFC];
	_ =	sdelay $0x3  }
0x96: {  	_ =	strace s5  }
0x97: {  	s5 =	sld [smem:$0x3FFD];
	_ =	sdelay $0x3  }
0x98: {  	_ =	strace s5  }
0x99: {  	_ =	strace $0x8FFFFFFF  }
0x9a: {  	s20 =	sld [smem:$0x3FDB];
	_ =	sdelay $0x1  }
0x9b: {  	s6 =	simm.s32 $_scs_section_size  }
0x9c: {  	s7 =	simm.s32 $_size__tile_overlayer_lowered;
	s8 =	simm.s32 $_tile_overlayer_lowered  }
0x9d: {  	s23 =	simm.s32 $0x1BFF;
	s22 =	sshll.u32 s8, $0x1;
	s5 =	sadd.s32 s6, s20  }
0x9e: {  	s9 =	simm.s32 $0x0;
	s21 =	sshll.u32 s7, $0x1;
	s7 =	sadd.s32 s22, s5  }
0x9f: {  	[timem:s9], [sflag:s23] =	dma.local [hbm:s7], s21  }
0xa0: {  	_ =	swait.ge [sflag:s23], s21  }
0xa1: {  	s6 =	ssub.s32 $0x0, s21;
	[sflag:s23] =	ssyncset.done $0x0  }
0xa2: {  	[sflag:s23] =	ssyncadd.s32 s6;
	_ =	sdelay $0x1  }
0xa3: {  	s24 =	simm.s32 $0x1B8B  }
0xa4: {  	_ =	swait.ge [sflag:s24], $0x1  }
0xa5: {  	[sflag:s24] =	ssyncset.done $0x0  }
0xa6: {  	s25 =	simm.s32 $0x1B8E;
	[sflag:s24] =	ssyncadd.s32 $0xFFFFFFFF  }
0xa7: {  	s26 =	simm.s32 $execute0_lowered;
	[smem:$0x3FD2] =	sst s25  }
0xa8: {  	s6 =	sshll.u32 s26, $0x1;
	_ =	strace $0x80000046;
	[dreg:$0x1] =	wrdreg $0xFFFFFFFF  }
0xa9: {  	s28 =	simm.s32 $_size_execute0_lowered;
	s5 =	sadd.s32 s5, s6;
	[dreg:$0x0] =	wrdreg $0x0  }
0xaa: {  	s6 =	sshll.u32 s28, $0x1;
	[dreg:$0x2] =	wrdreg s5  }
0xab: {  	[dreg:$0x3] =	wrdreg s6  }
0xac: {  	[dreg:$0x4] =	wrdreg $0xC0  }
0xad: {  	_ =	task [dreg:s9], $0x5FFFF  }
0xae: {  	[dreg:$0x1] =	wrdreg $0xFFFFFFFF  }
0xaf: {  	[dreg:$0x0] =	wrdreg $0x60  }
0xb0: {  	[dreg:$0x2] =	wrdreg s2  }
0xb1: {  	[dreg:$0x3] =	wrdreg s19  }
0xb2: {  	[dreg:$0x4] =	wrdreg s4  }
0xb3: {  	[dreg:$0x5] =	wrdreg $0x9  }
0xb4: {  	_ =	task.clear_ibuf [dreg:s9], $0x6FFFF;
	_ =	strace $0x90000046  }
0xb5: {  	s29 =	simm.s32 $0x9;
	_ =	strace $0x80000048  }
0xb6: {  	_ =	swait.ge [sflag:s29], $0x1  }
0xb7: {  	[sflag:s29] =	ssyncadd.s32 $0xFFFFFFFF  }
0xb8: {  	_ =	strace $0x90000048  }
0xb9: {  	_ =	sfence  }
0xba: {  	s30 =	sld [smem:$0x0];
	_ =	sdelay $0x2  }
0xbb: {  	s31 =	sshll.u32 s1, $0xD;
	s1 =	sshrl.u32 s1, $0x2  }
0xbc: {  	s3 =	sand.u32 $0x4000, s31;
	s1 =	sadd.s32 s1, s30  }
0xbd: {  	s0 =	sor.u32 s3, s0;
	s1 =	sshll.u32 s1, $0x11  }
0xbe: {  	s0 =	sor.u32 s1, s0  }
0xbf: {  	s0 =	sadd.s32 $0x8F2B, s0  }
0xc0: {  	[sflag:s0] =	ssyncadd.remote.s32 $0x1  }
0xc1: {  	_ =	sfence.sel $0xFFFF  }
0xc2: {  	[dreg:$0x0] =	wrdreg $0xFFFFFFFF;
	(pc) =	sbr.abs _section_cstart, $3  }
0xc3: {  	[dreg:$0x1] =	wrdreg $0xFFFFFFFF  }
0xc4: {  	_ =	task.clear_ibuf [dreg:s9], $0x2FFFF;
	_ =	strace $0x9FFFFFFF  }
0xc5: {  	(tm) =	ssettm $0x7FFFFFFF  }
tec
execute0_lowered:
.L_overlay_start_1:
0x0: {  	(tag) =	ssettag $0x1  }
0x1: {  	s21 =	rddreg [dreg:$0x0]  }
0x2: {  	s0 =	srdreg.scid;
	s1 =	stileid.u32  }
0x3: {  	s4 =	rddreg [dreg:$0x2];
	s26 =	simm.s32 $0x0;
	s0 =	sand.u32 $0x1, s0  }
0x4: {  	v0 =	vlaneseq.u32;
	s2 =	sshll.u32 s1, $0x7;
	[smem:$0x7FF] =	sst s26;
	s31 =	sadd.s32 $0x1000, s4  }
0x5: {  	v0 =	vmul.u32 $0x10, v0;
	s3 =	sshll.u32 s0, $0x6;
	s0 =	ssub.s32 $0x2, s0;
	_ =	strace $0x80000047  }
0x6: {  	v1 =	vimm.f32 $0.0e+00;
	[dreg:$0x8] =	wrdreg s31;
	s5 =	sor.u32 s3, s2;
	s28 =	sshrl.u32 s0, $0x1  }
0x7: {  	v2 =	vor.u32 $0x1, v0;
	v3 =	vor.u32 $0x2, v0;
	v4 =	vor.u32 $0x3, v0;
	s2 =	sshll.u32 s5, $0x8;
	[dreg:$0x4] =	wrdreg s5;
	s30 =	sadd.s32 $0x40, s5  }
0x8: {  	v5 =	vor.u32 $0x4, v0;
	v6 =	vor.u32 $0x5, v0;
	v7 =	vor.u32 $0x6, v0;
	s0 =	ssub.s32 s0, s28;
	s29 =	sadd.s32 s21, s2;
	[dreg:$0x7] =	wrdreg s30  }
0x9: {  	v8 =	vor.u32 $0x7, v0;
	v9 =	vor.u32 $0x8, v0;
	v10 =	vor.u32 $0x9, v0;
	s0 =	smax.u32 s0, $0x1;
	[dreg:$0x5] =	wrdreg s29  }
0xa: {  	v11 =	vor.u32 $0xA, v0;
	v12 =	vor.u32 $0xB, v0;
	v13 =	vor.u32 $0xC, v0;
	s1 =	sadd.s32 $0x10, s29;
	[dreg:$0x9] =	wrdreg s0  }
0xb: {  	v14 =	vor.u32 $0xD, v0;
	v15 =	vor.u32 $0xE, v0;
	v16 =	vor.u32 $0xF, v0;
	s2 =	simm.s32 $0x0;
	[dreg:$0x6] =	wrdreg s1  }
.LBB2_1:
0xc: {  	[dreg:$0xa] =	wrdreg s2  }
0xd: {  	s0 =	rddreg [dreg:$0x1];
	s1 =	simm.s32 $0x0;
	s24 =	simm.s32 $0x5  }
0xe: {  	[tilespmem:s1], [sflag:$0x5] =	stream.linear.gather [hbm4b:s0+s1], $0x480, $0x38;
	[tilespmem:$0x11900] =	vst v63  }
0xf: {  	_ =	swait.ge [sflag:s24], $0x480  }
0x10: {  	[sflag:s24] =	ssyncset.done $0x0  }
0x11: {  	[sflag:s24] =	ssyncadd.s32 $0xFFFFFB80  }
0x12: {  	[tilespmem:$0x890] =	vst v1  }
0x13: {  	[tilespmem:$0x8A0] =	vst v1  }
0x14: {  	[tilespmem:$0x8B0] =	vst v1;
	v17 =	vld [tilespmem:$0x0]  }
0x15: {  	[tilespmem:$0x8C0] =	vst v1;
	v18 =	vld [tilespmem:$0x80]  }
0x16: {  	[tilespmem:$0x8D0] =	vst v1;
	v19 =	vld [tilespmem:$0x100]  }
0x17: {  	[tilespmem:$0x8E0] =	vst v1;
	v20 =	vld [tilespmem:$0x180]  }
0x18: {  	[tilespmem:$0x8F0] =	vst v1;
	v21 =	vld [tilespmem:$0x200]  }
0x19: {  	[tilespmem:$0x800] =	vst v17;
	v17 =	vld [tilespmem:$0x280]  }
0x1a: {  	[tilespmem:$0x810] =	vst v18;
	v18 =	vld [tilespmem:$0x300]  }
0x1b: {  	[tilespmem:$0x820] =	vst v19;
	v19 =	vld [tilespmem:$0x380]  }
0x1c: {  	[tilespmem:$0x830] =	vst v20;
	v20 =	vld [tilespmem:$0x400]  }
0x1d: {  	[tilespmem:$0x840] =	vst v21  }
0x1e: {  	[tilespmem:$0x850] =	vst v17  }
0x1f: {  	[tilespmem:$0x860] =	vst v18  }
0x20: {  	[tilespmem:$0x870] =	vst v19  }
0x21: {  	s25 =	simm.s32 $0x800;
	[tilespmem:$0x880] =	vst v20  }
0x22: {  	v17 =	vld.idx.msk [tilespmem:v0+s25+$0x0], $0xffff  }
0x23: {  	v18 =	vld.idx.msk [tilespmem:v2+s25+$0x0], $0xffff  }
0x24: {  	v19 =	vld.idx.msk [tilespmem:v3+s25+$0x0], $0xffff  }
0x25: {  	v20 =	vld.idx.msk [tilespmem:v4+s25+$0x0], $0xffff  }
0x26: {  	v21 =	vld.idx.msk [tilespmem:v5+s25+$0x0], $0xffff  }
0x27: {  	v22 =	vld.idx.msk [tilespmem:v6+s25+$0x0], $0xffff  }
0x28: {  	v23 =	vld.idx.msk [tilespmem:v7+s25+$0x0], $0xffff  }
0x29: {  	v24 =	vld.idx.msk [tilespmem:v8+s25+$0x0], $0xffff  }
0x2a: {  	v25 =	vld.idx.msk [tilespmem:v9+s25+$0x0], $0xffff  }
0x2b: {  	v26 =	vld.idx.msk [tilespmem:v10+s25+$0x0], $0xffff  }
0x2c: {  	v27 =	vld.idx.msk [tilespmem:v11+s25+$0x0], $0xffff  }
0x2d: {  	v28 =	vld.idx.msk [tilespmem:v12+s25+$0x0], $0xffff  }
0x2e: {  	v29 =	vld.idx.msk [tilespmem:v13+s25+$0x0], $0xffff  }
0x2f: {  	s28 =	simm.s32 $0x80;
	v30 =	vld.idx.msk [tilespmem:v14+s25+$0x0], $0xffff  }
0x30: {  	s29 =	simm.s32 $0x400;
	s3 =	simm.s32 $0x900;
	s26 =	rddreg [dreg:$0x5];
	v31 =	vld.idx.msk [tilespmem:v15+s25+$0x0], $0xffff  }
0x31: {  	v32 =	vld.idx.msk [tilespmem:v16+s25+$0x0], $0xffff;
	[tilespmem:s3], [sflag:$0x3] =	stream.strided.gather [hbm4b:s26+s28], $0x800, s29, s28, $0x38  }
0x32: {  	s31 =	simm.s32 $0x1100;
	s30 =	rddreg [dreg:$0x6];
	s25 =	simm.s32 $0x0  }
0x33: {  	[tilespmem:s31], [sflag:$0x4] =	stream.strided.gather [hbm4b:s30+s28], $0x800, s29, s28, $0x38;
	[tilespmem:$0x11900] =	vst v63  }
.LBB2_2:
0x34: {  	s0 =	simm.s32 $0x3  }
0x35: {  	_ =	swait.ge [sflag:s0], $0x800  }
0x36: {  	p0 =	seq.s32 s25, $0x0;
	[sflag:s0] =	ssyncset.done $0x0  }
0x37: {  	[sflag:s0] =	ssyncadd.s32 $0xFFFFF800;
	s0 =	simm.s32 @!p0 $0x1  }
0x38: {  	_ =	swait.ge @!p0 [sflag:s0], $0x8000  }
0x39: {  	[sflag:s0] =	ssyncset.done @!p0 $0x0  }
0x3a: {  	[sflag:s0] =	ssyncadd.s32 @!p0 $0xFFFF8000  }
0x3b: {  	v33 =	vld [tilespmem:$0x900];
	_ =	sdelay $0x4  }
0x3c: {  	v34 =	vshrl.u32 v33, $0x1B  }
0x3d: {  	s28 =	simm.s32 $0x0;
	v34 =	vand.u32 $0x10, v34  }
0x3e: {  	s17 =	simm.s32 $0x0;
	s15 =	sand.u32 $0x3C00, s28;
	v33 =	vadd.s32 v33, v34  }
0x3f: {  	s16 =	simm.s32 $0x920;
	s17 =	sand.u32 $0x40, s17;
	s0 =	sadd.s32 $0x1900, s15;
	v34 =	vperm.xlane v19, v33  }
0x40: {  	p1 =	por $0x0, $0x0;
	s3 =	simm.s32 $0x1;
	s2 =	sor.u32 s17, s0;
	v36 =	vperm.xlane v17, v33  }
0x41: {  	s3 =	simm.s32 @!p1 $0x0;
	v35 =	vld [tilespmem:s16+$0xFFFFFFF0];
	v37 =	vperm.xlane v18, v33;
	[tilespmem:s2+$0x100] =	vst v34  }
0x42: {  	s3 =	sshll.u32 s3, $0x6;
	v54 =	vperm.xlane v20, v33;
	[tilespmem:s2+$0x0] =	vst v36  }
0x43: {  	s3 =	sadd.s32 $0x0, s3;
	v55 =	vperm.xlane v21, v33;
	[tilespmem:s2+$0x80] =	vst v37  }
0x44: {  	s18 =	sor.u32 $0x200, s3;
	v56 =	vperm.xlane v22, v33;
	[tilespmem:s2+$0x180] =	vst v54  }
0x45: {  	s19 =	sor.u32 $0x280, s3;
	v57 =	vperm.xlane v23, v33;
	[tilespmem:s18+$0x1900] =	vst v55  }
0x46: {  	s7 =	sor.u32 $0x300, s3;
	v58 =	vperm.xlane v24, v33;
	[tilespmem:s19+$0x1900] =	vst v56  }
0x47: {  	s20 =	sor.u32 $0x380, s3;
	v59 =	vperm.xlane v25, v33;
	s2 =	sadd.s32 $0x5900, s15;
	[tilespmem:s7+$0x1900] =	vst v57  }
0x48: {  	s3 =	sadd.s32 $0x5980, s15;
	v60 =	vperm.xlane v26, v33;
	s8 =	sor.u32 s17, s2;
	[tilespmem:s20+$0x1900] =	vst v58  }
0x49: {  	s11 =	sor.u32 s17, s3;
	v61 =	vperm.xlane v27, v33;
	s7 =	sadd.s32 $0x5A00, s15;
	[tilespmem:s8+$0x0] =	vst v59  }
0x4a: {  	v62 =	vperm.xlane v28, v33;
	s12 =	sor.u32 s17, s7;
	s8 =	sadd.s32 $0x5A80, s15;
	[tilespmem:s11+$0x0] =	vst v60  }
0x4b: {  	v63 =	vperm.xlane v29, v33;
	s14 =	sor.u32 s17, s8;
	s11 =	sadd.s32 $0x5B00, s15;
	[tilespmem:s12+$0x0] =	vst v61  }
0x4c: {  	v41 =	vshrl.u32 v35, $0x1B;
	v40 =	vperm.xlane v30, v33;
	s19 =	sor.u32 s17, s11;
	s12 =	sadd.s32 $0x5B80, s15;
	[tilespmem:s14+$0x0] =	vst v62  }
0x4d: {  	v42 =	vperm.xlane v31, v33;
	v37 =	vand.u32 $0x10, v41;
	s23 =	sor.u32 s17, s12;
	s14 =	sadd.s32 $0x5C00, s15;
	[tilespmem:s19+$0x0] =	vst v63  }
0x4e: {  	s24 =	simm.s32 $0x10;
	v33 =	vperm.xlane v32, v33;
	v43 =	vadd.s32 v35, v37;
	s15 =	sadd.s32 $0x5C80, s15;
	s22 =	sor.u32 s17, s14;
	[tilespmem:s23+$0x0] =	vst v40  }
0x4f: {  	v44 =	vperm.xlane v20, v43;
	s17 =	sor.u32 s17, s15;
	s19 =	sand.u32 $0x50, s24;
	[tilespmem:s22+$0x0] =	vst v42  }
0x50: {  	s26 =	sand.u32 $0x7, s28;
	v46 =	vperm.xlane v18, v43;
	s23 =	sor.u32 s19, s0;
	[tilespmem:s17+$0x0] =	vst v33  }
0x51: {  	v37 =	vperm.xlane v17, v43;
	s17 =	sshll.u32 s26, $0x4;
	v45 =	vld [tilespmem:s16+$0x0];
	[tilespmem:s23+$0x180] =	vst v44  }
0x52: {  	v47 =	vperm.xlane v19, v43;
	s17 =	sadd.s32 $0x0, s17;
	[tilespmem:s23+$0x80] =	vst v46  }
0x53: {  	v48 =	vperm.xlane v21, v43;
	[tilespmem:s23+$0x0] =	vst v37;
	s24 =	sadd.s32 $0x10, s17  }
0x54: {  	v49 =	vperm.xlane v22, v43;
	[tilespmem:s23+$0x100] =	vst v47;
	s1 =	sor.u32 $0x200, s24  }
0x55: {  	v50 =	vperm.xlane v23, v43;
	s4 =	sor.u32 $0x280, s24;
	[tilespmem:s1+$0x1900] =	vst v48  }
0x56: {  	v51 =	vperm.xlane v24, v43;
	s5 =	sor.u32 $0x300, s24;
	[tilespmem:s4+$0x1900] =	vst v49  }
0x57: {  	v52 =	vperm.xlane v25, v43;
	s6 =	sor.u32 $0x380, s24;
	[tilespmem:s5+$0x1900] =	vst v50  }
0x58: {  	v53 =	vperm.xlane v26, v43;
	s9 =	sor.u32 s19, s2;
	[tilespmem:s6+$0x1900] =	vst v51  }
0x59: {  	v54 =	vperm.xlane v27, v43;
	s10 =	sor.u32 s19, s3;
	[tilespmem:s9+$0x0] =	vst v52  }
0x5a: {  	v55 =	vperm.xlane v28, v43;
	s13 =	sor.u32 s19, s7;
	[tilespmem:s10+$0x0] =	vst v53  }
0x5b: {  	v56 =	vperm.xlane v29, v43;
	s18 =	sor.u32 s19, s8;
	[tilespmem:s13+$0x0] =	vst v54  }
0x5c: {  	v57 =	vperm.xlane v30, v43;
	s20 =	sor.u32 s19, s11;
	[tilespmem:s18+$0x0] =	vst v55  }
0x5d: {  	v59 =	vperm.xlane v31, v43;
	s22 =	sor.u32 s19, s12;
	v58 =	vshrl.u32 v45, $0x1B;
	[tilespmem:s20+$0x0] =	vst v56  }
0x5e: {  	v34 =	vperm.xlane v32, v43;
	s24 =	sor.u32 s19, s14;
	v60 =	vand.u32 $0x10, v58;
	[tilespmem:s22+$0x0] =	vst v57  }
0x5f: {  	s26 =	simm.s32 $0x20;
	s19 =	sor.u32 s19, s15;
	v33 =	vadd.s32 v45, v60;
	[tilespmem:s24+$0x0] =	vst v59  }
0x60: {  	v61 =	vperm.xlane v18, v33;
	[tilespmem:s19+$0x0] =	vst v34;
	s19 =	sand.u32 $0x60, s26  }
0x61: {  	v63 =	vperm.xlane v20, v33;
	s1 =	sor.u32 s19, s0  }
0x62: {  	s4 =	sand.u32 $0x3, s28;
	v40 =	vperm.xlane v19, v33;
	v62 =	vld [tilespmem:s16+$0x10];
	[tilespmem:s1+$0x80] =	vst v61  }
0x63: {  	s23 =	sshll.u32 s4, $0x5;
	v41 =	vperm.xlane v17, v33;
	[tilespmem:s1+$0x180] =	vst v63  }
0x64: {  	s23 =	sadd.s32 $0x20, s23;
	v42 =	vperm.xlane v21, v33;
	[tilespmem:s1+$0x100] =	vst v40  }
0x65: {  	s5 =	sor.u32 $0x200, s23;
	v43 =	vperm.xlane v22, v33;
	[tilespmem:s1+$0x0] =	vst v41  }
0x66: {  	s6 =	sor.u32 $0x280, s23;
	v44 =	vperm.xlane v23, v33;
	[tilespmem:s5+$0x1900] =	vst v42  }
0x67: {  	s9 =	sor.u32 $0x300, s23;
	v45 =	vperm.xlane v24, v33;
	[tilespmem:s6+$0x1900] =	vst v43  }
0x68: {  	s10 =	sor.u32 $0x380, s23;
	v46 =	vperm.xlane v25, v33;
	[tilespmem:s9+$0x1900] =	vst v44  }
0x69: {  	v47 =	vperm.xlane v26, v33;
	s13 =	sor.u32 s19, s2;
	[tilespmem:s10+$0x1900] =	vst v45  }
0x6a: {  	v48 =	vperm.xlane v27, v33;
	s18 =	sor.u32 s19, s3;
	[tilespmem:s13+$0x0] =	vst v46  }
0x6b: {  	v49 =	vperm.xlane v28, v33;
	s20 =	sor.u32 s19, s7;
	[tilespmem:s18+$0x0] =	vst v47  }
0x6c: {  	v50 =	vperm.xlane v29, v33;
	s22 =	sor.u32 s19, s8;
	[tilespmem:s20+$0x0] =	vst v48  }
0x6d: {  	v51 =	vperm.xlane v30, v33;
	s24 =	sor.u32 s19, s11;
	v52 =	vshrl.u32 v62, $0x1B;
	[tilespmem:s22+$0x0] =	vst v49  }
0x6e: {  	v53 =	vperm.xlane v31, v33;
	s26 =	sor.u32 s19, s12;
	v37 =	vand.u32 $0x10, v52;
	[tilespmem:s24+$0x0] =	vst v50  }
0x6f: {  	v33 =	vperm.xlane v32, v33;
	s1 =	sor.u32 s19, s14;
	s5 =	simm.s32 $0x30;
	v35 =	vadd.s32 v62, v37;
	[tilespmem:s26+$0x0] =	vst v51  }
0x70: {  	s29 =	simm.s32 $0x40;
	s4 =	sor.u32 s19, s15;
	s19 =	sand.u32 $0x70, s5;
	v54 =	vperm.xlane v18, v35;
	[tilespmem:s1+$0x0] =	vst v53  }
0x71: {  	s6 =	smin.u32 s29, $0x7F0;
	s0 =	sor.u32 s19, s0;
	v55 =	vperm.xlane v20, v35;
	[tilespmem:s4+$0x0] =	vst v33  }
0x72: {  	v37 =	vperm.xlane v17, v35;
	v34 =	vld [tilespmem:s6+$0x900];
	[tilespmem:s0+$0x80] =	vst v54  }
0x73: {  	v56 =	vperm.xlane v19, v35;
	[tilespmem:s0+$0x180] =	vst v55  }
0x74: {  	s9 =	sadd.s32 $0x30, s17;
	v57 =	vperm.xlane v21, v35;
	[tilespmem:s0+$0x0] =	vst v37  }
0x75: {  	s10 =	sor.u32 $0x200, s9;
	v58 =	vperm.xlane v22, v35;
	[tilespmem:s0+$0x100] =	vst v56  }
0x76: {  	s13 =	sor.u32 $0x280, s9;
	v59 =	vperm.xlane v23, v35;
	[tilespmem:s10+$0x1900] =	vst v57  }
0x77: {  	s17 =	sor.u32 $0x300, s9;
	v60 =	vperm.xlane v24, v35;
	[tilespmem:s13+$0x1900] =	vst v58  }
0x78: {  	s30 =	simm.s32 $0x0;
	s31 =	simm.s32 $0x960;
	s16 =	sor.u32 $0x380, s9;
	v61 =	vperm.xlane v25, v35;
	[tilespmem:s17+$0x1900] =	vst v59  }
0x79: {  	p1 =	por !p1, !p1;
	s23 =	sor.u32 s19, s7;
	s20 =	sor.u32 s19, s2;
	v62 =	vperm.xlane v26, v35;
	[tilespmem:s16+$0x1900] =	vst v60  }
0x7a: {  	s7 =	sor.u32 s19, s14;
	s18 =	sshll.u32 s25, $0x1;
	v63 =	vperm.xlane v27, v35;
	s22 =	sor.u32 s19, s3;
	[tilespmem:s20+$0x0] =	vst v61  }
0x7b: {  	v38 =	vperm.xlane v28, v35;
	s2 =	simm.s32 $0x4;
	s3 =	simm.s32 $0x2;
	s1 =	rddreg [dreg:$0x4];
	[tilespmem:s22+$0x0] =	vst v62  }
0x7c: {  	v36 =	vperm.xlane v30, v35;
	s24 =	sor.u32 s19, s8;
	s8 =	sor.u32 s19, s15;
	s26 =	sadd.s32 s1, s18;
	v37 =	vperm.xlane v29, v35;
	[tilespmem:s23+$0x0] =	vst v63  }
0x7d: {  	v33 =	vperm.xlane v32, v35;
	v35 =	vperm.xlane v31, v35;
	s0 =	simm.s32 $0x220;
	s16 =	sor.u32 s19, s11;
	s11 =	sor.u32 s19, s12;
	[tilespmem:s24+$0x0] =	vst v38  }
.LBB2_3:
0x7e: {  	v38 =	vshrl.u32 v34, $0x1B;
	s30 =	sadd.s32 $0x4, s30;
	[tilespmem:s16+$0x0] =	vst v37;
	s29 =	sadd.s32 $0x40, s29;
	s28 =	sadd.s32 $0x200, s28  }
0x7f: {  	v37 =	vand.u32 $0x10, v38;
	p2 =	slt.u32 s30, $0x7C;
	[tilespmem:s11+$0x0] =	vst v36;
	s11 =	sadd.s32 $0xFFFFFFC0, s29  }
0x80: {  	s19 =	sand.u32 $0x3C00, s28;
	v34 =	vadd.s32 v34, v37;
	[tilespmem:s7+$0x0] =	vst v35;
	s23 =	sand.u32 $0x40, s11  }
0x81: {  	s16 =	sadd.s32 $0x1900, s19;
	s17 =	sadd.s32 $0x5900, s19;
	s14 =	sadd.s32 $0x5980, s19;
	v35 =	vperm.xlane v19, v34;
	v36 =	vperm.xlane v20, v34;
	[tilespmem:s8+$0x0] =	vst v33  }
0x82: {  	v37 =	vperm.xlane v17, v34;
	s7 =	sor.u32 s23, s16;
	v38 =	vperm.xlane v18, v34;
	s24 =	sor.u32 s23, s17;
	s8 =	simm.s32 $0x1;
	v33 =	vld [tilespmem:s31+$0xFFFFFFF0]  }
0x83: {  	s15 =	sadd.s32 $0x5A00, s19;
	s13 =	sor.u32 s23, s14;
	s8 =	simm.s32 @!p1 $0x0;
	[tilespmem:s7+$0x100] =	vst v35  }
0x84: {  	s4 =	sor.u32 s23, s15;
	s11 =	sshll.u32 s8, $0x6;
	s8 =	sadd.s32 $0x5A80, s19;
	[tilespmem:s7+$0x0] =	vst v37  }
0x85: {  	v35 =	vperm.xlane v21, v34;
	s20 =	sadd.s32 s11, s28;
	s22 =	sor.u32 s23, s8;
	s11 =	sadd.s32 $0x5B00, s19;
	[tilespmem:s7+$0x80] =	vst v38  }
0x86: {  	s12 =	sor.u32 $0x200, s20;
	s1 =	sor.u32 s23, s11;
	[tilespmem:s7+$0x180] =	vst v36;
	v36 =	vperm.xlane v22, v34;
	s7 =	sadd.s32 $0x5B80, s19  }
0x87: {  	s6 =	sor.u32 $0x280, s20;
	[tilespmem:s12+$0x1900] =	vst v35;
	v35 =	vperm.xlane v23, v34;
	s10 =	sor.u32 s23, s7;
	s12 =	sadd.s32 $0x5C00, s19;
	v37 =	vshrl.u32 v33, $0x1B  }
0x88: {  	s19 =	sadd.s32 $0x5C80, s19;
	[tilespmem:s6+$0x1900] =	vst v36;
	s6 =	sor.u32 $0x300, s20;
	v36 =	vperm.xlane v24, v34;
	s5 =	sor.u32 s23, s12;
	v37 =	vand.u32 $0x10, v37  }
0x89: {  	[tilespmem:s6+$0x1900] =	vst v35;
	s6 =	sor.u32 $0x380, s20;
	v35 =	vperm.xlane v25, v34;
	s20 =	sor.u32 s23, s19;
	v33 =	vadd.s32 v33, v37  }
0x8a: {  	[tilespmem:s6+$0x1900] =	vst v36;
	v36 =	vperm.xlane v26, v34  }
0x8b: {  	[tilespmem:s24+$0x0] =	vst v35;
	v35 =	vperm.xlane v27, v34  }
0x8c: {  	[tilespmem:s13+$0x0] =	vst v36;
	v36 =	vperm.xlane v28, v34  }
0x8d: {  	[tilespmem:s4+$0x0] =	vst v35;
	v35 =	vperm.xlane v29, v34  }
0x8e: {  	[tilespmem:s22+$0x0] =	vst v36;
	v36 =	vperm.xlane v30, v34  }
0x8f: {  	[tilespmem:s1+$0x0] =	vst v35;
	v35 =	vperm.xlane v31, v34  }
0x90: {  	v34 =	vperm.xlane v32, v34;
	[tilespmem:s10+$0x0] =	vst v36  }
0x91: {  	s1 =	sadd.s32 $0xFFFFFFD0, s29;
	[tilespmem:s5+$0x0] =	vst v35  }
0x92: {  	s4 =	sand.u32 $0x7, s2;
	s1 =	sand.u32 $0x50, s1;
	[tilespmem:s20+$0x0] =	vst v34;
	v34 =	vperm.xlane v20, v33  }
0x93: {  	v36 =	vperm.xlane v18, v33;
	s5 =	sor.u32 s1, s16;
	s6 =	sor.u32 s1, s14;
	s10 =	sor.u32 s1, s7;
	v35 =	vld [tilespmem:s31+$0x0]  }
0x94: {  	v37 =	vperm.xlane v17, v33;
	s4 =	sshll.u32 s4, $0x4;
	s13 =	sor.u32 s1, s15;
	s20 =	sor.u32 s1, s12;
	[tilespmem:s5+$0x180] =	vst v34  }
0x95: {  	s23 =	sadd.s32 s4, s28;
	s4 =	sor.u32 s1, s17;
	s22 =	sor.u32 s1, s19;
	v34 =	vperm.xlane v19, v33;
	[tilespmem:s5+$0x80] =	vst v36  }
0x96: {  	s24 =	sadd.s32 $0x10, s23;
	s18 =	sor.u32 s1, s8;
	s1 =	sor.u32 s1, s11;
	v36 =	vperm.xlane v21, v33;
	[tilespmem:s5+$0x0] =	vst v37  }
0x97: {  	[tilespmem:s5+$0x100] =	vst v34;
	s5 =	sor.u32 $0x200, s24;
	v34 =	vperm.xlane v22, v33  }
0x98: {  	[tilespmem:s5+$0x1900] =	vst v36;
	s5 =	sor.u32 $0x280, s24;
	v36 =	vperm.xlane v23, v33;
	v37 =	vshrl.u32 v35, $0x1B  }
0x99: {  	[tilespmem:s5+$0x1900] =	vst v34;
	s5 =	sor.u32 $0x300, s24;
	v34 =	vperm.xlane v24, v33;
	v37 =	vand.u32 $0x10, v37  }
0x9a: {  	[tilespmem:s5+$0x1900] =	vst v36;
	s5 =	sor.u32 $0x380, s24;
	v36 =	vperm.xlane v25, v33;
	v35 =	vadd.s32 v35, v37  }
0x9b: {  	[tilespmem:s5+$0x1900] =	vst v34;
	v34 =	vperm.xlane v26, v33  }
0x9c: {  	[tilespmem:s4+$0x0] =	vst v36;
	v36 =	vperm.xlane v27, v33  }
0x9d: {  	[tilespmem:s6+$0x0] =	vst v34;
	v34 =	vperm.xlane v28, v33  }
0x9e: {  	[tilespmem:s13+$0x0] =	vst v36;
	v36 =	vperm.xlane v29, v33  }
0x9f: {  	[tilespmem:s18+$0x0] =	vst v34;
	v34 =	vperm.xlane v30, v33  }
0xa0: {  	[tilespmem:s1+$0x0] =	vst v36;
	v36 =	vperm.xlane v31, v33  }
0xa1: {  	v33 =	vperm.xlane v32, v33;
	[tilespmem:s10+$0x0] =	vst v34  }
0xa2: {  	s1 =	sadd.s32 $0xFFFFFFE0, s29;
	[tilespmem:s20+$0x0] =	vst v36  }
0xa3: {  	s1 =	sand.u32 $0x60, s1;
	[tilespmem:s22+$0x0] =	vst v33;
	v33 =	vperm.xlane v18, v35  }
0xa4: {  	s4 =	sor.u32 s1, s16;
	v36 =	vperm.xlane v20, v35;
	s5 =	sor.u32 s1, s17;
	s6 =	sor.u32 s1, s14;
	v34 =	vld [tilespmem:s31+$0x10]  }
0xa5: {  	s10 =	sand.u32 $0x3, s3;
	s13 =	sor.u32 s1, s15;
	s18 =	sor.u32 s1, s8;
	[tilespmem:s4+$0x80] =	vst v33;
	v33 =	vperm.xlane v19, v35  }
0xa6: {  	v37 =	vperm.xlane v17, v35;
	s10 =	sshll.u32 s10, $0x5;
	s20 =	sor.u32 s1, s11;
	s22 =	sor.u32 s1, s7;
	[tilespmem:s4+$0x180] =	vst v36  }
0xa7: {  	s24 =	sor.u32 s1, s12;
	s10 =	sadd.s32 s10, s0;
	s1 =	sor.u32 s1, s19;
	[tilespmem:s4+$0x100] =	vst v33;
	v33 =	vperm.xlane v21, v35  }
0xa8: {  	v36 =	vperm.xlane v22, v35;
	[tilespmem:s4+$0x0] =	vst v37;
	s4 =	sor.u32 $0x200, s10  }
0xa9: {  	[tilespmem:s4+$0x1900] =	vst v33;
	s4 =	sor.u32 $0x280, s10;
	v33 =	vperm.xlane v23, v35;
	v37 =	vshrl.u32 v34, $0x1B  }
0xaa: {  	[tilespmem:s4+$0x1900] =	vst v36;
	s4 =	sor.u32 $0x300, s10;
	v36 =	vperm.xlane v24, v35;
	v37 =	vand.u32 $0x10, v37  }
0xab: {  	v38 =	vperm.xlane v25, v35;
	[tilespmem:s4+$0x1900] =	vst v33;
	s4 =	sor.u32 $0x380, s10;
	v39 =	vadd.s32 v34, v37  }
0xac: {  	v34 =	vperm.xlane v26, v35;
	[tilespmem:s4+$0x1900] =	vst v36;
	v33 =	vperm.xlane v32, v39  }
0xad: {  	v36 =	vperm.xlane v27, v35;
	[tilespmem:s5+$0x0] =	vst v38  }
0xae: {  	[tilespmem:s6+$0x0] =	vst v34;
	v34 =	vperm.xlane v28, v35  }
0xaf: {  	[tilespmem:s13+$0x0] =	vst v36;
	v36 =	vperm.xlane v29, v35  }
0xb0: {  	[tilespmem:s18+$0x0] =	vst v34;
	v34 =	vperm.xlane v30, v35  }
0xb1: {  	[tilespmem:s20+$0x0] =	vst v36;
	v36 =	vperm.xlane v31, v35  }
0xb2: {  	[tilespmem:s22+$0x0] =	vst v34;
	v34 =	vperm.xlane v32, v35  }
0xb3: {  	s4 =	sadd.s32 $0xFFFFFFF0, s29;
	[tilespmem:s24+$0x0] =	vst v36  }
0xb4: {  	s4 =	sand.u32 $0x70, s4;
	v35 =	vperm.xlane v18, v39;
	[tilespmem:s1+$0x0] =	vst v34;
	s1 =	smin.u32 s29, $0x7F0  }
0xb5: {  	s5 =	sor.u32 s4, s17;
	s6 =	sor.u32 s4, s14;
	v36 =	vperm.xlane v20, v39;
	v34 =	vld [tilespmem:s1+$0x900];
	s1 =	sor.u32 s4, s16  }
0xb6: {  	v37 =	vperm.xlane v17, v39;
	s10 =	sor.u32 s4, s15;
	s13 =	sor.u32 s4, s8;
	s16 =	sor.u32 s4, s11;
	[tilespmem:s1+$0x80] =	vst v35;
	v35 =	vperm.xlane v19, v39  }
0xb7: {  	s14 =	sadd.s32 $0x30, s23;
	s11 =	sor.u32 s4, s7;
	s7 =	sor.u32 s4, s12;
	[tilespmem:s1+$0x180] =	vst v36;
	v36 =	vperm.xlane v21, v39  }
0xb8: {  	s8 =	sor.u32 s4, s19;
	s12 =	sor.u32 $0x200, s14;
	[tilespmem:s1+$0x0] =	vst v37;
	v37 =	vperm.xlane v22, v39  }
0xb9: {  	[tilespmem:s1+$0x100] =	vst v35;
	s1 =	sor.u32 $0x280, s14;
	v35 =	vperm.xlane v23, v39  }
0xba: {  	s4 =	sor.u32 $0x300, s14;
	[tilespmem:s12+$0x1900] =	vst v36;
	v36 =	vperm.xlane v24, v39  }
0xbb: {  	[tilespmem:s1+$0x1900] =	vst v37;
	s1 =	sor.u32 $0x380, s14;
	v37 =	vperm.xlane v25, v39  }
0xbc: {  	[tilespmem:s4+$0x1900] =	vst v35;
	v35 =	vperm.xlane v26, v39  }
.Ltmp0:
0xbd: {  	[tilespmem:s1+$0x1900] =	vst v36;
	v36 =	vperm.xlane v27, v39;
	(pc) =	sbr.rel @p2 .LBB2_3-.Ltmp0, $4  }
0xbe: {  	v38 =	vperm.xlane v28, v39;
	[tilespmem:s5+$0x0] =	vst v37  }
0xbf: {  	v37 =	vperm.xlane v29, v39;
	[tilespmem:s6+$0x0] =	vst v35  }
0xc0: {  	p1 =	por !p1, !p1;
	s31 =	sadd.s32 $0x40, s31;
	[tilespmem:s10+$0x0] =	vst v36;
	v36 =	vperm.xlane v30, v39  }
0xc1: {  	s2 =	sadd.s32 $0x4, s2;
	s3 =	sadd.s32 $0x2, s3;
	s0 =	sadd.s32 $0x200, s0;
	v35 =	vperm.xlane v31, v39;
	[tilespmem:s13+$0x0] =	vst v38  }
0xc2: {  	s0 =	sadd.s32 $0x2, s26;
	s1 =	rddreg [dreg:$0x7]  }
0xc3: {  	p1 =	sge.u32 s0, s1  }
0xc4: {  	[tilespmem:s16+$0x0] =	vst v37;
	s28 =	sshll.u32 s26, $0xC;
	s4 =	rddreg [dreg:$0x2];
	s1 =	sshll.u32 @!p1 s0, $0x4  }
0xc5: {  	s5 =	simm.s32 $0x0;
	[tilespmem:s11+$0x0] =	vst v36;
	s0 =	sshll.u32 @!p1 s0, $0x8;
	s1 =	sand.u32 @!p1 $0x60, s1  }
0xc6: {  	[tilespmem:s7+$0x0] =	vst v35;
	s2 =	simm.s32 @!p1 $0x400;
	s0 =	sand.u32 @!p1 $0xFFFF800, s0;
	s1 =	sadd.s32 @!p1 s21, s1  }
0xc7: {  	s3 =	simm.s32 @!p1 $0x900;
	[tilespmem:s8+$0x0] =	vst v33;
	s0 =	sadd.s32 @!p1 s0, s1;
	s1 =	simm.s32 @!p1 $0x80  }
0xc8: {  	[tilespmem:s3], [sflag:$0x3] =	stream.strided.gather @!p1 [hbm4b:s0+s1], $0x800, s2, s1, $0x38;
	[tilespmem:$0x11900] =	vst v63  }
0xc9: {  	s6 =	simm.s32 $0x1900;
	s7 =	simm.s32 $0x4;
	s0 =	sadd.s32 s4, s28  }
0xca: {  	[hbm4b:s0+s5] =	stream.linear.scatter [tilespmem:s6], [sflag:$0x1], $0x8000, $0x38;
	[tilespmem:$0x11900] =	vst v63  }
0xcb: {  	_ =	swait.ge [sflag:s7], $0x800  }
0xcc: {  	[sflag:s7] =	ssyncset.done $0x0  }
0xcd: {  	s0 =	simm.s32 @!p0 $0x2;
	[sflag:s7] =	ssyncadd.s32 $0xFFFFF800  }
0xce: {  	_ =	swait.ge @!p0 [sflag:s0], $0x8000  }
0xcf: {  	[sflag:s0] =	ssyncset.done @!p0 $0x0  }
0xd0: {  	[sflag:s0] =	ssyncadd.s32 @!p0 $0xFFFF8000  }
0xd1: {  	v50 =	vld [tilespmem:$0x1100];
	_ =	sdelay $0x4  }
0xd2: {  	v34 =	vshrl.u32 v50, $0x1B  }
0xd3: {  	s29 =	simm.s32 $0x0;
	v34 =	vand.u32 $0x10, v34  }
0xd4: {  	s10 =	sand.u32 $0x3C00, s29;
	s8 =	simm.s32 $0x0;
	v33 =	vadd.s32 v50, v34  }
0xd5: {  	s16 =	simm.s32 $0x1120;
	s4 =	sand.u32 $0x40, s8;
	s0 =	sadd.s32 $0x9900, s10;
	v34 =	vperm.xlane v19, v33  }
0xd6: {  	s3 =	simm.s32 $0x1;
	p0 =	por $0x0, $0x0;
	s11 =	sor.u32 s4, s0;
	v52 =	vperm.xlane v17, v33  }
0xd7: {  	v51 =	vld [tilespmem:s16+$0xFFFFFFF0];
	s3 =	simm.s32 @!p0 $0x0;
	v53 =	vperm.xlane v18, v33;
	[tilespmem:s11+$0x100] =	vst v34  }
0xd8: {  	s3 =	sshll.u32 s3, $0x6;
	v54 =	vperm.xlane v20, v33;
	[tilespmem:s11+$0x0] =	vst v52  }
0xd9: {  	s3 =	sadd.s32 $0x0, s3;
	v55 =	vperm.xlane v21, v33;
	[tilespmem:s11+$0x80] =	vst v53  }
0xda: {  	s12 =	sor.u32 $0x200, s3;
	v56 =	vperm.xlane v22, v33;
	[tilespmem:s11+$0x180] =	vst v54  }
0xdb: {  	s13 =	sor.u32 $0x280, s3;
	v57 =	vperm.xlane v23, v33;
	[tilespmem:s12+$0x9900] =	vst v55  }
0xdc: {  	s5 =	sor.u32 $0x300, s3;
	v58 =	vperm.xlane v24, v33;
	[tilespmem:s13+$0x9900] =	vst v56  }
0xdd: {  	s2 =	sadd.s32 $0xD900, s10;
	s14 =	sor.u32 $0x380, s3;
	v59 =	vperm.xlane v25, v33;
	[tilespmem:s5+$0x9900] =	vst v57  }
0xde: {  	s6 =	sor.u32 s4, s2;
	s3 =	sadd.s32 $0xD980, s10;
	v60 =	vperm.xlane v26, v33;
	[tilespmem:s14+$0x9900] =	vst v58  }
0xdf: {  	s7 =	sadd.s32 $0xDA00, s10;
	s15 =	sor.u32 s4, s3;
	v61 =	vperm.xlane v27, v33;
	[tilespmem:s6+$0x0] =	vst v59  }
0xe0: {  	s8 =	sadd.s32 $0xDA80, s10;
	s17 =	sor.u32 s4, s7;
	v62 =	vperm.xlane v28, v33;
	[tilespmem:s15+$0x0] =	vst v60  }
0xe1: {  	s18 =	sor.u32 s4, s8;
	v63 =	vperm.xlane v29, v33;
	s11 =	sadd.s32 $0xDB00, s10;
	[tilespmem:s17+$0x0] =	vst v61  }
0xe2: {  	v40 =	vperm.xlane v30, v33;
	s19 =	sor.u32 s4, s11;
	s12 =	sadd.s32 $0xDB80, s10;
	[tilespmem:s18+$0x0] =	vst v62  }
0xe3: {  	v41 =	vshrl.u32 v51, $0x1B;
	v42 =	vperm.xlane v31, v33;
	s20 =	sor.u32 s4, s12;
	s14 =	sadd.s32 $0xDC00, s10;
	[tilespmem:s19+$0x0] =	vst v63  }
0xe4: {  	s9 =	smov.u32 s21;
	v37 =	vand.u32 $0x10, v41;
	v33 =	vperm.xlane v32, v33;
	s21 =	sor.u32 s4, s14;
	s15 =	sadd.s32 $0xDC80, s10;
	[tilespmem:s20+$0x0] =	vst v40  }
0xe5: {  	s22 =	simm.s32 $0x10;
	v43 =	vadd.s32 v51, v37;
	s1 =	sor.u32 s4, s15;
	[tilespmem:s21+$0x0] =	vst v42  }
0xe6: {  	v44 =	vperm.xlane v20, v43;
	[tilespmem:s1+$0x0] =	vst v33;
	s1 =	sand.u32 $0x50, s22  }
0xe7: {  	s23 =	sand.u32 $0x7, s29;
	v46 =	vperm.xlane v18, v43;
	s24 =	sor.u32 s1, s0  }
0xe8: {  	v37 =	vperm.xlane v17, v43;
	s4 =	sshll.u32 s23, $0x4;
	v45 =	vld [tilespmem:s16+$0x0];
	[tilespmem:s24+$0x180] =	vst v44  }
0xe9: {  	v47 =	vperm.xlane v19, v43;
	s17 =	sadd.s32 $0x0, s4;
	[tilespmem:s24+$0x80] =	vst v46  }
0xea: {  	v48 =	vperm.xlane v21, v43;
	s4 =	sadd.s32 $0x10, s17;
	[tilespmem:s24+$0x0] =	vst v37  }
0xeb: {  	v49 =	vperm.xlane v22, v43;
	s6 =	sor.u32 $0x200, s4;
	[tilespmem:s24+$0x100] =	vst v47  }
0xec: {  	v50 =	vperm.xlane v23, v43;
	s10 =	sor.u32 $0x280, s4;
	[tilespmem:s6+$0x9900] =	vst v48  }
0xed: {  	v51 =	vperm.xlane v24, v43;
	s13 =	sor.u32 $0x300, s4;
	[tilespmem:s10+$0x9900] =	vst v49  }
0xee: {  	v52 =	vperm.xlane v25, v43;
	s4 =	sor.u32 $0x380, s4;
	[tilespmem:s13+$0x9900] =	vst v50  }
0xef: {  	v53 =	vperm.xlane v26, v43;
	s18 =	sor.u32 s1, s2;
	[tilespmem:s4+$0x9900] =	vst v51  }
0xf0: {  	v54 =	vperm.xlane v27, v43;
	s19 =	sor.u32 s1, s3;
	[tilespmem:s18+$0x0] =	vst v52  }
0xf1: {  	v55 =	vperm.xlane v28, v43;
	s20 =	sor.u32 s1, s7;
	[tilespmem:s19+$0x0] =	vst v53  }
0xf2: {  	v56 =	vperm.xlane v29, v43;
	s21 =	sor.u32 s1, s8;
	[tilespmem:s20+$0x0] =	vst v54  }
0xf3: {  	v57 =	vperm.xlane v30, v43;
	s22 =	sor.u32 s1, s11;
	[tilespmem:s21+$0x0] =	vst v55  }
0xf4: {  	v59 =	vperm.xlane v31, v43;
	s23 =	sor.u32 s1, s12;
	v58 =	vshrl.u32 v45, $0x1B;
	[tilespmem:s22+$0x0] =	vst v56  }
0xf5: {  	v34 =	vperm.xlane v32, v43;
	s24 =	sor.u32 s1, s14;
	v60 =	vand.u32 $0x10, v58;
	[tilespmem:s23+$0x0] =	vst v57  }
0xf6: {  	s5 =	simm.s32 $0x20;
	s1 =	sor.u32 s1, s15;
	v33 =	vadd.s32 v45, v60;
	[tilespmem:s24+$0x0] =	vst v59  }
0xf7: {  	v61 =	vperm.xlane v18, v33;
	[tilespmem:s1+$0x0] =	vst v34;
	s1 =	sand.u32 $0x60, s5  }
0xf8: {  	v63 =	vperm.xlane v20, v33;
	s4 =	sor.u32 s1, s0  }
0xf9: {  	s6 =	sand.u32 $0x3, s29;
	v40 =	vperm.xlane v19, v33;
	v62 =	vld [tilespmem:s16+$0x10];
	[tilespmem:s4+$0x80] =	vst v61  }
0xfa: {  	v41 =	vperm.xlane v17, v33;
	s5 =	sshll.u32 s6, $0x5;
	[tilespmem:s4+$0x180] =	vst v63  }
0xfb: {  	v42 =	vperm.xlane v21, v33;
	s5 =	sadd.s32 $0x20, s5;
	[tilespmem:s4+$0x100] =	vst v40  }
0xfc: {  	v43 =	vperm.xlane v22, v33;
	[tilespmem:s4+$0x0] =	vst v41;
	s10 =	sor.u32 $0x200, s5  }
0xfd: {  	v44 =	vperm.xlane v23, v33;
	s13 =	sor.u32 $0x280, s5;
	[tilespmem:s10+$0x9900] =	vst v42  }
0xfe: {  	v45 =	vperm.xlane v24, v33;
	s16 =	sor.u32 $0x300, s5;
	[tilespmem:s13+$0x9900] =	vst v43  }
0xff: {  	v46 =	vperm.xlane v25, v33;
	s18 =	sor.u32 $0x380, s5;
	[tilespmem:s16+$0x9900] =	vst v44  }
0x100: {  	v47 =	vperm.xlane v26, v33;
	s19 =	sor.u32 s1, s2;
	[tilespmem:s18+$0x9900] =	vst v45  }
0x101: {  	v48 =	vperm.xlane v27, v33;
	s20 =	sor.u32 s1, s3;
	[tilespmem:s19+$0x0] =	vst v46  }
0x102: {  	v49 =	vperm.xlane v28, v33;
	s21 =	sor.u32 s1, s7;
	[tilespmem:s20+$0x0] =	vst v47  }
0x103: {  	v50 =	vperm.xlane v29, v33;
	s22 =	sor.u32 s1, s8;
	[tilespmem:s21+$0x0] =	vst v48  }
0x104: {  	v51 =	vperm.xlane v30, v33;
	s23 =	sor.u32 s1, s11;
	v52 =	vshrl.u32 v62, $0x1B;
	[tilespmem:s22+$0x0] =	vst v49  }
0x105: {  	v53 =	vperm.xlane v31, v33;
	s24 =	sor.u32 s1, s12;
	v37 =	vand.u32 $0x10, v52;
	[tilespmem:s23+$0x0] =	vst v50  }
0x106: {  	v33 =	vperm.xlane v32, v33;
	s6 =	sor.u32 s1, s14;
	s10 =	simm.s32 $0x30;
	v35 =	vadd.s32 v62, v37;
	[tilespmem:s24+$0x0] =	vst v51  }
0x107: {  	s30 =	simm.s32 $0x40;
	s1 =	sor.u32 s1, s15;
	s4 =	sand.u32 $0x70, s10;
	v54 =	vperm.xlane v18, v35;
	[tilespmem:s6+$0x0] =	vst v53  }
0x108: {  	s13 =	smin.u32 s30, $0x7F0;
	s0 =	sor.u32 s4, s0;
	v55 =	vperm.xlane v20, v35;
	[tilespmem:s1+$0x0] =	vst v33  }
0x109: {  	v37 =	vperm.xlane v17, v35;
	v34 =	vld [tilespmem:s13+$0x1100];
	[tilespmem:s0+$0x80] =	vst v54  }
0x10a: {  	v56 =	vperm.xlane v19, v35;
	[tilespmem:s0+$0x180] =	vst v55  }
0x10b: {  	s16 =	sadd.s32 $0x30, s17;
	v57 =	vperm.xlane v21, v35;
	[tilespmem:s0+$0x0] =	vst v37  }
0x10c: {  	s17 =	sor.u32 $0x200, s16;
	v58 =	vperm.xlane v22, v35;
	[tilespmem:s0+$0x100] =	vst v56  }
0x10d: {  	s18 =	sor.u32 $0x280, s16;
	v59 =	vperm.xlane v23, v35;
	[tilespmem:s17+$0x9900] =	vst v57  }
0x10e: {  	s19 =	sor.u32 $0x300, s16;
	v60 =	vperm.xlane v24, v35;
	[tilespmem:s18+$0x9900] =	vst v58  }
0x10f: {  	s20 =	sor.u32 $0x380, s16;
	v61 =	vperm.xlane v25, v35;
	[tilespmem:s19+$0x9900] =	vst v59  }
0x110: {  	s31 =	simm.s32 $0x0;
	s21 =	sor.u32 s4, s2;
	v62 =	vperm.xlane v26, v35;
	[tilespmem:s20+$0x9900] =	vst v60  }
0x111: {  	p0 =	por !p0, !p0;
	s16 =	simm.s32 $0x2;
	v63 =	vperm.xlane v27, v35;
	s22 =	sor.u32 s4, s3;
	[tilespmem:s21+$0x0] =	vst v61  }
0x112: {  	v38 =	vperm.xlane v28, v35;
	s2 =	simm.s32 $0x1160;
	s3 =	simm.s32 $0x220;
	s23 =	sor.u32 s4, s7;
	[tilespmem:s22+$0x0] =	vst v62  }
0x113: {  	v36 =	vperm.xlane v30, v35;
	s7 =	sor.u32 s4, s14;
	s24 =	sor.u32 s4, s8;
	s8 =	sor.u32 s4, s15;
	v37 =	vperm.xlane v29, v35;
	[tilespmem:s23+$0x0] =	vst v63  }
0x114: {  	v33 =	vperm.xlane v32, v35;
	v35 =	vperm.xlane v31, v35;
	s0 =	simm.s32 $0x4;
	s17 =	sor.u32 s4, s11;
	s11 =	sor.u32 s4, s12;
	[tilespmem:s24+$0x0] =	vst v38  }
.LBB2_5:
0x115: {  	v38 =	vshrl.u32 v34, $0x1B;
	s31 =	sadd.s32 $0x4, s31;
	[tilespmem:s17+$0x0] =	vst v37;
	s30 =	sadd.s32 $0x40, s30;
	s29 =	sadd.s32 $0x200, s29  }
0x116: {  	v37 =	vand.u32 $0x10, v38;
	p1 =	slt.u32 s31, $0x7C;
	[tilespmem:s11+$0x0] =	vst v36;
	s1 =	sadd.s32 $0xFFFFFFC0, s30  }
0x117: {  	s4 =	sand.u32 $0x3C00, s29;
	v34 =	vadd.s32 v34, v37;
	[tilespmem:s7+$0x0] =	vst v35;
	s1 =	sand.u32 $0x40, s1  }
0x118: {  	s17 =	sadd.s32 $0x9900, s4;
	s14 =	sadd.s32 $0xD900, s4;
	s15 =	sadd.s32 $0xD980, s4;
	v35 =	vperm.xlane v19, v34;
	v36 =	vperm.xlane v20, v34;
	[tilespmem:s8+$0x0] =	vst v33  }
0x119: {  	s7 =	simm.s32 $0x1;
	v37 =	vperm.xlane v17, v34;
	s5 =	sor.u32 s1, s17;
	v38 =	vperm.xlane v18, v34;
	s6 =	sor.u32 s1, s14;
	v33 =	vld [tilespmem:s2+$0xFFFFFFF0]  }
0x11a: {  	s7 =	simm.s32 @!p0 $0x0;
	s10 =	sor.u32 s1, s15;
	s8 =	sadd.s32 $0xDA00, s4;
	[tilespmem:s5+$0x100] =	vst v35  }
0x11b: {  	s11 =	sadd.s32 $0xDA80, s4;
	s7 =	sshll.u32 s7, $0x6;
	s13 =	sor.u32 s1, s8;
	[tilespmem:s5+$0x0] =	vst v37  }
0x11c: {  	s20 =	sor.u32 s1, s11;
	s18 =	sadd.s32 s7, s29;
	v35 =	vperm.xlane v21, v34;
	s7 =	sadd.s32 $0xDB00, s4;
	[tilespmem:s5+$0x80] =	vst v38  }
0x11d: {  	s12 =	sadd.s32 $0xDB80, s4;
	s22 =	sor.u32 s1, s7;
	[tilespmem:s5+$0x180] =	vst v36;
	s5 =	sor.u32 $0x200, s18;
	v36 =	vperm.xlane v22, v34  }
0x11e: {  	s19 =	sadd.s32 $0xDC00, s4;
	s24 =	sor.u32 s1, s12;
	[tilespmem:s5+$0x9900] =	vst v35;
	s5 =	sor.u32 $0x280, s18;
	v35 =	vperm.xlane v23, v34;
	v37 =	vshrl.u32 v33, $0x1B  }
0x11f: {  	s23 =	sadd.s32 $0xDC80, s4;
	s21 =	sor.u32 s1, s19;
	[tilespmem:s5+$0x9900] =	vst v36;
	s5 =	sor.u32 $0x300, s18;
	v36 =	vperm.xlane v24, v34;
	v37 =	vand.u32 $0x10, v37  }
0x120: {  	s4 =	sor.u32 $0x380, s18;
	s1 =	sor.u32 s1, s23;
	[tilespmem:s5+$0x9900] =	vst v35;
	v35 =	vperm.xlane v25, v34;
	v33 =	vadd.s32 v33, v37  }
0x121: {  	[tilespmem:s4+$0x9900] =	vst v36;
	v36 =	vperm.xlane v26, v34  }
0x122: {  	[tilespmem:s6+$0x0] =	vst v35;
	v35 =	vperm.xlane v27, v34  }
0x123: {  	[tilespmem:s10+$0x0] =	vst v36;
	v36 =	vperm.xlane v28, v34  }
0x124: {  	[tilespmem:s13+$0x0] =	vst v35;
	v35 =	vperm.xlane v29, v34  }
0x125: {  	[tilespmem:s20+$0x0] =	vst v36;
	v36 =	vperm.xlane v30, v34  }
0x126: {  	[tilespmem:s22+$0x0] =	vst v35;
	v35 =	vperm.xlane v31, v34  }
0x127: {  	v34 =	vperm.xlane v32, v34;
	[tilespmem:s24+$0x0] =	vst v36  }
0x128: {  	s4 =	sadd.s32 $0xFFFFFFD0, s30;
	[tilespmem:s21+$0x0] =	vst v35  }
0x129: {  	s5 =	sand.u32 $0x7, s0;
	[tilespmem:s1+$0x0] =	vst v34;
	s1 =	sand.u32 $0x50, s4;
	v34 =	vperm.xlane v20, v33  }
0x12a: {  	v36 =	vperm.xlane v18, v33;
	v35 =	vld [tilespmem:s2+$0x0];
	s4 =	sor.u32 s1, s17;
	s6 =	sor.u32 s1, s15;
	s10 =	sor.u32 s1, s12  }
0x12b: {  	s5 =	sshll.u32 s5, $0x4;
	v37 =	vperm.xlane v17, v33;
	s13 =	sor.u32 s1, s8;
	s18 =	sor.u32 s1, s19;
	[tilespmem:s4+$0x180] =	vst v34  }
0x12c: {  	s24 =	sadd.s32 s5, s29;
	s5 =	sor.u32 s1, s14;
	s20 =	sor.u32 s1, s23;
	v34 =	vperm.xlane v19, v33;
	[tilespmem:s4+$0x80] =	vst v36  }
0x12d: {  	s21 =	sadd.s32 $0x10, s24;
	s22 =	sor.u32 s1, s11;
	s1 =	sor.u32 s1, s7;
	v36 =	vperm.xlane v21, v33;
	[tilespmem:s4+$0x0] =	vst v37  }
0x12e: {  	[tilespmem:s4+$0x100] =	vst v34;
	s4 =	sor.u32 $0x200, s21;
	v34 =	vperm.xlane v22, v33  }
0x12f: {  	[tilespmem:s4+$0x9900] =	vst v36;
	s4 =	sor.u32 $0x280, s21;
	v36 =	vperm.xlane v23, v33;
	v37 =	vshrl.u32 v35, $0x1B  }
0x130: {  	[tilespmem:s4+$0x9900] =	vst v34;
	s4 =	sor.u32 $0x300, s21;
	v34 =	vperm.xlane v24, v33;
	v37 =	vand.u32 $0x10, v37  }
0x131: {  	[tilespmem:s4+$0x9900] =	vst v36;
	s4 =	sor.u32 $0x380, s21;
	v36 =	vperm.xlane v25, v33;
	v35 =	vadd.s32 v35, v37  }
0x132: {  	[tilespmem:s4+$0x9900] =	vst v34;
	v34 =	vperm.xlane v26, v33  }
0x133: {  	[tilespmem:s5+$0x0] =	vst v36;
	v36 =	vperm.xlane v27, v33  }
0x134: {  	[tilespmem:s6+$0x0] =	vst v34;
	v34 =	vperm.xlane v28, v33  }
0x135: {  	[tilespmem:s13+$0x0] =	vst v36;
	v36 =	vperm.xlane v29, v33  }
0x136: {  	[tilespmem:s22+$0x0] =	vst v34;
	v34 =	vperm.xlane v30, v33  }
0x137: {  	[tilespmem:s1+$0x0] =	vst v36;
	v36 =	vperm.xlane v31, v33  }
0x138: {  	v33 =	vperm.xlane v32, v33;
	[tilespmem:s10+$0x0] =	vst v34  }
0x139: {  	s1 =	sadd.s32 $0xFFFFFFE0, s30;
	[tilespmem:s18+$0x0] =	vst v36  }
0x13a: {  	s1 =	sand.u32 $0x60, s1;
	[tilespmem:s20+$0x0] =	vst v33;
	v33 =	vperm.xlane v18, v35  }
0x13b: {  	s4 =	sor.u32 s1, s17;
	v36 =	vperm.xlane v20, v35;
	s5 =	sor.u32 s1, s14;
	s6 =	sor.u32 s1, s15;
	v34 =	vld [tilespmem:s2+$0x10]  }
0x13c: {  	s10 =	sand.u32 $0x3, s16;
	s13 =	sor.u32 s1, s8;
	s18 =	sor.u32 s1, s11;
	[tilespmem:s4+$0x80] =	vst v33;
	v33 =	vperm.xlane v19, v35  }
0x13d: {  	v37 =	vperm.xlane v17, v35;
	s10 =	sshll.u32 s10, $0x5;
	s21 =	sor.u32 s1, s12;
	s20 =	sor.u32 s1, s7;
	[tilespmem:s4+$0x180] =	vst v36  }
0x13e: {  	s22 =	sor.u32 s1, s19;
	s10 =	sadd.s32 s10, s3;
	s1 =	sor.u32 s1, s23;
	[tilespmem:s4+$0x100] =	vst v33;
	v33 =	vperm.xlane v21, v35  }
0x13f: {  	v36 =	vperm.xlane v22, v35;
	[tilespmem:s4+$0x0] =	vst v37;
	s4 =	sor.u32 $0x200, s10  }
0x140: {  	[tilespmem:s4+$0x9900] =	vst v33;
	s4 =	sor.u32 $0x280, s10;
	v33 =	vperm.xlane v23, v35;
	v37 =	vshrl.u32 v34, $0x1B  }
0x141: {  	[tilespmem:s4+$0x9900] =	vst v36;
	s4 =	sor.u32 $0x300, s10;
	v36 =	vperm.xlane v24, v35;
	v37 =	vand.u32 $0x10, v37  }
0x142: {  	v38 =	vperm.xlane v25, v35;
	[tilespmem:s4+$0x9900] =	vst v33;
	s4 =	sor.u32 $0x380, s10;
	v39 =	vadd.s32 v34, v37  }
0x143: {  	v34 =	vperm.xlane v26, v35;
	[tilespmem:s4+$0x9900] =	vst v36;
	v33 =	vperm.xlane v32, v39  }
0x144: {  	v36 =	vperm.xlane v27, v35;
	[tilespmem:s5+$0x0] =	vst v38  }
0x145: {  	[tilespmem:s6+$0x0] =	vst v34;
	v34 =	vperm.xlane v28, v35  }
0x146: {  	[tilespmem:s13+$0x0] =	vst v36;
	v36 =	vperm.xlane v29, v35  }
0x147: {  	[tilespmem:s18+$0x0] =	vst v34;
	v34 =	vperm.xlane v30, v35  }
0x148: {  	[tilespmem:s20+$0x0] =	vst v36;
	v36 =	vperm.xlane v31, v35  }
0x149: {  	[tilespmem:s21+$0x0] =	vst v34;
	v34 =	vperm.xlane v32, v35  }
0x14a: {  	s4 =	sadd.s32 $0xFFFFFFF0, s30;
	[tilespmem:s22+$0x0] =	vst v36  }
0x14b: {  	s4 =	sand.u32 $0x70, s4;
	v35 =	vperm.xlane v18, v39;
	[tilespmem:s1+$0x0] =	vst v34;
	s1 =	smin.u32 s30, $0x7F0  }
0x14c: {  	s5 =	sor.u32 s4, s14;
	s6 =	sor.u32 s4, s15;
	v36 =	vperm.xlane v20, v39;
	v34 =	vld [tilespmem:s1+$0x1100];
	s1 =	sor.u32 s4, s17  }
0x14d: {  	v37 =	vperm.xlane v17, v39;
	s10 =	sor.u32 s4, s8;
	s13 =	sor.u32 s4, s11;
	s17 =	sor.u32 s4, s7;
	[tilespmem:s1+$0x80] =	vst v35;
	v35 =	vperm.xlane v19, v39  }
0x14e: {  	s14 =	sadd.s32 $0x30, s24;
	s11 =	sor.u32 s4, s12;
	s7 =	sor.u32 s4, s19;
	[tilespmem:s1+$0x180] =	vst v36;
	v36 =	vperm.xlane v21, v39  }
0x14f: {  	s8 =	sor.u32 s4, s23;
	s12 =	sor.u32 $0x200, s14;
	[tilespmem:s1+$0x0] =	vst v37;
	v37 =	vperm.xlane v22, v39  }
0x150: {  	[tilespmem:s1+$0x100] =	vst v35;
	s1 =	sor.u32 $0x280, s14;
	v35 =	vperm.xlane v23, v39  }
0x151: {  	s4 =	sor.u32 $0x300, s14;
	[tilespmem:s12+$0x9900] =	vst v36;
	v36 =	vperm.xlane v24, v39  }
0x152: {  	[tilespmem:s1+$0x9900] =	vst v37;
	s1 =	sor.u32 $0x380, s14;
	v37 =	vperm.xlane v25, v39  }
0x153: {  	[tilespmem:s4+$0x9900] =	vst v35;
	v35 =	vperm.xlane v26, v39  }
.Ltmp1:
0x154: {  	[tilespmem:s1+$0x9900] =	vst v36;
	v36 =	vperm.xlane v27, v39;
	(pc) =	sbr.rel @p1 .LBB2_5-.Ltmp1, $4  }
0x155: {  	v38 =	vperm.xlane v28, v39;
	[tilespmem:s5+$0x0] =	vst v37  }
0x156: {  	v37 =	vperm.xlane v29, v39;
	[tilespmem:s6+$0x0] =	vst v35  }
0x157: {  	p0 =	por !p0, !p0;
	s2 =	sadd.s32 $0x40, s2;
	[tilespmem:s10+$0x0] =	vst v36;
	v36 =	vperm.xlane v30, v39  }
0x158: {  	s0 =	sadd.s32 $0x4, s0;
	s16 =	sadd.s32 $0x2, s16;
	s3 =	sadd.s32 $0x200, s3;
	v35 =	vperm.xlane v31, v39;
	[tilespmem:s13+$0x0] =	vst v38  }
0x159: {  	s0 =	sadd.s32 $0x3, s26;
	s1 =	rddreg [dreg:$0x7]  }
0x15a: {  	p0 =	sge.u32 s0, s1  }
0x15b: {  	[tilespmem:s17+$0x0] =	vst v37;
	s1 =	sshll.u32 @!p0 s0, $0x4  }
0x15c: {  	s25 =	sadd.s32 $0x1, s25;
	[tilespmem:s11+$0x0] =	vst v36;
	s0 =	sshll.u32 @!p0 s0, $0x8;
	s1 =	sand.u32 @!p0 $0x70, s1  }
0x15d: {  	[tilespmem:s7+$0x0] =	vst v35;
	s2 =	simm.s32 @!p0 $0x400;
	s0 =	sand.u32 @!p0 $0xFFFF800, s0;
	s1 =	sadd.s32 @!p0 s9, s1  }
0x15e: {  	s3 =	simm.s32 @!p0 $0x1100;
	[tilespmem:s8+$0x0] =	vst v33;
	s0 =	sadd.s32 @!p0 s0, s1;
	s1 =	simm.s32 @!p0 $0x80  }
0x15f: {  	[tilespmem:s3], [sflag:$0x4] =	stream.strided.gather @!p0 [hbm4b:s0+s1], $0x800, s2, s1, $0x38;
	[tilespmem:$0x11900] =	vst v63  }
0x160: {  	p0 =	sne.s32 s25, $0x20  }
.Ltmp2:
0x161: {  	_ = 	snop;
	(pc) =	sbr.rel @p0 .LBB2_2-.Ltmp2, $4  }
0x162: {  	_ = 	snop  }
0x163: {  	s21 =	smov.u32 s9;
	s29 =	rddreg [dreg:$0x8]  }
0x164: {  	s30 =	simm.s32 $0x0;
	s31 =	simm.s32 $0x9900;
	s0 =	sadd.s32 s28, s29  }
0x165: {  	[hbm4b:s0+s30] =	stream.linear.scatter [tilespmem:s31], [sflag:$0x2], $0x8000, $0x38;
	[tilespmem:$0x11900] =	vst v63  }
0x166: {  	s0 =	simm.s32 $0x1  }
0x167: {  	_ =	swait.ge [sflag:s0], $0x8000  }
0x168: {  	[sflag:s0] =	ssyncset.done $0x0  }
0x169: {  	s1 =	simm.s32 $0x2;
	[sflag:s0] =	ssyncadd.s32 $0xFFFF8000  }
0x16a: {  	_ =	swait.ge [sflag:s1], $0x8000  }
0x16b: {  	s2 =	rddreg [dreg:$0xa]  }
0x16c: {  	s31 =	rddreg [dreg:$0x9];
	s2 =	sadd.s32 $0x1, s2  }
0x16d: {  	p0 =	sne.s32 s2, s31  }
.Ltmp3:
0x16e: {  	_ = 	snop;
	(pc) =	sbr.rel @p0 .LBB2_1-.Ltmp3, $3  }
0x16f: {  	_ =	sdelay $0x1  }
0x170: {  	[sflag:s1] =	ssyncset.done $0x0  }
0x171: {  	[sflag:s1] =	ssyncadd.s32 $0xFFFF8000  }
0x172: {  	_ =	sfence.sel $0x180000  }
0x173: {  	[bflag:$0x0] =	sbarrier.arrive $0xFFFF  }
0x174: {  	_ =	strace $0x90000047  }
0x175: {  	s0 =	stileid.u32;
	[bflag:$0x2] =	sbarrier.arrive $0xFFFF  }
0x176: {  	p0 =	sne.s32 s0, $0x0;
	s0 =	rddreg [dreg:$0x3]  }
0x177: {  	s0 =	sadd.s32 @!p0 $0x100000, s0  }
0x178: {  	[sflag:s0] =	ssyncadd.tile.s32 @!p0 $0x1;
	_ =	shalt  }
.Lfunc_end2:
_tile_overlayer_lowered:
.L_overlay_start_2:
0x179: {  	(tag) =	ssettag $0x2  }
0x17a: {  	s0 =	rddreg [dreg:$0x0];
	s2 =	stileid.u32  }
0x17b: {  	s1 =	rddreg [dreg:$0x1];
	p0 =	sne.s32 s2, $0x0  }
0x17c: {  	s3 =	rddreg [dreg:$0x2];
	[bflag:$0x3] =	sbarrier.arrive $0xFFFF;
	s2 =	simm.s32 @!p0 $0x1C05  }
0x17d: {  	[timem:s3], [sflag:s2] =	dma.local @!p0 [hbm:s0], s1  }
0x17e: {  	s0 =	simm.s32 @!p0 $0x5  }
0x17f: {  	_ =	swait.ge @!p0 [sflag:s0], s1  }
0x180: {  	s1 =	ssub.s32 @!p0 $0x0, s1;
	[sflag:s0] =	ssyncset.done @!p0 $0x0  }
0x181: {  	[sflag:s0] =	ssyncadd.s32 @!p0 s1  }
0x182: {  	[bflag:$0x3] =	sbarrier.arrive $0xFFFF  }
0x183: {  	_ =	shalt  }

</sc_bundles>
